<compile_context>
chip_gen: v7x
topology: tpu7x:2x2x1
jax: 0.10.2.dev20260603
libtpu: 0.0.44.dev20260713+nightly
codegen_flags: <defaults>
</compile_context>

<pallas_src>
import jax
import jax.numpy as jnp
from jax import lax
from jax.experimental import pallas as pl
from jax.experimental.pallas import tpu as pltpu
from jax.experimental.pallas import tpu_sc as plsc

N, S = 1024, 8192
L = 16
NC, NS = 2, 16
NW = NC * NS
ROWS_PER_W = N // NW
NBUF = 2
NSEG = 4
SEG = S // NSEG
UNROLL = 4
SEG_GROUPS = SEG // (UNROLL * L)

_GDN = lax.GatherDimensionNumbers(
    offset_dims=(), collapsed_slice_dims=(0,), start_index_map=(0,))


def _gather16(v, idx):
    return lax.gather(v, idx[:, None], _GDN, slice_sizes=(1,),
                      mode=lax.GatherScatterMode.PROMISE_IN_BOUNDS)


def _ffill_body(attn_hbm, mask_hbm, out_hbm, attn_v, mask_v, out_v,
                in_sem0, in_sem1, out_sem0, out_sem1):
    wid = lax.axis_index("s") * NC + lax.axis_index("c")
    base = wid * ROWS_PER_W
    lane = lax.iota(jnp.int32, L)
    last_splat = jnp.full((L,), L - 1, jnp.int32)
    in_sems = (in_sem0, in_sem1)
    out_sems = (out_sem0, out_sem1)

    def start_in(b, r):
        pltpu.async_copy(attn_hbm.at[r], attn_v.at[pl.ds(b * S, S)],
                         in_sems[b])
        pltpu.async_copy(mask_hbm.at[r], mask_v.at[pl.ds(b * SEG, SEG)],
                         in_sems[b])

    def wait_in(b):
        pltpu.make_async_copy(attn_hbm.at[0], attn_v.at[pl.ds(b * S, S)],
                              in_sems[b]).wait()
        pltpu.make_async_copy(mask_hbm.at[0], mask_v.at[pl.ds(b * SEG, SEG)],
                              in_sems[b]).wait()

    for b in range(NBUF):
        start_in(b, base + b)

    def do_pair(g, _):
        for b in range(NBUF):
            r = base + g * NBUF + b
            wait_in(b)

            @pl.when(g > 0)
            def _():
                pltpu.make_async_copy(out_hbm.at[0],
                                      out_v.at[pl.ds(b * S, S)],
                                      out_sems[b]).wait()

            carry = jnp.zeros((L,), jnp.float32)
            for seg in range(NSEG):
                def group(q, carry, _seg=seg):
                    for j in range(UNROLL):
                        t = (q * UNROLL + j) * L
                        off = b * S + _seg * SEG + t
                        a = attn_v[pl.ds(off, L)]
                        w = mask_v[pl.ds(b * SEG + t, L)]
                        dry = ((w >> (8 * _seg)) & 1) == 0
                        didx = jnp.where(dry, lane, jnp.int32(-1))
                        mx = plsc.cummax(didx)
                        gval = _gather16(a, jnp.maximum(mx, 0))
                        res = jnp.where(mx >= 0, gval, carry)
                        out_v[pl.ds(off, L)] = res
                        carry = _gather16(res, last_splat)
                    return carry

                carry = lax.fori_loop(0, SEG_GROUPS, group, carry)

            pltpu.async_copy(out_v.at[pl.ds(b * S, S)], out_hbm.at[r],
                             out_sems[b])

            @pl.when(g + 1 < ROWS_PER_W // NBUF)
            def _():
                start_in(b, r + NBUF)
        return 0

    lax.fori_loop(0, ROWS_PER_W // NBUF, do_pair, 0)
    for b in range(NBUF):
        pltpu.make_async_copy(out_hbm.at[0], out_v.at[pl.ds(b * S, S)],
                              out_sems[b]).wait()


def kernel(input_attenuation, input_wet_dry):
    wd = input_wet_dry
    packed = (wd[:, 0 * SEG:1 * SEG].astype(jnp.int32)
              | (wd[:, 1 * SEG:2 * SEG].astype(jnp.int32) << 8)
              | (wd[:, 2 * SEG:3 * SEG].astype(jnp.int32) << 16)
              | (wd[:, 3 * SEG:4 * SEG].astype(jnp.int32) << 24))
    packed = jnp.where(lax.iota(jnp.int32, SEG)[None, :] > 0, packed,
                       packed & ~jnp.int32(1))
    mesh = plsc.VectorSubcoreMesh(core_axis_name="c", subcore_axis_name="s")
    f = pl.kernel(
        _ffill_body,
        mesh=mesh,
        compiler_params=pltpu.CompilerParams(needs_layout_passes=False),
        out_type=jax.ShapeDtypeStruct((N, S), jnp.float32),
        scratch_types=[
            pltpu.VMEM((NBUF * S,), jnp.float32),
            pltpu.VMEM((NBUF * SEG,), jnp.int32),
            pltpu.VMEM((NBUF * S,), jnp.float32),
            pltpu.SemaphoreType.DMA,
            pltpu.SemaphoreType.DMA,
            pltpu.SemaphoreType.DMA,
            pltpu.SemaphoreType.DMA,
        ],
    )
    return f(input_attenuation, packed)

# --- scband reference (transcript-rebuilt; emitter-appended) ---
"""Pipeline reference for scband-constant-base-line-29592324669772 (READ-ONLY COPY).

The authoritative reference and input builder live on the scoring server;
editing this copy changes nothing except your own understanding.
"""

import jax, jax.numpy as jnp
import numpy as np


def setup_inputs(seed: int = 0) -> dict:
    key = jax.random.key(seed)
    k1, k2 = jax.random.split(key)
    input_attenuation = jax.random.normal(k1, (1024, 8192), dtype=jnp.float32)
    input_wet_dry = jax.random.bernoulli(k2, 0.5, (1024, 8192))
    return {"input_attenuation": input_attenuation, "input_wet_dry": input_wet_dry}


def reference(input_attenuation, input_wet_dry):
    # baseline[b, i] = attenuation[b, j] where j is the last index <= i with
    # wet_dry[b, j] == False; if no such j exists (all wet so far), j = 0,
    # matching the torch loop where baseline[0] = attenuation[0] always and
    # baseline[i] = baseline[i-1] whenever wet_dry[i] is True.
    N, S = input_attenuation.shape
    ar = jnp.arange(S, dtype=jnp.int32)
    dry_idx = jnp.where(~input_wet_dry, ar[None, :], jnp.int32(-1))
    last_dry = jax.lax.cummax(dry_idx, axis=1)
    last_dry = jnp.maximum(last_dry, 0)
    baseline = jnp.take_along_axis(input_attenuation, last_dry, axis=1)
    return baseline

if __name__ == "__main__":
    import jax
    _d = setup_inputs()
    print(jax.jit(kernel)(*tuple(_d.values())))

</pallas_src>

<mosaic_0001>
#map = affine_map<(d0, d1) -> (0, 0)>
module attributes {stable_mosaic.version = 14 : i64} {
  func.func @_ffill_body(%arg0: i32, %arg1: i32, %arg2: memref<1024x8192xf32, #tpu.memory_space<hbm>>, %arg3: memref<1024x2048xi32, #tpu.memory_space<hbm>>, %arg4: memref<1024x8192xf32, #tpu.memory_space<hbm>>, %arg5: memref<16384xf32, #tpu.memory_space<vmem>>, %arg6: memref<4096xi32, #tpu.memory_space<vmem>>, %arg7: memref<16384xf32, #tpu.memory_space<vmem>>, %arg8: memref<!tpu.dma_semaphore, #tpu.memory_space<semaphore_mem>>, %arg9: memref<!tpu.dma_semaphore, #tpu.memory_space<semaphore_mem>>, %arg10: memref<!tpu.dma_semaphore, #tpu.memory_space<semaphore_mem>>, %arg11: memref<!tpu.dma_semaphore, #tpu.memory_space<semaphore_mem>>) attributes {dimension_semantics = [#tpu.dimension_semantics<core_parallel>, #tpu.dimension_semantics<subcore_parallel>], iteration_bounds = array<i64: 2, 16>, scalar_prefetch = 0 : i64, scratch_operands = 7 : i64, tpu.core_type = #tpu.core_type<sc_vector_subcore>, window_params = [{transform_indices = #map}, {transform_indices = #map}, {transform_indices = #map}]} {
    %mul3A = arith.constant 2 : i32
    %mul3A_0 = arith.muli %arg1, %mul3A : i32
    %add3A = arith.addi %mul3A_0, %arg0 : i32
    %mul3A_1 = arith.constant 32 : i32
    %mul3A_2 = arith.muli %add3A, %mul3A_1 : i32
    %iota3A = tpu.iota {dimensions = array<i32: 0>} : vector<16xi32>
    %broadcast_in_dim3A = arith.constant 15 : i32
    %broadcast_in_dim3A_3 = vector.broadcast %broadcast_in_dim3A : i32 to vector<16xi32>
    %add3A_4 = arith.constant 0 : i32
    %add3A_5 = arith.addi %mul3A_2, %add3A_4 : i32
    %dma_start3A = arith.constant 0 : i32
    %dma_start3A_6 = tpu.memref_slice %arg5[%dma_start3A] : memref<16384xf32, #tpu.memory_space<vmem>> -> memref<8192xf32, #tpu.memory_space<vmem>>
    %dma_start3A_7 = arith.constant 0 : i32
    %dma_start3A_8 = tpu.memref_slice %arg2[%add3A_5, %dma_start3A_7] : memref<1024x8192xf32, #tpu.memory_space<hbm>> -> memref<1x8192xf32, #tpu.memory_space<hbm>>
    %dma_start3A_9 = tpu.memref_squeeze %dma_start3A_8 : memref<1x8192xf32, #tpu.memory_space<hbm>> -> memref<8192xf32, #tpu.memory_space<hbm>>
    %dma_start3A_10 = arith.constant 0 : i32
    %dma_start3A_11 = tpu.memref_slice %arg5[%dma_start3A_10] : memref<16384xf32, #tpu.memory_space<vmem>> -> memref<8192xf32, #tpu.memory_space<vmem>>
    %dma_start3A_12 = arith.constant 0 : i32
    %dma_start3A_13 = tpu.memref_slice %arg2[%add3A_5, %dma_start3A_12] : memref<1024x8192xf32, #tpu.memory_space<hbm>> -> memref<1x8192xf32, #tpu.memory_space<hbm>>
    %dma_start3A_14 = tpu.memref_squeeze %dma_start3A_13 : memref<1x8192xf32, #tpu.memory_space<hbm>> -> memref<8192xf32, #tpu.memory_space<hbm>>
    tpu.enqueue_dma source(%dma_start3A_14 : memref<8192xf32, #tpu.memory_space<hbm>>) target(%dma_start3A_11 : memref<8192xf32, #tpu.memory_space<vmem>>) target_semaphore(%arg8 : memref<!tpu.dma_semaphore, #tpu.memory_space<semaphore_mem>>)
    %dma_start3A_15 = arith.constant 0 : i32
    %dma_start3A_16 = tpu.memref_slice %arg6[%dma_start3A_15] : memref<4096xi32, #tpu.memory_space<vmem>> -> memref<2048xi32, #tpu.memory_space<vmem>>
    %dma_start3A_17 = arith.constant 0 : i32
    %dma_start3A_18 = tpu.memref_slice %arg3[%add3A_5, %dma_start3A_17] : memref<1024x2048xi32, #tpu.memory_space<hbm>> -> memref<1x2048xi32, #tpu.memory_space<hbm>>
    %dma_start3A_19 = tpu.memref_squeeze %dma_start3A_18 : memref<1x2048xi32, #tpu.memory_space<hbm>> -> memref<2048xi32, #tpu.memory_space<hbm>>
    %dma_start3A_20 = arith.constant 0 : i32
    %dma_start3A_21 = tpu.memref_slice %arg6[%dma_start3A_20] : memref<4096xi32, #tpu.memory_space<vmem>> -> memref<2048xi32, #tpu.memory_space<vmem>>
    %dma_start3A_22 = arith.constant 0 : i32
    %dma_start3A_23 = tpu.memref_slice %arg3[%add3A_5, %dma_start3A_22] : memref<1024x2048xi32, #tpu.memory_space<hbm>> -> memref<1x2048xi32, #tpu.memory_space<hbm>>
    %dma_start3A_24 = tpu.memref_squeeze %dma_start3A_23 : memref<1x2048xi32, #tpu.memory_space<hbm>> -> memref<2048xi32, #tpu.memory_space<hbm>>
    tpu.enqueue_dma source(%dma_start3A_24 : memref<2048xi32, #tpu.memory_space<hbm>>) target(%dma_start3A_21 : memref<2048xi32, #tpu.memory_space<vmem>>) target_semaphore(%arg8 : memref<!tpu.dma_semaphore, #tpu.memory_space<semaphore_mem>>)
    %add3A_25 = arith.constant 1 : i32
    %add3A_26 = arith.addi %mul3A_2, %add3A_25 : i32
    %dma_start3A_27 = arith.constant 8192 : i32
    %dma_start3A_28 = tpu.memref_slice %arg5[%dma_start3A_27] : memref<16384xf32, #tpu.memory_space<vmem>> -> memref<8192xf32, #tpu.memory_space<vmem>>
    %dma_start3A_29 = arith.constant 0 : i32
    %dma_start3A_30 = tpu.memref_slice %arg2[%add3A_26, %dma_start3A_29] : memref<1024x8192xf32, #tpu.memory_space<hbm>> -> memref<1x8192xf32, #tpu.memory_space<hbm>>
    %dma_start3A_31 = tpu.memref_squeeze %dma_start3A_30 : memref<1x8192xf32, #tpu.memory_space<hbm>> -> memref<8192xf32, #tpu.memory_space<hbm>>
    %dma_start3A_32 = arith.constant 8192 : i32
    %dma_start3A_33 = tpu.memref_slice %arg5[%dma_start3A_32] : memref<16384xf32, #tpu.memory_space<vmem>> -> memref<8192xf32, #tpu.memory_space<vmem>>
    %dma_start3A_34 = arith.constant 0 : i32
    %dma_start3A_35 = tpu.memref_slice %arg2[%add3A_26, %dma_start3A_34] : memref<1024x8192xf32, #tpu.memory_space<hbm>> -> memref<1x8192xf32, #tpu.memory_space<hbm>>
    %dma_start3A_36 = tpu.memref_squeeze %dma_start3A_35 : memref<1x8192xf32, #tpu.memory_space<hbm>> -> memref<8192xf32, #tpu.memory_space<hbm>>
    tpu.enqueue_dma source(%dma_start3A_36 : memref<8192xf32, #tpu.memory_space<hbm>>) target(%dma_start3A_33 : memref<8192xf32, #tpu.memory_space<vmem>>) target_semaphore(%arg9 : memref<!tpu.dma_semaphore, #tpu.memory_space<semaphore_mem>>)
    %dma_start3A_37 = arith.constant 2048 : i32
    %dma_start3A_38 = tpu.memref_slice %arg6[%dma_start3A_37] : memref<4096xi32, #tpu.memory_space<vmem>> -> memref<2048xi32, #tpu.memory_space<vmem>>
    %dma_start3A_39 = arith.constant 0 : i32
    %dma_start3A_40 = tpu.memref_slice %arg3[%add3A_26, %dma_start3A_39] : memref<1024x2048xi32, #tpu.memory_space<hbm>> -> memref<1x2048xi32, #tpu.memory_space<hbm>>
    %dma_start3A_41 = tpu.memref_squeeze %dma_start3A_40 : memref<1x2048xi32, #tpu.memory_space<hbm>> -> memref<2048xi32, #tpu.memory_space<hbm>>
    %dma_start3A_42 = arith.constant 2048 : i32
    %dma_start3A_43 = tpu.memref_slice %arg6[%dma_start3A_42] : memref<4096xi32, #tpu.memory_space<vmem>> -> memref<2048xi32, #tpu.memory_space<vmem>>
    %dma_start3A_44 = arith.constant 0 : i32
    %dma_start3A_45 = tpu.memref_slice %arg3[%add3A_26, %dma_start3A_44] : memref<1024x2048xi32, #tpu.memory_space<hbm>> -> memref<1x2048xi32, #tpu.memory_space<hbm>>
    %dma_start3A_46 = tpu.memref_squeeze %dma_start3A_45 : memref<1x2048xi32, #tpu.memory_space<hbm>> -> memref<2048xi32, #tpu.memory_space<hbm>>
    tpu.enqueue_dma source(%dma_start3A_46 : memref<2048xi32, #tpu.memory_space<hbm>>) target(%dma_start3A_43 : memref<2048xi32, #tpu.memory_space<vmem>>) target_semaphore(%arg9 : memref<!tpu.dma_semaphore, #tpu.memory_space<semaphore_mem>>)
    %scan3A = arith.constant 0 : i32
    %scan3A_47 = arith.constant 0 : i32
    %scan3A_48 = arith.constant 16 : i32
    %scan3A_49 = arith.addi %scan3A_47, %scan3A_48 : i32
    %scan3A_50 = arith.constant 1 : i32
    %scan3A_51 = scf.for %scan3A_74 = %scan3A_47 to %scan3A_49 step %scan3A_50 iter_args(%scan3A_75 = %scan3A) -> (i32)  : i32 {
      %mul3A_76 = arith.constant 2 : i32
      %mul3A_77 = arith.muli %scan3A_74, %mul3A_76 : i32
      %add3A_78 = arith.addi %mul3A_2, %mul3A_77 : i32
      %add3A_79 = arith.constant 0 : i32
      %add3A_80 = arith.addi %add3A_78, %add3A_79 : i32
      %dma_wait3A_81 = arith.constant 0 : i32
      %dma_wait3A_82 = arith.constant 0 : i32
      %dma_wait3A_83 = tpu.memref_slice %arg5[%dma_wait3A_82] : memref<16384xf32, #tpu.memory_space<vmem>> -> memref<8192xf32, #tpu.memory_space<vmem>>
      %dma_wait3A_84 = arith.constant 0 : i32
      %dma_wait3A_85 = tpu.memref_slice %arg2[%dma_wait3A_81, %dma_wait3A_84] : memref<1024x8192xf32, #tpu.memory_space<hbm>> -> memref<1x8192xf32, #tpu.memory_space<hbm>>
      %dma_wait3A_86 = tpu.memref_squeeze %dma_wait3A_85 : memref<1x8192xf32, #tpu.memory_space<hbm>> -> memref<8192xf32, #tpu.memory_space<hbm>>
      %dma_wait3A_87 = arith.constant 0 : i32
      %dma_wait3A_88 = tpu.memref_slice %arg5[%dma_wait3A_87] : memref<16384xf32, #tpu.memory_space<vmem>> -> memref<8192xf32, #tpu.memory_space<vmem>>
      %dma_wait3A_89 = arith.constant 0 : i32
      %dma_wait3A_90 = tpu.memref_slice %arg2[%dma_wait3A_81, %dma_wait3A_89] : memref<1024x8192xf32, #tpu.memory_space<hbm>> -> memref<1x8192xf32, #tpu.memory_space<hbm>>
      %dma_wait3A_91 = tpu.memref_squeeze %dma_wait3A_90 : memref<1x8192xf32, #tpu.memory_space<hbm>> -> memref<8192xf32, #tpu.memory_space<hbm>>
      tpu.wait_dma2 semaphore(%arg8 : memref<!tpu.dma_semaphore, #tpu.memory_space<semaphore_mem>>) src(%dma_wait3A_91 : memref<8192xf32, #tpu.memory_space<hbm>>) dst(%dma_wait3A_88 : memref<8192xf32, #tpu.memory_space<vmem>>)
      %dma_wait3A_92 = arith.constant 0 : i32
      %dma_wait3A_93 = arith.constant 0 : i32
      %dma_wait3A_94 = tpu.memref_slice %arg6[%dma_wait3A_93] : memref<4096xi32, #tpu.memory_space<vmem>> -> memref<2048xi32, #tpu.memory_space<vmem>>
      %dma_wait3A_95 = arith.constant 0 : i32
      %dma_wait3A_96 = tpu.memref_slice %arg3[%dma_wait3A_92, %dma_wait3A_95] : memref<1024x2048xi32, #tpu.memory_space<hbm>> -> memref<1x2048xi32, #tpu.memory_space<hbm>>
      %dma_wait3A_97 = tpu.memref_squeeze %dma_wait3A_96 : memref<1x2048xi32, #tpu.memory_space<hbm>> -> memref<2048xi32, #tpu.memory_space<hbm>>
      %dma_wait3A_98 = arith.constant 0 : i32
      %dma_wait3A_99 = tpu.memref_slice %arg6[%dma_wait3A_98] : memref<4096xi32, #tpu.memory_space<vmem>> -> memref<2048xi32, #tpu.memory_space<vmem>>
      %dma_wait3A_100 = arith.constant 0 : i32
      %dma_wait3A_101 = tpu.memref_slice %arg3[%dma_wait3A_92, %dma_wait3A_100] : memref<1024x2048xi32, #tpu.memory_space<hbm>> -> memref<1x2048xi32, #tpu.memory_space<hbm>>
      %dma_wait3A_102 = tpu.memref_squeeze %dma_wait3A_101 : memref<1x2048xi32, #tpu.memory_space<hbm>> -> memref<2048xi32, #tpu.memory_space<hbm>>
      tpu.wait_dma2 semaphore(%arg8 : memref<!tpu.dma_semaphore, #tpu.memory_space<semaphore_mem>>) src(%dma_wait3A_102 : memref<2048xi32, #tpu.memory_space<hbm>>) dst(%dma_wait3A_99 : memref<2048xi32, #tpu.memory_space<vmem>>)
      %gt3A = arith.constant 0 : i32
      %gt3A_103 = arith.cmpi sgt, %scan3A_74, %gt3A : i32
      %convert_element_type3A = arith.extui %gt3A_103 : i1 to i32
      %cond3A = arith.constant 0 : i32
      %cond3A_104 = arith.cmpi ne, %convert_element_type3A, %cond3A : i32
      scf.if %cond3A_104 {
        %dma_wait3A_223 = arith.constant 0 : i32
        %dma_wait3A_224 = arith.constant 0 : i32
        %dma_wait3A_225 = tpu.memref_slice %arg7[%dma_wait3A_224] : memref<16384xf32, #tpu.memory_space<vmem>> -> memref<8192xf32, #tpu.memory_space<vmem>>
        %dma_wait3A_226 = arith.constant 0 : i32
        %dma_wait3A_227 = tpu.memref_slice %arg4[%dma_wait3A_223, %dma_wait3A_226] : memref<1024x8192xf32, #tpu.memory_space<hbm>> -> memref<1x8192xf32, #tpu.memory_space<hbm>>
        %dma_wait3A_228 = tpu.memref_squeeze %dma_wait3A_227 : memref<1x8192xf32, #tpu.memory_space<hbm>> -> memref<8192xf32, #tpu.memory_space<hbm>>
        %dma_wait3A_229 = arith.constant 0 : i32
        %dma_wait3A_230 = tpu.memref_slice %arg7[%dma_wait3A_229] : memref<16384xf32, #tpu.memory_space<vmem>> -> memref<8192xf32, #tpu.memory_space<vmem>>
        %dma_wait3A_231 = arith.constant 0 : i32
        %dma_wait3A_232 = tpu.memref_slice %arg4[%dma_wait3A_223, %dma_wait3A_231] : memref<1024x8192xf32, #tpu.memory_space<hbm>> -> memref<1x8192xf32, #tpu.memory_space<hbm>>
        %dma_wait3A_233 = tpu.memref_squeeze %dma_wait3A_232 : memref<1x8192xf32, #tpu.memory_space<hbm>> -> memref<8192xf32, #tpu.memory_space<hbm>>
        tpu.wait_dma2 semaphore(%arg10 : memref<!tpu.dma_semaphore, #tpu.memory_space<semaphore_mem>>) src(%dma_wait3A_233 : memref<8192xf32, #tpu.memory_space<hbm>>) dst(%dma_wait3A_230 : memref<8192xf32, #tpu.memory_space<vmem>>)
      } else {
      }
      %broadcast_in_dim3A_105 = arith.constant 0.000000e+00 : f32
      %broadcast_in_dim3A_106 = vector.broadcast %broadcast_in_dim3A_105 : f32 to vector<16xf32>
      %scan3A_107 = arith.constant 0 : i32
      %scan3A_108 = arith.constant 32 : i32
      %scan3A_109 = arith.addi %scan3A_107, %scan3A_108 : i32
      %scan3A_110 = arith.constant 1 : i32
      %scan3A_111 = scf.for %scan3A_223 = %scan3A_107 to %scan3A_109 step %scan3A_110 iter_args(%scan3A_224 = %broadcast_in_dim3A_106) -> (vector<16xf32>)  : i32 {
        %mul3A_225 = arith.constant 4 : i32
        %mul3A_226 = arith.muli %scan3A_223, %mul3A_225 : i32
        %add3A_227 = arith.constant 0 : i32
        %add3A_228 = arith.addi %mul3A_226, %add3A_227 : i32
        %mul3A_229 = arith.constant 16 : i32
        %mul3A_230 = arith.muli %add3A_228, %mul3A_229 : i32
        %add3A_231 = arith.constant 0 : i32
        %add3A_232 = arith.addi %add3A_231, %mul3A_230 : i32
        %get3A = arith.index_cast %add3A_232 : i32 to index
        %get3A_233 = tpu.vector_load %arg5[%get3A] {strides = array<i32>} : memref<16384xf32, #tpu.memory_space<vmem>>, vector<16xf32>,
        %add3A_234 = arith.constant 0 : i32
        %add3A_235 = arith.addi %add3A_234, %mul3A_230 : i32
        %get3A_236 = arith.index_cast %add3A_235 : i32 to index
        %get3A_237 = tpu.vector_load %arg6[%get3A_236] {strides = array<i32>} : memref<4096xi32, #tpu.memory_space<vmem>>, vector<16xi32>,
        %shift_right_arithmetic3A = arith.constant 0 : i32
        %shift_right_arithmetic3A_238 = vector.broadcast %shift_right_arithmetic3A : i32 to vector<16xi32>
        %shift_right_arithmetic3A_239 = arith.shrsi %get3A_237, %shift_right_arithmetic3A_238 : vector<16xi32>
        %and3A = arith.constant 1 : i32
        %and3A_240 = vector.broadcast %and3A : i32 to vector<16xi32>
        %and3A_241 = arith.andi %shift_right_arithmetic3A_239, %and3A_240 : vector<16xi32>
        %eq3A = arith.constant 0 : i32
        %eq3A_242 = vector.broadcast %eq3A : i32 to vector<16xi32>
        %eq3A_243 = arith.cmpi eq, %and3A_241, %eq3A_242 : vector<16xi32>
        %jit3A = arith.constant -1 : i32
        %broadcast_in_dim3A_244 = vector.broadcast %jit3A : i32 to vector<16xi32>
        %select_n3A = arith.select %eq3A_243, %iota3A, %broadcast_in_dim3A_244 : vector<16xi1>, vector<16xi32>
        %broadcast_in_dim3A_245 = arith.constant true
        %broadcast_in_dim3A_246 = vector.broadcast %broadcast_in_dim3A_245 : i1 to vector<16xi1>
        %masked_cummax3A = arith.constant -2147483648 : i32
        %masked_cummax3A_247 = vector.broadcast %masked_cummax3A : i32 to vector<16xi32>
        %masked_cummax3A_248 = arith.xori %select_n3A, %masked_cummax3A_247 : vector<16xi32>
        %masked_cummax3A_249 = tpu.scan <max>, %masked_cummax3A_248 masked %broadcast_in_dim3A_246 : vector<16xi32>, vector<16xi1> -> vector<16xi32>
        %masked_cummax3A_250 = arith.xori %masked_cummax3A_249, %masked_cummax3A_247 : vector<16xi32>
        %max3A = arith.constant 0 : i32
        %max3A_251 = vector.broadcast %max3A : i32 to vector<16xi32>
        %max3A_252 = arith.maxsi %masked_cummax3A_250, %max3A_251 : vector<16xi32>
        %broadcast_in_dim3A_253 = vector.shape_cast %max3A_252 : vector<16xi32> to vector<16x1xi32>
        %gather3A = vector.shape_cast %broadcast_in_dim3A_253 : vector<16x1xi32> to vector<16xi32>
        %gather3A_254 = tpu.dynamic_gather %get3A_233[%gather3A] in [0] : vector<16xf32>, vector<16xi32> -> vector<16xf32>
        %ge3A = arith.constant 0 : i32
        %ge3A_255 = vector.broadcast %ge3A : i32 to vector<16xi32>
        %ge3A_256 = arith.cmpi sge, %masked_cummax3A_250, %ge3A_255 : vector<16xi32>
        %select_n3A_257 = arith.select %ge3A_256, %gather3A_254, %scan3A_224 : vector<16xi1>, vector<16xf32>
        %swap3A = arith.index_cast %add3A_232 : i32 to index
        %swap3A_258 = tpu.vector_load %arg7[%swap3A] {strides = array<i32>} : memref<16384xf32, #tpu.memory_space<vmem>>, vector<16xf32>,
        tpu.vector_store %arg7[%swap3A], %select_n3A_257 {strides = array<i32>} : memref<16384xf32, #tpu.memory_space<vmem>>, vector<16xf32>,
        %broadcast_in_dim3A_259 = vector.shape_cast %broadcast_in_dim3A_3 : vector<16xi32> to vector<16x1xi32>
        %gather3A_260 = vector.shape_cast %broadcast_in_dim3A_259 : vector<16x1xi32> to vector<16xi32>
        %gather3A_261 = tpu.dynamic_gather %select_n3A_257[%gather3A_260] in [0] : vector<16xf32>, vector<16xi32> -> vector<16xf32>
        %mul3A_262 = arith.constant 4 : i32
        %mul3A_263 = arith.muli %scan3A_223, %mul3A_262 : i32
        %add3A_264 = arith.constant 1 : i32
        %add3A_265 = arith.addi %mul3A_263, %add3A_264 : i32
        %mul3A_266 = arith.constant 16 : i32
        %mul3A_267 = arith.muli %add3A_265, %mul3A_266 : i32
        %add3A_268 = arith.constant 0 : i32
        %add3A_269 = arith.addi %add3A_268, %mul3A_267 : i32
        %get3A_270 = arith.index_cast %add3A_269 : i32 to index
        %get3A_271 = tpu.vector_load %arg5[%get3A_270] {strides = array<i32>} : memref<16384xf32, #tpu.memory_space<vmem>>, vector<16xf32>,
        %add3A_272 = arith.constant 0 : i32
        %add3A_273 = arith.addi %add3A_272, %mul3A_267 : i32
        %get3A_274 = arith.index_cast %add3A_273 : i32 to index
        %get3A_275 = tpu.vector_load %arg6[%get3A_274] {strides = array<i32>} : memref<4096xi32, #tpu.memory_space<vmem>>, vector<16xi32>,
        %shift_right_arithmetic3A_276 = arith.constant 0 : i32
        %shift_right_arithmetic3A_277 = vector.broadcast %shift_right_arithmetic3A_276 : i32 to vector<16xi32>
        %shift_right_arithmetic3A_278 = arith.shrsi %get3A_275, %shift_right_arithmetic3A_277 : vector<16xi32>
        %and3A_279 = arith.constant 1 : i32
        %and3A_280 = vector.broadcast %and3A_279 : i32 to vector<16xi32>
        %and3A_281 = arith.andi %shift_right_arithmetic3A_278, %and3A_280 : vector<16xi32>
        %eq3A_282 = arith.constant 0 : i32
        %eq3A_283 = vector.broadcast %eq3A_282 : i32 to vector<16xi32>
        %eq3A_284 = arith.cmpi eq, %and3A_281, %eq3A_283 : vector<16xi32>
        %jit3A_285 = arith.constant -1 : i32
        %broadcast_in_dim3A_286 = vector.broadcast %jit3A_285 : i32 to vector<16xi32>
        %select_n3A_287 = arith.select %eq3A_284, %iota3A, %broadcast_in_dim3A_286 : vector<16xi1>, vector<16xi32>
        %broadcast_in_dim3A_288 = arith.constant true
        %broadcast_in_dim3A_289 = vector.broadcast %broadcast_in_dim3A_288 : i1 to vector<16xi1>
        %masked_cummax3A_290 = arith.constant -2147483648 : i32
        %masked_cummax3A_291 = vector.broadcast %masked_cummax3A_290 : i32 to vector<16xi32>
        %masked_cummax3A_292 = arith.xori %select_n3A_287, %masked_cummax3A_291 : vector<16xi32>
        %masked_cummax3A_293 = tpu.scan <max>, %masked_cummax3A_292 masked %broadcast_in_dim3A_289 : vector<16xi32>, vector<16xi1> -> vector<16xi32>
        %masked_cummax3A_294 = arith.xori %masked_cummax3A_293, %masked_cummax3A_291 : vector<16xi32>
        %max3A_295 = arith.constant 0 : i32
        %max3A_296 = vector.broadcast %max3A_295 : i32 to vector<16xi32>
        %max3A_297 = arith.maxsi %masked_cummax3A_294, %max3A_296 : vector<16xi32>
        %broadcast_in_dim3A_298 = vector.shape_cast %max3A_297 : vector<16xi32> to vector<16x1xi32>
        %gather3A_299 = vector.shape_cast %broadcast_in_dim3A_298 : vector<16x1xi32> to vector<16xi32>
        %gather3A_300 = tpu.dynamic_gather %get3A_271[%gather3A_299] in [0] : vector<16xf32>, vector<16xi32> -> vector<16xf32>
        %ge3A_301 = arith.constant 0 : i32
        %ge3A_302 = vector.broadcast %ge3A_301 : i32 to vector<16xi32>
        %ge3A_303 = arith.cmpi sge, %masked_cummax3A_294, %ge3A_302 : vector<16xi32>
        %select_n3A_304 = arith.select %ge3A_303, %gather3A_300, %gather3A_261 : vector<16xi1>, vector<16xf32>
        %swap3A_305 = arith.index_cast %add3A_269 : i32 to index
        %swap3A_306 = tpu.vector_load %arg7[%swap3A_305] {strides = array<i32>} : memref<16384xf32, #tpu.memory_space<vmem>>, vector<16xf32>,
        tpu.vector_store %arg7[%swap3A_305], %select_n3A_304 {strides = array<i32>} : memref<16384xf32, #tpu.memory_space<vmem>>, vector<16xf32>,
        %broadcast_in_dim3A_307 = vector.shape_cast %broadcast_in_dim3A_3 : vector<16xi32> to vector<16x1xi32>
        %gather3A_308 = vector.shape_cast %broadcast_in_dim3A_307 : vector<16x1xi32> to vector<16xi32>
        %gather3A_309 = tpu.dynamic_gather %select_n3A_304[%gather3A_308] in [0] : vector<16xf32>, vector<16xi32> -> vector<16xf32>
        %mul3A_310 = arith.constant 4 : i32
        %mul3A_311 = arith.muli %scan3A_223, %mul3A_310 : i32
        %add3A_312 = arith.constant 2 : i32
        %add3A_313 = arith.addi %mul3A_311, %add3A_312 : i32
        %mul3A_314 = arith.constant 16 : i32
        %mul3A_315 = arith.muli %add3A_313, %mul3A_314 : i32
        %add3A_316 = arith.constant 0 : i32
        %add3A_317 = arith.addi %add3A_316, %mul3A_315 : i32
        %get3A_318 = arith.index_cast %add3A_317 : i32 to index
        %get3A_319 = tpu.vector_load %arg5[%get3A_318] {strides = array<i32>} : memref<16384xf32, #tpu.memory_space<vmem>>, vector<16xf32>,
        %add3A_320 = arith.constant 0 : i32
        %add3A_321 = arith.addi %add3A_320, %mul3A_315 : i32
        %get3A_322 = arith.index_cast %add3A_321 : i32 to index
        %get3A_323 = tpu.vector_load %arg6[%get3A_322] {strides = array<i32>} : memref<4096xi32, #tpu.memory_space<vmem>>, vector<16xi32>,
        %shift_right_arithmetic3A_324 = arith.constant 0 : i32
        %shift_right_arithmetic3A_325 = vector.broadcast %shift_right_arithmetic3A_324 : i32 to vector<16xi32>
        %shift_right_arithmetic3A_326 = arith.shrsi %get3A_323, %shift_right_arithmetic3A_325 : vector<16xi32>
        %and3A_327 = arith.constant 1 : i32
        %and3A_328 = vector.broadcast %and3A_327 : i32 to vector<16xi32>
        %and3A_329 = arith.andi %shift_right_arithmetic3A_326, %and3A_328 : vector<16xi32>
        %eq3A_330 = arith.constant 0 : i32
        %eq3A_331 = vector.broadcast %eq3A_330 : i32 to vector<16xi32>
        %eq3A_332 = arith.cmpi eq, %and3A_329, %eq3A_331 : vector<16xi32>
        %jit3A_333 = arith.constant -1 : i32
        %broadcast_in_dim3A_334 = vector.broadcast %jit3A_333 : i32 to vector<16xi32>
        %select_n3A_335 = arith.select %eq3A_332, %iota3A, %broadcast_in_dim3A_334 : vector<16xi1>, vector<16xi32>
        %broadcast_in_dim3A_336 = arith.constant true
        %broadcast_in_dim3A_337 = vector.broadcast %broadcast_in_dim3A_336 : i1 to vector<16xi1>
        %masked_cummax3A_338 = arith.constant -2147483648 : i32
        %masked_cummax3A_339 = vector.broadcast %masked_cummax3A_338 : i32 to vector<16xi32>
        %masked_cummax3A_340 = arith.xori %select_n3A_335, %masked_cummax3A_339 : vector<16xi32>
        %masked_cummax3A_341 = tpu.scan <max>, %masked_cummax3A_340 masked %broadcast_in_dim3A_337 : vector<16xi32>, vector<16xi1> -> vector<16xi32>
        %masked_cummax3A_342 = arith.xori %masked_cummax3A_341, %masked_cummax3A_339 : vector<16xi32>
        %max3A_343 = arith.constant 0 : i32
        %max3A_344 = vector.broadcast %max3A_343 : i32 to vector<16xi32>
        %max3A_345 = arith.maxsi %masked_cummax3A_342, %max3A_344 : vector<16xi32>
        %broadcast_in_dim3A_346 = vector.shape_cast %max3A_345 : vector<16xi32> to vector<16x1xi32>
        %gather3A_347 = vector.shape_cast %broadcast_in_dim3A_346 : vector<16x1xi32> to vector<16xi32>
        %gather3A_348 = tpu.dynamic_gather %get3A_319[%gather3A_347] in [0] : vector<16xf32>, vector<16xi32> -> vector<16xf32>
        %ge3A_349 = arith.constant 0 : i32
        %ge3A_350 = vector.broadcast %ge3A_349 : i32 to vector<16xi32>
        %ge3A_351 = arith.cmpi sge, %masked_cummax3A_342, %ge3A_350 : vector<16xi32>
        %select_n3A_352 = arith.select %ge3A_351, %gather3A_348, %gather3A_309 : vector<16xi1>, vector<16xf32>
        %swap3A_353 = arith.index_cast %add3A_317 : i32 to index
        %swap3A_354 = tpu.vector_load %arg7[%swap3A_353] {strides = array<i32>} : memref<16384xf32, #tpu.memory_space<vmem>>, vector<16xf32>,
        tpu.vector_store %arg7[%swap3A_353], %select_n3A_352 {strides = array<i32>} : memref<16384xf32, #tpu.memory_space<vmem>>, vector<16xf32>,
        %broadcast_in_dim3A_355 = vector.shape_cast %broadcast_in_dim3A_3 : vector<16xi32> to vector<16x1xi32>
        %gather3A_356 = vector.shape_cast %broadcast_in_dim3A_355 : vector<16x1xi32> to vector<16xi32>
        %gather3A_357 = tpu.dynamic_gather %select_n3A_352[%gather3A_356] in [0] : vector<16xf32>, vector<16xi32> -> vector<16xf32>
        %mul3A_358 = arith.constant 4 : i32
        %mul3A_359 = arith.muli %scan3A_223, %mul3A_358 : i32
        %add3A_360 = arith.constant 3 : i32
        %add3A_361 = arith.addi %mul3A_359, %add3A_360 : i32
        %mul3A_362 = arith.constant 16 : i32
        %mul3A_363 = arith.muli %add3A_361, %mul3A_362 : i32
        %add3A_364 = arith.constant 0 : i32
        %add3A_365 = arith.addi %add3A_364, %mul3A_363 : i32
        %get3A_366 = arith.index_cast %add3A_365 : i32 to index
        %get3A_367 = tpu.vector_load %arg5[%get3A_366] {strides = array<i32>} : memref<16384xf32, #tpu.memory_space<vmem>>, vector<16xf32>,
        %add3A_368 = arith.constant 0 : i32
        %add3A_369 = arith.addi %add3A_368, %mul3A_363 : i32
        %get3A_370 = arith.index_cast %add3A_369 : i32 to index
        %get3A_371 = tpu.vector_load %arg6[%get3A_370] {strides = array<i32>} : memref<4096xi32, #tpu.memory_space<vmem>>, vector<16xi32>,
        %shift_right_arithmetic3A_372 = arith.constant 0 : i32
        %shift_right_arithmetic3A_373 = vector.broadcast %shift_right_arithmetic3A_372 : i32 to vector<16xi32>
        %shift_right_arithmetic3A_374 = arith.shrsi %get3A_371, %shift_right_arithmetic3A_373 : vector<16xi32>
        %and3A_375 = arith.constant 1 : i32
        %and3A_376 = vector.broadcast %and3A_375 : i32 to vector<16xi32>
        %and3A_377 = arith.andi %shift_right_arithmetic3A_374, %and3A_376 : vector<16xi32>
        %eq3A_378 = arith.constant 0 : i32
        %eq3A_379 = vector.broadcast %eq3A_378 : i32 to vector<16xi32>
        %eq3A_380 = arith.cmpi eq, %and3A_377, %eq3A_379 : vector<16xi32>
        %jit3A_381 = arith.constant -1 : i32
        %broadcast_in_dim3A_382 = vector.broadcast %jit3A_381 : i32 to vector<16xi32>
        %select_n3A_383 = arith.select %eq3A_380, %iota3A, %broadcast_in_dim3A_382 : vector<16xi1>, vector<16xi32>
        %broadcast_in_dim3A_384 = arith.constant true
        %broadcast_in_dim3A_385 = vector.broadcast %broadcast_in_dim3A_384 : i1 to vector<16xi1>
        %masked_cummax3A_386 = arith.constant -2147483648 : i32
        %masked_cummax3A_387 = vector.broadcast %masked_cummax3A_386 : i32 to vector<16xi32>
        %masked_cummax3A_388 = arith.xori %select_n3A_383, %masked_cummax3A_387 : vector<16xi32>
        %masked_cummax3A_389 = tpu.scan <max>, %masked_cummax3A_388 masked %broadcast_in_dim3A_385 : vector<16xi32>, vector<16xi1> -> vector<16xi32>
        %masked_cummax3A_390 = arith.xori %masked_cummax3A_389, %masked_cummax3A_387 : vector<16xi32>
        %max3A_391 = arith.constant 0 : i32
        %max3A_392 = vector.broadcast %max3A_391 : i32 to vector<16xi32>
        %max3A_393 = arith.maxsi %masked_cummax3A_390, %max3A_392 : vector<16xi32>
        %broadcast_in_dim3A_394 = vector.shape_cast %max3A_393 : vector<16xi32> to vector<16x1xi32>
        %gather3A_395 = vector.shape_cast %broadcast_in_dim3A_394 : vector<16x1xi32> to vector<16xi32>
        %gather3A_396 = tpu.dynamic_gather %get3A_367[%gather3A_395] in [0] : vector<16xf32>, vector<16xi32> -> vector<16xf32>
        %ge3A_397 = arith.constant 0 : i32
        %ge3A_398 = vector.broadcast %ge3A_397 : i32 to vector<16xi32>
        %ge3A_399 = arith.cmpi sge, %masked_cummax3A_390, %ge3A_398 : vector<16xi32>
        %select_n3A_400 = arith.select %ge3A_399, %gather3A_396, %gather3A_357 : vector<16xi1>, vector<16xf32>
        %swap3A_401 = arith.index_cast %add3A_365 : i32 to index
        %swap3A_402 = tpu.vector_load %arg7[%swap3A_401] {strides = array<i32>} : memref<16384xf32, #tpu.memory_space<vmem>>, vector<16xf32>,
        tpu.vector_store %arg7[%swap3A_401], %select_n3A_400 {strides = array<i32>} : memref<16384xf32, #tpu.memory_space<vmem>>, vector<16xf32>,
        %broadcast_in_dim3A_403 = vector.shape_cast %broadcast_in_dim3A_3 : vector<16xi32> to vector<16x1xi32>
        %gather3A_404 = vector.shape_cast %broadcast_in_dim3A_403 : vector<16x1xi32> to vector<16xi32>
        %gather3A_405 = tpu.dynamic_gather %select_n3A_400[%gather3A_404] in [0] : vector<16xf32>, vector<16xi32> -> vector<16xf32>
        scf.yield %gather3A_405 : vector<16xf32>
      }
      %scan3A_112 = arith.constant 32 : i32
      %scan3A_113 = arith.constant 0 : i32
      %scan3A_114 = arith.constant 32 : i32
      %scan3A_115 = arith.addi %scan3A_113, %scan3A_114 : i32
      %scan3A_116 = arith.constant 1 : i32
      %scan3A_117 = scf.for %scan3A_223 = %scan3A_113 to %scan3A_115 step %scan3A_116 iter_args(%scan3A_224 = %scan3A_111) -> (vector<16xf32>)  : i32 {
        %mul3A_225 = arith.constant 4 : i32
        %mul3A_226 = arith.muli %scan3A_223, %mul3A_225 : i32
        %add3A_227 = arith.constant 0 : i32
        %add3A_228 = arith.addi %mul3A_226, %add3A_227 : i32
        %mul3A_229 = arith.constant 16 : i32
        %mul3A_230 = arith.muli %add3A_228, %mul3A_229 : i32
        %add3A_231 = arith.constant 2048 : i32
        %add3A_232 = arith.addi %add3A_231, %mul3A_230 : i32
        %get3A = arith.index_cast %add3A_232 : i32 to index
        %get3A_233 = tpu.vector_load %arg5[%get3A] {strides = array<i32>} : memref<16384xf32, #tpu.memory_space<vmem>>, vector<16xf32>,
        %add3A_234 = arith.constant 0 : i32
        %add3A_235 = arith.addi %add3A_234, %mul3A_230 : i32
        %get3A_236 = arith.index_cast %add3A_235 : i32 to index
        %get3A_237 = tpu.vector_load %arg6[%get3A_236] {strides = array<i32>} : memref<4096xi32, #tpu.memory_space<vmem>>, vector<16xi32>,
        %shift_right_arithmetic3A = arith.constant 8 : i32
        %shift_right_arithmetic3A_238 = vector.broadcast %shift_right_arithmetic3A : i32 to vector<16xi32>
        %shift_right_arithmetic3A_239 = arith.shrsi %get3A_237, %shift_right_arithmetic3A_238 : vector<16xi32>
        %and3A = arith.constant 1 : i32
        %and3A_240 = vector.broadcast %and3A : i32 to vector<16xi32>
        %and3A_241 = arith.andi %shift_right_arithmetic3A_239, %and3A_240 : vector<16xi32>
        %eq3A = arith.constant 0 : i32
        %eq3A_242 = vector.broadcast %eq3A : i32 to vector<16xi32>
        %eq3A_243 = arith.cmpi eq, %and3A_241, %eq3A_242 : vector<16xi32>
        %jit3A = arith.constant -1 : i32
        %broadcast_in_dim3A_244 = vector.broadcast %jit3A : i32 to vector<16xi32>
        %select_n3A = arith.select %eq3A_243, %iota3A, %broadcast_in_dim3A_244 : vector<16xi1>, vector<16xi32>
        %broadcast_in_dim3A_245 = arith.constant true
        %broadcast_in_dim3A_246 = vector.broadcast %broadcast_in_dim3A_245 : i1 to vector<16xi1>
        %masked_cummax3A = arith.constant -2147483648 : i32
        %masked_cummax3A_247 = vector.broadcast %masked_cummax3A : i32 to vector<16xi32>
        %masked_cummax3A_248 = arith.xori %select_n3A, %masked_cummax3A_247 : vector<16xi32>
        %masked_cummax3A_249 = tpu.scan <max>, %masked_cummax3A_248 masked %broadcast_in_dim3A_246 : vector<16xi32>, vector<16xi1> -> vector<16xi32>
        %masked_cummax3A_250 = arith.xori %masked_cummax3A_249, %masked_cummax3A_247 : vector<16xi32>
        %max3A = arith.constant 0 : i32
        %max3A_251 = vector.broadcast %max3A : i32 to vector<16xi32>
        %max3A_252 = arith.maxsi %masked_cummax3A_250, %max3A_251 : vector<16xi32>
        %broadcast_in_dim3A_253 = vector.shape_cast %max3A_252 : vector<16xi32> to vector<16x1xi32>
        %gather3A = vector.shape_cast %broadcast_in_dim3A_253 : vector<16x1xi32> to vector<16xi32>
        %gather3A_254 = tpu.dynamic_gather %get3A_233[%gather3A] in [0] : vector<16xf32>, vector<16xi32> -> vector<16xf32>
        %ge3A = arith.constant 0 : i32
        %ge3A_255 = vector.broadcast %ge3A : i32 to vector<16xi32>
        %ge3A_256 = arith.cmpi sge, %masked_cummax3A_250, %ge3A_255 : vector<16xi32>
        %select_n3A_257 = arith.select %ge3A_256, %gather3A_254, %scan3A_224 : vector<16xi1>, vector<16xf32>
        %swap3A = arith.index_cast %add3A_232 : i32 to index
        %swap3A_258 = tpu.vector_load %arg7[%swap3A] {strides = array<i32>} : memref<16384xf32, #tpu.memory_space<vmem>>, vector<16xf32>,
        tpu.vector_store %arg7[%swap3A], %select_n3A_257 {strides = array<i32>} : memref<16384xf32, #tpu.memory_space<vmem>>, vector<16xf32>,
        %broadcast_in_dim3A_259 = vector.shape_cast %broadcast_in_dim3A_3 : vector<16xi32> to vector<16x1xi32>
        %gather3A_260 = vector.shape_cast %broadcast_in_dim3A_259 : vector<16x1xi32> to vector<16xi32>
        %gather3A_261 = tpu.dynamic_gather %select_n3A_257[%gather3A_260] in [0] : vector<16xf32>, vector<16xi32> -> vector<16xf32>
        %mul3A_262 = arith.constant 4 : i32
        %mul3A_263 = arith.muli %scan3A_223, %mul3A_262 : i32
        %add3A_264 = arith.constant 1 : i32
        %add3A_265 = arith.addi %mul3A_263, %add3A_264 : i32
        %mul3A_266 = arith.constant 16 : i32
        %mul3A_267 = arith.muli %add3A_265, %mul3A_266 : i32
        %add3A_268 = arith.constant 2048 : i32
        %add3A_269 = arith.addi %add3A_268, %mul3A_267 : i32
        %get3A_270 = arith.index_cast %add3A_269 : i32 to index
        %get3A_271 = tpu.vector_load %arg5[%get3A_270] {strides = array<i32>} : memref<16384xf32, #tpu.memory_space<vmem>>, vector<16xf32>,
        %add3A_272 = arith.constant 0 : i32
        %add3A_273 = arith.addi %add3A_272, %mul3A_267 : i32
        %get3A_274 = arith.index_cast %add3A_273 : i32 to index
        %get3A_275 = tpu.vector_load %arg6[%get3A_274] {strides = array<i32>} : memref<4096xi32, #tpu.memory_space<vmem>>, vector<16xi32>,
        %shift_right_arithmetic3A_276 = arith.constant 8 : i32
        %shift_right_arithmetic3A_277 = vector.broadcast %shift_right_arithmetic3A_276 : i32 to vector<16xi32>
        %shift_right_arithmetic3A_278 = arith.shrsi %get3A_275, %shift_right_arithmetic3A_277 : vector<16xi32>
        %and3A_279 = arith.constant 1 : i32
        %and3A_280 = vector.broadcast %and3A_279 : i32 to vector<16xi32>
        %and3A_281 = arith.andi %shift_right_arithmetic3A_278, %and3A_280 : vector<16xi32>
        %eq3A_282 = arith.constant 0 : i32
        %eq3A_283 = vector.broadcast %eq3A_282 : i32 to vector<16xi32>
        %eq3A_284 = arith.cmpi eq, %and3A_281, %eq3A_283 : vector<16xi32>
        %jit3A_285 = arith.constant -1 : i32
        %broadcast_in_dim3A_286 = vector.broadcast %jit3A_285 : i32 to vector<16xi32>
        %select_n3A_287 = arith.select %eq3A_284, %iota3A, %broadcast_in_dim3A_286 : vector<16xi1>, vector<16xi32>
        %broadcast_in_dim3A_288 = arith.constant true
        %broadcast_in_dim3A_289 = vector.broadcast %broadcast_in_dim3A_288 : i1 to vector<16xi1>
        %masked_cummax3A_290 = arith.constant -2147483648 : i32
        %masked_cummax3A_291 = vector.broadcast %masked_cummax3A_290 : i32 to vector<16xi32>
        %masked_cummax3A_292 = arith.xori %select_n3A_287, %masked_cummax3A_291 : vector<16xi32>
        %masked_cummax3A_293 = tpu.scan <max>, %masked_cummax3A_292 masked %broadcast_in_dim3A_289 : vector<16xi32>, vector<16xi1> -> vector<16xi32>
        %masked_cummax3A_294 = arith.xori %masked_cummax3A_293, %masked_cummax3A_291 : vector<16xi32>
        %max3A_295 = arith.constant 0 : i32
        %max3A_296 = vector.broadcast %max3A_295 : i32 to vector<16xi32>
        %max3A_297 = arith.maxsi %masked_cummax3A_294, %max3A_296 : vector<16xi32>
        %broadcast_in_dim3A_298 = vector.shape_cast %max3A_297 : vector<16xi32> to vector<16x1xi32>
        %gather3A_299 = vector.shape_cast %broadcast_in_dim3A_298 : vector<16x1xi32> to vector<16xi32>
        %gather3A_300 = tpu.dynamic_gather %get3A_271[%gather3A_299] in [0] : vector<16xf32>, vector<16xi32> -> vector<16xf32>
        %ge3A_301 = arith.constant 0 : i32
        %ge3A_302 = vector.broadcast %ge3A_301 : i32 to vector<16xi32>
        %ge3A_303 = arith.cmpi sge, %masked_cummax3A_294, %ge3A_302 : vector<16xi32>
        %select_n3A_304 = arith.select %ge3A_303, %gather3A_300, %gather3A_261 : vector<16xi1>, vector<16xf32>
        %swap3A_305 = arith.index_cast %add3A_269 : i32 to index
        %swap3A_306 = tpu.vector_load %arg7[%swap3A_305] {strides = array<i32>} : memref<16384xf32, #tpu.memory_space<vmem>>, vector<16xf32>,
        tpu.vector_store %arg7[%swap3A_305], %select_n3A_304 {strides = array<i32>} : memref<16384xf32, #tpu.memory_space<vmem>>, vector<16xf32>,
        %broadcast_in_dim3A_307 = vector.shape_cast %broadcast_in_dim3A_3 : vector<16xi32> to vector<16x1xi32>
        %gather3A_308 = vector.shape_cast %broadcast_in_dim3A_307 : vector<16x1xi32> to vector<16xi32>
        %gather3A_309 = tpu.dynamic_gather %select_n3A_304[%gather3A_308] in [0] : vector<16xf32>, vector<16xi32> -> vector<16xf32>
        %mul3A_310 = arith.constant 4 : i32
        %mul3A_311 = arith.muli %scan3A_223, %mul3A_310 : i32
        %add3A_312 = arith.constant 2 : i32
        %add3A_313 = arith.addi %mul3A_311, %add3A_312 : i32
        %mul3A_314 = arith.constant 16 : i32
        %mul3A_315 = arith.muli %add3A_313, %mul3A_314 : i32
        %add3A_316 = arith.constant 2048 : i32
        %add3A_317 = arith.addi %add3A_316, %mul3A_315 : i32
        %get3A_318 = arith.index_cast %add3A_317 : i32 to index
        %get3A_319 = tpu.vector_load %arg5[%get3A_318] {strides = array<i32>} : memref<16384xf32, #tpu.memory_space<vmem>>, vector<16xf32>,
        %add3A_320 = arith.constant 0 : i32
        %add3A_321 = arith.addi %add3A_320, %mul3A_315 : i32
        %get3A_322 = arith.index_cast %add3A_321 : i32 to index
        %get3A_323 = tpu.vector_load %arg6[%get3A_322] {strides = array<i32>} : memref<4096xi32, #tpu.memory_space<vmem>>, vector<16xi32>,
        %shift_right_arithmetic3A_324 = arith.constant 8 : i32
        %shift_right_arithmetic3A_325 = vector.broadcast %shift_right_arithmetic3A_324 : i32 to vector<16xi32>
        %shift_right_arithmetic3A_326 = arith.shrsi %get3A_323, %shift_right_arithmetic3A_325 : vector<16xi32>
        %and3A_327 = arith.constant 1 : i32
        %and3A_328 = vector.broadcast %and3A_327 : i32 to vector<16xi32>
        %and3A_329 = arith.andi %shift_right_arithmetic3A_326, %and3A_328 : vector<16xi32>
        %eq3A_330 = arith.constant 0 : i32
        %eq3A_331 = vector.broadcast %eq3A_330 : i32 to vector<16xi32>
        %eq3A_332 = arith.cmpi eq, %and3A_329, %eq3A_331 : vector<16xi32>
        %jit3A_333 = arith.constant -1 : i32
        %broadcast_in_dim3A_334 = vector.broadcast %jit3A_333 : i32 to vector<16xi32>
        %select_n3A_335 = arith.select %eq3A_332, %iota3A, %broadcast_in_dim3A_334 : vector<16xi1>, vector<16xi32>
        %broadcast_in_dim3A_336 = arith.constant true
        %broadcast_in_dim3A_337 = vector.broadcast %broadcast_in_dim3A_336 : i1 to vector<16xi1>
        %masked_cummax3A_338 = arith.constant -2147483648 : i32
        %masked_cummax3A_339 = vector.broadcast %masked_cummax3A_338 : i32 to vector<16xi32>
        %masked_cummax3A_340 = arith.xori %select_n3A_335, %masked_cummax3A_339 : vector<16xi32>
        %masked_cummax3A_341 = tpu.scan <max>, %masked_cummax3A_340 masked %broadcast_in_dim3A_337 : vector<16xi32>, vector<16xi1> -> vector<16xi32>
        %masked_cummax3A_342 = arith.xori %masked_cummax3A_341, %masked_cummax3A_339 : vector<16xi32>
        %max3A_343 = arith.constant 0 : i32
        %max3A_344 = vector.broadcast %max3A_343 : i32 to vector<16xi32>
        %max3A_345 = arith.maxsi %masked_cummax3A_342, %max3A_344 : vector<16xi32>
        %broadcast_in_dim3A_346 = vector.shape_cast %max3A_345 : vector<16xi32> to vector<16x1xi32>
        %gather3A_347 = vector.shape_cast %broadcast_in_dim3A_346 : vector<16x1xi32> to vector<16xi32>
        %gather3A_348 = tpu.dynamic_gather %get3A_319[%gather3A_347] in [0] : vector<16xf32>, vector<16xi32> -> vector<16xf32>
        %ge3A_349 = arith.constant 0 : i32
        %ge3A_350 = vector.broadcast %ge3A_349 : i32 to vector<16xi32>
        %ge3A_351 = arith.cmpi sge, %masked_cummax3A_342, %ge3A_350 : vector<16xi32>
        %select_n3A_352 = arith.select %ge3A_351, %gather3A_348, %gather3A_309 : vector<16xi1>, vector<16xf32>
        %swap3A_353 = arith.index_cast %add3A_317 : i32 to index
        %swap3A_354 = tpu.vector_load %arg7[%swap3A_353] {strides = array<i32>} : memref<16384xf32, #tpu.memory_space<vmem>>, vector<16xf32>,
        tpu.vector_store %arg7[%swap3A_353], %select_n3A_352 {strides = array<i32>} : memref<16384xf32, #tpu.memory_space<vmem>>, vector<16xf32>,
        %broadcast_in_dim3A_355 = vector.shape_cast %broadcast_in_dim3A_3 : vector<16xi32> to vector<16x1xi32>
        %gather3A_356 = vector.shape_cast %broadcast_in_dim3A_355 : vector<16x1xi32> to vector<16xi32>
        %gather3A_357 = tpu.dynamic_gather %select_n3A_352[%gather3A_356] in [0] : vector<16xf32>, vector<16xi32> -> vector<16xf32>
        %mul3A_358 = arith.constant 4 : i32
        %mul3A_359 = arith.muli %scan3A_223, %mul3A_358 : i32
        %add3A_360 = arith.constant 3 : i32
        %add3A_361 = arith.addi %mul3A_359, %add3A_360 : i32
        %mul3A_362 = arith.constant 16 : i32
        %mul3A_363 = arith.muli %add3A_361, %mul3A_362 : i32
        %add3A_364 = arith.constant 2048 : i32
        %add3A_365 = arith.addi %add3A_364, %mul3A_363 : i32
        %get3A_366 = arith.index_cast %add3A_365 : i32 to index
        %get3A_367 = tpu.vector_load %arg5[%get3A_366] {strides = array<i32>} : memref<16384xf32, #tpu.memory_space<vmem>>, vector<16xf32>,
        %add3A_368 = arith.constant 0 : i32
        %add3A_369 = arith.addi %add3A_368, %mul3A_363 : i32
        %get3A_370 = arith.index_cast %add3A_369 : i32 to index
        %get3A_371 = tpu.vector_load %arg6[%get3A_370] {strides = array<i32>} : memref<4096xi32, #tpu.memory_space<vmem>>, vector<16xi32>,
        %shift_right_arithmetic3A_372 = arith.constant 8 : i32
        %shift_right_arithmetic3A_373 = vector.broadcast %shift_right_arithmetic3A_372 : i32 to vector<16xi32>
        %shift_right_arithmetic3A_374 = arith.shrsi %get3A_371, %shift_right_arithmetic3A_373 : vector<16xi32>
        %and3A_375 = arith.constant 1 : i32
        %and3A_376 = vector.broadcast %and3A_375 : i32 to vector<16xi32>
        %and3A_377 = arith.andi %shift_right_arithmetic3A_374, %and3A_376 : vector<16xi32>
        %eq3A_378 = arith.constant 0 : i32
        %eq3A_379 = vector.broadcast %eq3A_378 : i32 to vector<16xi32>
        %eq3A_380 = arith.cmpi eq, %and3A_377, %eq3A_379 : vector<16xi32>
        %jit3A_381 = arith.constant -1 : i32
        %broadcast_in_dim3A_382 = vector.broadcast %jit3A_381 : i32 to vector<16xi32>
        %select_n3A_383 = arith.select %eq3A_380, %iota3A, %broadcast_in_dim3A_382 : vector<16xi1>, vector<16xi32>
        %broadcast_in_dim3A_384 = arith.constant true
        %broadcast_in_dim3A_385 = vector.broadcast %broadcast_in_dim3A_384 : i1 to vector<16xi1>
        %masked_cummax3A_386 = arith.constant -2147483648 : i32
        %masked_cummax3A_387 = vector.broadcast %masked_cummax3A_386 : i32 to vector<16xi32>
        %masked_cummax3A_388 = arith.xori %select_n3A_383, %masked_cummax3A_387 : vector<16xi32>
        %masked_cummax3A_389 = tpu.scan <max>, %masked_cummax3A_388 masked %broadcast_in_dim3A_385 : vector<16xi32>, vector<16xi1> -> vector<16xi32>
        %masked_cummax3A_390 = arith.xori %masked_cummax3A_389, %masked_cummax3A_387 : vector<16xi32>
        %max3A_391 = arith.constant 0 : i32
        %max3A_392 = vector.broadcast %max3A_391 : i32 to vector<16xi32>
        %max3A_393 = arith.maxsi %masked_cummax3A_390, %max3A_392 : vector<16xi32>
        %broadcast_in_dim3A_394 = vector.shape_cast %max3A_393 : vector<16xi32> to vector<16x1xi32>
        %gather3A_395 = vector.shape_cast %broadcast_in_dim3A_394 : vector<16x1xi32> to vector<16xi32>
        %gather3A_396 = tpu.dynamic_gather %get3A_367[%gather3A_395] in [0] : vector<16xf32>, vector<16xi32> -> vector<16xf32>
        %ge3A_397 = arith.constant 0 : i32
        %ge3A_398 = vector.broadcast %ge3A_397 : i32 to vector<16xi32>
        %ge3A_399 = arith.cmpi sge, %masked_cummax3A_390, %ge3A_398 : vector<16xi32>
        %select_n3A_400 = arith.select %ge3A_399, %gather3A_396, %gather3A_357 : vector<16xi1>, vector<16xf32>
        %swap3A_401 = arith.index_cast %add3A_365 : i32 to index
        %swap3A_402 = tpu.vector_load %arg7[%swap3A_401] {strides = array<i32>} : memref<16384xf32, #tpu.memory_space<vmem>>, vector<16xf32>,
        tpu.vector_store %arg7[%swap3A_401], %select_n3A_400 {strides = array<i32>} : memref<16384xf32, #tpu.memory_space<vmem>>, vector<16xf32>,
        %broadcast_in_dim3A_403 = vector.shape_cast %broadcast_in_dim3A_3 : vector<16xi32> to vector<16x1xi32>
        %gather3A_404 = vector.shape_cast %broadcast_in_dim3A_403 : vector<16x1xi32> to vector<16xi32>
        %gather3A_405 = tpu.dynamic_gather %select_n3A_400[%gather3A_404] in [0] : vector<16xf32>, vector<16xi32> -> vector<16xf32>
        scf.yield %gather3A_405 : vector<16xf32>
      }
      %scan3A_118 = arith.constant 32 : i32
      %scan3A_119 = arith.constant 0 : i32
      %scan3A_120 = arith.constant 32 : i32
      %scan3A_121 = arith.addi %scan3A_119, %scan3A_120 : i32
      %scan3A_122 = arith.constant 1 : i32
      %scan3A_123 = scf.for %scan3A_223 = %scan3A_119 to %scan3A_121 step %scan3A_122 iter_args(%scan3A_224 = %scan3A_117) -> (vector<16xf32>)  : i32 {
        %mul3A_225 = arith.constant 4 : i32
        %mul3A_226 = arith.muli %scan3A_223, %mul3A_225 : i32
        %add3A_227 = arith.constant 0 : i32
        %add3A_228 = arith.addi %mul3A_226, %add3A_227 : i32
        %mul3A_229 = arith.constant 16 : i32
        %mul3A_230 = arith.muli %add3A_228, %mul3A_229 : i32
        %add3A_231 = arith.constant 4096 : i32
        %add3A_232 = arith.addi %add3A_231, %mul3A_230 : i32
        %get3A = arith.index_cast %add3A_232 : i32 to index
        %get3A_233 = tpu.vector_load %arg5[%get3A] {strides = array<i32>} : memref<16384xf32, #tpu.memory_space<vmem>>, vector<16xf32>,
        %add3A_234 = arith.constant 0 : i32
        %add3A_235 = arith.addi %add3A_234, %mul3A_230 : i32
        %get3A_236 = arith.index_cast %add3A_235 : i32 to index
        %get3A_237 = tpu.vector_load %arg6[%get3A_236] {strides = array<i32>} : memref<4096xi32, #tpu.memory_space<vmem>>, vector<16xi32>,
        %shift_right_arithmetic3A = arith.constant 16 : i32
        %shift_right_arithmetic3A_238 = vector.broadcast %shift_right_arithmetic3A : i32 to vector<16xi32>
        %shift_right_arithmetic3A_239 = arith.shrsi %get3A_237, %shift_right_arithmetic3A_238 : vector<16xi32>
        %and3A = arith.constant 1 : i32
        %and3A_240 = vector.broadcast %and3A : i32 to vector<16xi32>
        %and3A_241 = arith.andi %shift_right_arithmetic3A_239, %and3A_240 : vector<16xi32>
        %eq3A = arith.constant 0 : i32
        %eq3A_242 = vector.broadcast %eq3A : i32 to vector<16xi32>
        %eq3A_243 = arith.cmpi eq, %and3A_241, %eq3A_242 : vector<16xi32>
        %jit3A = arith.constant -1 : i32
        %broadcast_in_dim3A_244 = vector.broadcast %jit3A : i32 to vector<16xi32>
        %select_n3A = arith.select %eq3A_243, %iota3A, %broadcast_in_dim3A_244 : vector<16xi1>, vector<16xi32>
        %broadcast_in_dim3A_245 = arith.constant true
        %broadcast_in_dim3A_246 = vector.broadcast %broadcast_in_dim3A_245 : i1 to vector<16xi1>
        %masked_cummax3A = arith.constant -2147483648 : i32
        %masked_cummax3A_247 = vector.broadcast %masked_cummax3A : i32 to vector<16xi32>
        %masked_cummax3A_248 = arith.xori %select_n3A, %masked_cummax3A_247 : vector<16xi32>
        %masked_cummax3A_249 = tpu.scan <max>, %masked_cummax3A_248 masked %broadcast_in_dim3A_246 : vector<16xi32>, vector<16xi1> -> vector<16xi32>
        %masked_cummax3A_250 = arith.xori %masked_cummax3A_249, %masked_cummax3A_247 : vector<16xi32>
        %max3A = arith.constant 0 : i32
        %max3A_251 = vector.broadcast %max3A : i32 to vector<16xi32>
        %max3A_252 = arith.maxsi %masked_cummax3A_250, %max3A_251 : vector<16xi32>
        %broadcast_in_dim3A_253 = vector.shape_cast %max3A_252 : vector<16xi32> to vector<16x1xi32>
        %gather3A = vector.shape_cast %broadcast_in_dim3A_253 : vector<16x1xi32> to vector<16xi32>
        %gather3A_254 = tpu.dynamic_gather %get3A_233[%gather3A] in [0] : vector<16xf32>, vector<16xi32> -> vector<16xf32>
        %ge3A = arith.constant 0 : i32
        %ge3A_255 = vector.broadcast %ge3A : i32 to vector<16xi32>
        %ge3A_256 = arith.cmpi sge, %masked_cummax3A_250, %ge3A_255 : vector<16xi32>
        %select_n3A_257 = arith.select %ge3A_256, %gather3A_254, %scan3A_224 : vector<16xi1>, vector<16xf32>
        %swap3A = arith.index_cast %add3A_232 : i32 to index
        %swap3A_258 = tpu.vector_load %arg7[%swap3A] {strides = array<i32>} : memref<16384xf32, #tpu.memory_space<vmem>>, vector<16xf32>,
        tpu.vector_store %arg7[%swap3A], %select_n3A_257 {strides = array<i32>} : memref<16384xf32, #tpu.memory_space<vmem>>, vector<16xf32>,
        %broadcast_in_dim3A_259 = vector.shape_cast %broadcast_in_dim3A_3 : vector<16xi32> to vector<16x1xi32>
        %gather3A_260 = vector.shape_cast %broadcast_in_dim3A_259 : vector<16x1xi32> to vector<16xi32>
        %gather3A_261 = tpu.dynamic_gather %select_n3A_257[%gather3A_260] in [0] : vector<16xf32>, vector<16xi32> -> vector<16xf32>
        %mul3A_262 = arith.constant 4 : i32
        %mul3A_263 = arith.muli %scan3A_223, %mul3A_262 : i32
        %add3A_264 = arith.constant 1 : i32
        %add3A_265 = arith.addi %mul3A_263, %add3A_264 : i32
        %mul3A_266 = arith.constant 16 : i32
        %mul3A_267 = arith.muli %add3A_265, %mul3A_266 : i32
        %add3A_268 = arith.constant 4096 : i32
        %add3A_269 = arith.addi %add3A_268, %mul3A_267 : i32
        %get3A_270 = arith.index_cast %add3A_269 : i32 to index
        %get3A_271 = tpu.vector_load %arg5[%get3A_270] {strides = array<i32>} : memref<16384xf32, #tpu.memory_space<vmem>>, vector<16xf32>,
        %add3A_272 = arith.constant 0 : i32
        %add3A_273 = arith.addi %add3A_272, %mul3A_267 : i32
        %get3A_274 = arith.index_cast %add3A_273 : i32 to index
        %get3A_275 = tpu.vector_load %arg6[%get3A_274] {strides = array<i32>} : memref<4096xi32, #tpu.memory_space<vmem>>, vector<16xi32>,
        %shift_right_arithmetic3A_276 = arith.constant 16 : i32
        %shift_right_arithmetic3A_277 = vector.broadcast %shift_right_arithmetic3A_276 : i32 to vector<16xi32>
        %shift_right_arithmetic3A_278 = arith.shrsi %get3A_275, %shift_right_arithmetic3A_277 : vector<16xi32>
        %and3A_279 = arith.constant 1 : i32
        %and3A_280 = vector.broadcast %and3A_279 : i32 to vector<16xi32>
        %and3A_281 = arith.andi %shift_right_arithmetic3A_278, %and3A_280 : vector<16xi32>
        %eq3A_282 = arith.constant 0 : i32
        %eq3A_283 = vector.broadcast %eq3A_282 : i32 to vector<16xi32>
        %eq3A_284 = arith.cmpi eq, %and3A_281, %eq3A_283 : vector<16xi32>
        %jit3A_285 = arith.constant -1 : i32
        %broadcast_in_dim3A_286 = vector.broadcast %jit3A_285 : i32 to vector<16xi32>
        %select_n3A_287 = arith.select %eq3A_284, %iota3A, %broadcast_in_dim3A_286 : vector<16xi1>, vector<16xi32>
        %broadcast_in_dim3A_288 = arith.constant true
        %broadcast_in_dim3A_289 = vector.broadcast %broadcast_in_dim3A_288 : i1 to vector<16xi1>
        %masked_cummax3A_290 = arith.constant -2147483648 : i32
        %masked_cummax3A_291 = vector.broadcast %masked_cummax3A_290 : i32 to vector<16xi32>
        %masked_cummax3A_292 = arith.xori %select_n3A_287, %masked_cummax3A_291 : vector<16xi32>
        %masked_cummax3A_293 = tpu.scan <max>, %masked_cummax3A_292 masked %broadcast_in_dim3A_289 : vector<16xi32>, vector<16xi1> -> vector<16xi32>
        %masked_cummax3A_294 = arith.xori %masked_cummax3A_293, %masked_cummax3A_291 : vector<16xi32>
        %max3A_295 = arith.constant 0 : i32
        %max3A_296 = vector.broadcast %max3A_295 : i32 to vector<16xi32>
        %max3A_297 = arith.maxsi %masked_cummax3A_294, %max3A_296 : vector<16xi32>
        %broadcast_in_dim3A_298 = vector.shape_cast %max3A_297 : vector<16xi32> to vector<16x1xi32>
        %gather3A_299 = vector.shape_cast %broadcast_in_dim3A_298 : vector<16x1xi32> to vector<16xi32>
        %gather3A_300 = tpu.dynamic_gather %get3A_271[%gather3A_299] in [0] : vector<16xf32>, vector<16xi32> -> vector<16xf32>
        %ge3A_301 = arith.constant 0 : i32
        %ge3A_302 = vector.broadcast %ge3A_301 : i32 to vector<16xi32>
        %ge3A_303 = arith.cmpi sge, %masked_cummax3A_294, %ge3A_302 : vector<16xi32>
        %select_n3A_304 = arith.select %ge3A_303, %gather3A_300, %gather3A_261 : vector<16xi1>, vector<16xf32>
        %swap3A_305 = arith.index_cast %add3A_269 : i32 to index
        %swap3A_306 = tpu.vector_load %arg7[%swap3A_305] {strides = array<i32>} : memref<16384xf32, #tpu.memory_space<vmem>>, vector<16xf32>,
        tpu.vector_store %arg7[%swap3A_305], %select_n3A_304 {strides = array<i32>} : memref<16384xf32, #tpu.memory_space<vmem>>, vector<16xf32>,
        %broadcast_in_dim3A_307 = vector.shape_cast %broadcast_in_dim3A_3 : vector<16xi32> to vector<16x1xi32>
        %gather3A_308 = vector.shape_cast %broadcast_in_dim3A_307 : vector<16x1xi32> to vector<16xi32>
        %gather3A_309 = tpu.dynamic_gather %select_n3A_304[%gather3A_308] in [0] : vector<16xf32>, vector<16xi32> -> vector<16xf32>
        %mul3A_310 = arith.constant 4 : i32
        %mul3A_311 = arith.muli %scan3A_223, %mul3A_310 : i32
        %add3A_312 = arith.constant 2 : i32
        %add3A_313 = arith.addi %mul3A_311, %add3A_312 : i32
        %mul3A_314 = arith.constant 16 : i32
        %mul3A_315 = arith.muli %add3A_313, %mul3A_314 : i32
        %add3A_316 = arith.constant 4096 : i32
        %add3A_317 = arith.addi %add3A_316, %mul3A_315 : i32
        %get3A_318 = arith.index_cast %add3A_317 : i32 to index
        %get3A_319 = tpu.vector_load %arg5[%get3A_318] {strides = array<i32>} : memref<16384xf32, #tpu.memory_space<vmem>>, vector<16xf32>,
        %add3A_320 = arith.constant 0 : i32
        %add3A_321 = arith.addi %add3A_320, %mul3A_315 : i32
        %get3A_322 = arith.index_cast %add3A_321 : i32 to index
        %get3A_323 = tpu.vector_load %arg6[%get3A_322] {strides = array<i32>} : memref<4096xi32, #tpu.memory_space<vmem>>, vector<16xi32>,
        %shift_right_arithmetic3A_324 = arith.constant 16 : i32
        %shift_right_arithmetic3A_325 = vector.broadcast %shift_right_arithmetic3A_324 : i32 to vector<16xi32>
        %shift_right_arithmetic3A_326 = arith.shrsi %get3A_323, %shift_right_arithmetic3A_325 : vector<16xi32>
        %and3A_327 = arith.constant 1 : i32
        %and3A_328 = vector.broadcast %and3A_327 : i32 to vector<16xi32>
        %and3A_329 = arith.andi %shift_right_arithmetic3A_326, %and3A_328 : vector<16xi32>
        %eq3A_330 = arith.constant 0 : i32
        %eq3A_331 = vector.broadcast %eq3A_330 : i32 to vector<16xi32>
        %eq3A_332 = arith.cmpi eq, %and3A_329, %eq3A_331 : vector<16xi32>
        %jit3A_333 = arith.constant -1 : i32
        %broadcast_in_dim3A_334 = vector.broadcast %jit3A_333 : i32 to vector<16xi32>
        %select_n3A_335 = arith.select %eq3A_332, %iota3A, %broadcast_in_dim3A_334 : vector<16xi1>, vector<16xi32>
        %broadcast_in_dim3A_336 = arith.constant true
        %broadcast_in_dim3A_337 = vector.broadcast %broadcast_in_dim3A_336 : i1 to vector<16xi1>
        %masked_cummax3A_338 = arith.constant -2147483648 : i32
        %masked_cummax3A_339 = vector.broadcast %masked_cummax3A_338 : i32 to vector<16xi32>
        %masked_cummax3A_340 = arith.xori %select_n3A_335, %masked_cummax3A_339 : vector<16xi32>
        %masked_cummax3A_341 = tpu.scan <max>, %masked_cummax3A_340 masked %broadcast_in_dim3A_337 : vector<16xi32>, vector<16xi1> -> vector<16xi32>
        %masked_cummax3A_342 = arith.xori %masked_cummax3A_341, %masked_cummax3A_339 : vector<16xi32>
        %max3A_343 = arith.constant 0 : i32
        %max3A_344 = vector.broadcast %max3A_343 : i32 to vector<16xi32>
        %max3A_345 = arith.maxsi %masked_cummax3A_342, %max3A_344 : vector<16xi32>
        %broadcast_in_dim3A_346 = vector.shape_cast %max3A_345 : vector<16xi32> to vector<16x1xi32>
        %gather3A_347 = vector.shape_cast %broadcast_in_dim3A_346 : vector<16x1xi32> to vector<16xi32>
        %gather3A_348 = tpu.dynamic_gather %get3A_319[%gather3A_347] in [0] : vector<16xf32>, vector<16xi32> -> vector<16xf32>
        %ge3A_349 = arith.constant 0 : i32
        %ge3A_350 = vector.broadcast %ge3A_349 : i32 to vector<16xi32>
        %ge3A_351 = arith.cmpi sge, %masked_cummax3A_342, %ge3A_350 : vector<16xi32>
        %select_n3A_352 = arith.select %ge3A_351, %gather3A_348, %gather3A_309 : vector<16xi1>, vector<16xf32>
        %swap3A_353 = arith.index_cast %add3A_317 : i32 to index
        %swap3A_354 = tpu.vector_load %arg7[%swap3A_353] {strides = array<i32>} : memref<16384xf32, #tpu.memory_space<vmem>>, vector<16xf32>,
        tpu.vector_store %arg7[%swap3A_353], %select_n3A_352 {strides = array<i32>} : memref<16384xf32, #tpu.memory_space<vmem>>, vector<16xf32>,
        %broadcast_in_dim3A_355 = vector.shape_cast %broadcast_in_dim3A_3 : vector<16xi32> to vector<16x1xi32>
        %gather3A_356 = vector.shape_cast %broadcast_in_dim3A_355 : vector<16x1xi32> to vector<16xi32>
        %gather3A_357 = tpu.dynamic_gather %select_n3A_352[%gather3A_356] in [0] : vector<16xf32>, vector<16xi32> -> vector<16xf32>
        %mul3A_358 = arith.constant 4 : i32
        %mul3A_359 = arith.muli %scan3A_223, %mul3A_358 : i32
        %add3A_360 = arith.constant 3 : i32
        %add3A_361 = arith.addi %mul3A_359, %add3A_360 : i32
        %mul3A_362 = arith.constant 16 : i32
        %mul3A_363 = arith.muli %add3A_361, %mul3A_362 : i32
        %add3A_364 = arith.constant 4096 : i32
        %add3A_365 = arith.addi %add3A_364, %mul3A_363 : i32
        %get3A_366 = arith.index_cast %add3A_365 : i32 to index
        %get3A_367 = tpu.vector_load %arg5[%get3A_366] {strides = array<i32>} : memref<16384xf32, #tpu.memory_space<vmem>>, vector<16xf32>,
        %add3A_368 = arith.constant 0 : i32
        %add3A_369 = arith.addi %add3A_368, %mul3A_363 : i32
        %get3A_370 = arith.index_cast %add3A_369 : i32 to index
        %get3A_371 = tpu.vector_load %arg6[%get3A_370] {strides = array<i32>} : memref<4096xi32, #tpu.memory_space<vmem>>, vector<16xi32>,
        %shift_right_arithmetic3A_372 = arith.constant 16 : i32
        %shift_right_arithmetic3A_373 = vector.broadcast %shift_right_arithmetic3A_372 : i32 to vector<16xi32>
        %shift_right_arithmetic3A_374 = arith.shrsi %get3A_371, %shift_right_arithmetic3A_373 : vector<16xi32>
        %and3A_375 = arith.constant 1 : i32
        %and3A_376 = vector.broadcast %and3A_375 : i32 to vector<16xi32>
        %and3A_377 = arith.andi %shift_right_arithmetic3A_374, %and3A_376 : vector<16xi32>
        %eq3A_378 = arith.constant 0 : i32
        %eq3A_379 = vector.broadcast %eq3A_378 : i32 to vector<16xi32>
        %eq3A_380 = arith.cmpi eq, %and3A_377, %eq3A_379 : vector<16xi32>
        %jit3A_381 = arith.constant -1 : i32
        %broadcast_in_dim3A_382 = vector.broadcast %jit3A_381 : i32 to vector<16xi32>
        %select_n3A_383 = arith.select %eq3A_380, %iota3A, %broadcast_in_dim3A_382 : vector<16xi1>, vector<16xi32>
        %broadcast_in_dim3A_384 = arith.constant true
        %broadcast_in_dim3A_385 = vector.broadcast %broadcast_in_dim3A_384 : i1 to vector<16xi1>
        %masked_cummax3A_386 = arith.constant -2147483648 : i32
        %masked_cummax3A_387 = vector.broadcast %masked_cummax3A_386 : i32 to vector<16xi32>
        %masked_cummax3A_388 = arith.xori %select_n3A_383, %masked_cummax3A_387 : vector<16xi32>
        %masked_cummax3A_389 = tpu.scan <max>, %masked_cummax3A_388 masked %broadcast_in_dim3A_385 : vector<16xi32>, vector<16xi1> -> vector<16xi32>
        %masked_cummax3A_390 = arith.xori %masked_cummax3A_389, %masked_cummax3A_387 : vector<16xi32>
        %max3A_391 = arith.constant 0 : i32
        %max3A_392 = vector.broadcast %max3A_391 : i32 to vector<16xi32>
        %max3A_393 = arith.maxsi %masked_cummax3A_390, %max3A_392 : vector<16xi32>
        %broadcast_in_dim3A_394 = vector.shape_cast %max3A_393 : vector<16xi32> to vector<16x1xi32>
        %gather3A_395 = vector.shape_cast %broadcast_in_dim3A_394 : vector<16x1xi32> to vector<16xi32>
        %gather3A_396 = tpu.dynamic_gather %get3A_367[%gather3A_395] in [0] : vector<16xf32>, vector<16xi32> -> vector<16xf32>
        %ge3A_397 = arith.constant 0 : i32
        %ge3A_398 = vector.broadcast %ge3A_397 : i32 to vector<16xi32>
        %ge3A_399 = arith.cmpi sge, %masked_cummax3A_390, %ge3A_398 : vector<16xi32>
        %select_n3A_400 = arith.select %ge3A_399, %gather3A_396, %gather3A_357 : vector<16xi1>, vector<16xf32>
        %swap3A_401 = arith.index_cast %add3A_365 : i32 to index
        %swap3A_402 = tpu.vector_load %arg7[%swap3A_401] {strides = array<i32>} : memref<16384xf32, #tpu.memory_space<vmem>>, vector<16xf32>,
        tpu.vector_store %arg7[%swap3A_401], %select_n3A_400 {strides = array<i32>} : memref<16384xf32, #tpu.memory_space<vmem>>, vector<16xf32>,
        %broadcast_in_dim3A_403 = vector.shape_cast %broadcast_in_dim3A_3 : vector<16xi32> to vector<16x1xi32>
        %gather3A_404 = vector.shape_cast %broadcast_in_dim3A_403 : vector<16x1xi32> to vector<16xi32>
        %gather3A_405 = tpu.dynamic_gather %select_n3A_400[%gather3A_404] in [0] : vector<16xf32>, vector<16xi32> -> vector<16xf32>
        scf.yield %gather3A_405 : vector<16xf32>
      }
      %scan3A_124 = arith.constant 32 : i32
      %scan3A_125 = arith.constant 0 : i32
      %scan3A_126 = arith.constant 32 : i32
      %scan3A_127 = arith.addi %scan3A_125, %scan3A_126 : i32
      %scan3A_128 = arith.constant 1 : i32
      %scan3A_129 = scf.for %scan3A_223 = %scan3A_125 to %scan3A_127 step %scan3A_128 iter_args(%scan3A_224 = %scan3A_123) -> (vector<16xf32>)  : i32 {
        %mul3A_225 = arith.constant 4 : i32
        %mul3A_226 = arith.muli %scan3A_223, %mul3A_225 : i32
        %add3A_227 = arith.constant 0 : i32
        %add3A_228 = arith.addi %mul3A_226, %add3A_227 : i32
        %mul3A_229 = arith.constant 16 : i32
        %mul3A_230 = arith.muli %add3A_228, %mul3A_229 : i32
        %add3A_231 = arith.constant 6144 : i32
        %add3A_232 = arith.addi %add3A_231, %mul3A_230 : i32
        %get3A = arith.index_cast %add3A_232 : i32 to index
        %get3A_233 = tpu.vector_load %arg5[%get3A] {strides = array<i32>} : memref<16384xf32, #tpu.memory_space<vmem>>, vector<16xf32>,
        %add3A_234 = arith.constant 0 : i32
        %add3A_235 = arith.addi %add3A_234, %mul3A_230 : i32
        %get3A_236 = arith.index_cast %add3A_235 : i32 to index
        %get3A_237 = tpu.vector_load %arg6[%get3A_236] {strides = array<i32>} : memref<4096xi32, #tpu.memory_space<vmem>>, vector<16xi32>,
        %shift_right_arithmetic3A = arith.constant 24 : i32
        %shift_right_arithmetic3A_238 = vector.broadcast %shift_right_arithmetic3A : i32 to vector<16xi32>
        %shift_right_arithmetic3A_239 = arith.shrsi %get3A_237, %shift_right_arithmetic3A_238 : vector<16xi32>
        %and3A = arith.constant 1 : i32
        %and3A_240 = vector.broadcast %and3A : i32 to vector<16xi32>
        %and3A_241 = arith.andi %shift_right_arithmetic3A_239, %and3A_240 : vector<16xi32>
        %eq3A = arith.constant 0 : i32
        %eq3A_242 = vector.broadcast %eq3A : i32 to vector<16xi32>
        %eq3A_243 = arith.cmpi eq, %and3A_241, %eq3A_242 : vector<16xi32>
        %jit3A = arith.constant -1 : i32
        %broadcast_in_dim3A_244 = vector.broadcast %jit3A : i32 to vector<16xi32>
        %select_n3A = arith.select %eq3A_243, %iota3A, %broadcast_in_dim3A_244 : vector<16xi1>, vector<16xi32>
        %broadcast_in_dim3A_245 = arith.constant true
        %broadcast_in_dim3A_246 = vector.broadcast %broadcast_in_dim3A_245 : i1 to vector<16xi1>
        %masked_cummax3A = arith.constant -2147483648 : i32
        %masked_cummax3A_247 = vector.broadcast %masked_cummax3A : i32 to vector<16xi32>
        %masked_cummax3A_248 = arith.xori %select_n3A, %masked_cummax3A_247 : vector<16xi32>
        %masked_cummax3A_249 = tpu.scan <max>, %masked_cummax3A_248 masked %broadcast_in_dim3A_246 : vector<16xi32>, vector<16xi1> -> vector<16xi32>
        %masked_cummax3A_250 = arith.xori %masked_cummax3A_249, %masked_cummax3A_247 : vector<16xi32>
        %max3A = arith.constant 0 : i32
        %max3A_251 = vector.broadcast %max3A : i32 to vector<16xi32>
        %max3A_252 = arith.maxsi %masked_cummax3A_250, %max3A_251 : vector<16xi32>
        %broadcast_in_dim3A_253 = vector.shape_cast %max3A_252 : vector<16xi32> to vector<16x1xi32>
        %gather3A = vector.shape_cast %broadcast_in_dim3A_253 : vector<16x1xi32> to vector<16xi32>
        %gather3A_254 = tpu.dynamic_gather %get3A_233[%gather3A] in [0] : vector<16xf32>, vector<16xi32> -> vector<16xf32>
        %ge3A = arith.constant 0 : i32
        %ge3A_255 = vector.broadcast %ge3A : i32 to vector<16xi32>
        %ge3A_256 = arith.cmpi sge, %masked_cummax3A_250, %ge3A_255 : vector<16xi32>
        %select_n3A_257 = arith.select %ge3A_256, %gather3A_254, %scan3A_224 : vector<16xi1>, vector<16xf32>
        %swap3A = arith.index_cast %add3A_232 : i32 to index
        %swap3A_258 = tpu.vector_load %arg7[%swap3A] {strides = array<i32>} : memref<16384xf32, #tpu.memory_space<vmem>>, vector<16xf32>,
        tpu.vector_store %arg7[%swap3A], %select_n3A_257 {strides = array<i32>} : memref<16384xf32, #tpu.memory_space<vmem>>, vector<16xf32>,
        %broadcast_in_dim3A_259 = vector.shape_cast %broadcast_in_dim3A_3 : vector<16xi32> to vector<16x1xi32>
        %gather3A_260 = vector.shape_cast %broadcast_in_dim3A_259 : vector<16x1xi32> to vector<16xi32>
        %gather3A_261 = tpu.dynamic_gather %select_n3A_257[%gather3A_260] in [0] : vector<16xf32>, vector<16xi32> -> vector<16xf32>
        %mul3A_262 = arith.constant 4 : i32
        %mul3A_263 = arith.muli %scan3A_223, %mul3A_262 : i32
        %add3A_264 = arith.constant 1 : i32
        %add3A_265 = arith.addi %mul3A_263, %add3A_264 : i32
        %mul3A_266 = arith.constant 16 : i32
        %mul3A_267 = arith.muli %add3A_265, %mul3A_266 : i32
        %add3A_268 = arith.constant 6144 : i32
        %add3A_269 = arith.addi %add3A_268, %mul3A_267 : i32
        %get3A_270 = arith.index_cast %add3A_269 : i32 to index
        %get3A_271 = tpu.vector_load %arg5[%get3A_270] {strides = array<i32>} : memref<16384xf32, #tpu.memory_space<vmem>>, vector<16xf32>,
        %add3A_272 = arith.constant 0 : i32
        %add3A_273 = arith.addi %add3A_272, %mul3A_267 : i32
        %get3A_274 = arith.index_cast %add3A_273 : i32 to index
        %get3A_275 = tpu.vector_load %arg6[%get3A_274] {strides = array<i32>} : memref<4096xi32, #tpu.memory_space<vmem>>, vector<16xi32>,
        %shift_right_arithmetic3A_276 = arith.constant 24 : i32
        %shift_right_arithmetic3A_277 = vector.broadcast %shift_right_arithmetic3A_276 : i32 to vector<16xi32>
        %shift_right_arithmetic3A_278 = arith.shrsi %get3A_275, %shift_right_arithmetic3A_277 : vector<16xi32>
        %and3A_279 = arith.constant 1 : i32
        %and3A_280 = vector.broadcast %and3A_279 : i32 to vector<16xi32>
        %and3A_281 = arith.andi %shift_right_arithmetic3A_278, %and3A_280 : vector<16xi32>
        %eq3A_282 = arith.constant 0 : i32
        %eq3A_283 = vector.broadcast %eq3A_282 : i32 to vector<16xi32>
        %eq3A_284 = arith.cmpi eq, %and3A_281, %eq3A_283 : vector<16xi32>
        %jit3A_285 = arith.constant -1 : i32
        %broadcast_in_dim3A_286 = vector.broadcast %jit3A_285 : i32 to vector<16xi32>
        %select_n3A_287 = arith.select %eq3A_284, %iota3A, %broadcast_in_dim3A_286 : vector<16xi1>, vector<16xi32>
        %broadcast_in_dim3A_288 = arith.constant true
        %broadcast_in_dim3A_289 = vector.broadcast %broadcast_in_dim3A_288 : i1 to vector<16xi1>
        %masked_cummax3A_290 = arith.constant -2147483648 : i32
        %masked_cummax3A_291 = vector.broadcast %masked_cummax3A_290 : i32 to vector<16xi32>
        %masked_cummax3A_292 = arith.xori %select_n3A_287, %masked_cummax3A_291 : vector<16xi32>
        %masked_cummax3A_293 = tpu.scan <max>, %masked_cummax3A_292 masked %broadcast_in_dim3A_289 : vector<16xi32>, vector<16xi1> -> vector<16xi32>
        %masked_cummax3A_294 = arith.xori %masked_cummax3A_293, %masked_cummax3A_291 : vector<16xi32>
        %max3A_295 = arith.constant 0 : i32
        %max3A_296 = vector.broadcast %max3A_295 : i32 to vector<16xi32>
        %max3A_297 = arith.maxsi %masked_cummax3A_294, %max3A_296 : vector<16xi32>
        %broadcast_in_dim3A_298 = vector.shape_cast %max3A_297 : vector<16xi32> to vector<16x1xi32>
        %gather3A_299 = vector.shape_cast %broadcast_in_dim3A_298 : vector<16x1xi32> to vector<16xi32>
        %gather3A_300 = tpu.dynamic_gather %get3A_271[%gather3A_299] in [0] : vector<16xf32>, vector<16xi32> -> vector<16xf32>
        %ge3A_301 = arith.constant 0 : i32
        %ge3A_302 = vector.broadcast %ge3A_301 : i32 to vector<16xi32>
        %ge3A_303 = arith.cmpi sge, %masked_cummax3A_294, %ge3A_302 : vector<16xi32>
        %select_n3A_304 = arith.select %ge3A_303, %gather3A_300, %gather3A_261 : vector<16xi1>, vector<16xf32>
        %swap3A_305 = arith.index_cast %add3A_269 : i32 to index
        %swap3A_306 = tpu.vector_load %arg7[%swap3A_305] {strides = array<i32>} : memref<16384xf32, #tpu.memory_space<vmem>>, vector<16xf32>,
        tpu.vector_store %arg7[%swap3A_305], %select_n3A_304 {strides = array<i32>} : memref<16384xf32, #tpu.memory_space<vmem>>, vector<16xf32>,
        %broadcast_in_dim3A_307 = vector.shape_cast %broadcast_in_dim3A_3 : vector<16xi32> to vector<16x1xi32>
        %gather3A_308 = vector.shape_cast %broadcast_in_dim3A_307 : vector<16x1xi32> to vector<16xi32>
        %gather3A_309 = tpu.dynamic_gather %select_n3A_304[%gather3A_308] in [0] : vector<16xf32>, vector<16xi32> -> vector<16xf32>
        %mul3A_310 = arith.constant 4 : i32
        %mul3A_311 = arith.muli %scan3A_223, %mul3A_310 : i32
        %add3A_312 = arith.constant 2 : i32
        %add3A_313 = arith.addi %mul3A_311, %add3A_312 : i32
        %mul3A_314 = arith.constant 16 : i32
        %mul3A_315 = arith.muli %add3A_313, %mul3A_314 : i32
        %add3A_316 = arith.constant 6144 : i32
        %add3A_317 = arith.addi %add3A_316, %mul3A_315 : i32
        %get3A_318 = arith.index_cast %add3A_317 : i32 to index
        %get3A_319 = tpu.vector_load %arg5[%get3A_318] {strides = array<i32>} : memref<16384xf32, #tpu.memory_space<vmem>>, vector<16xf32>,
        %add3A_320 = arith.constant 0 : i32
        %add3A_321 = arith.addi %add3A_320, %mul3A_315 : i32
        %get3A_322 = arith.index_cast %add3A_321 : i32 to index
        %get3A_323 = tpu.vector_load %arg6[%get3A_322] {strides = array<i32>} : memref<4096xi32, #tpu.memory_space<vmem>>, vector<16xi32>,
        %shift_right_arithmetic3A_324 = arith.constant 24 : i32
        %shift_right_arithmetic3A_325 = vector.broadcast %shift_right_arithmetic3A_324 : i32 to vector<16xi32>
        %shift_right_arithmetic3A_326 = arith.shrsi %get3A_323, %shift_right_arithmetic3A_325 : vector<16xi32>
        %and3A_327 = arith.constant 1 : i32
        %and3A_328 = vector.broadcast %and3A_327 : i32 to vector<16xi32>
        %and3A_329 = arith.andi %shift_right_arithmetic3A_326, %and3A_328 : vector<16xi32>
        %eq3A_330 = arith.constant 0 : i32
        %eq3A_331 = vector.broadcast %eq3A_330 : i32 to vector<16xi32>
        %eq3A_332 = arith.cmpi eq, %and3A_329, %eq3A_331 : vector<16xi32>
        %jit3A_333 = arith.constant -1 : i32
        %broadcast_in_dim3A_334 = vector.broadcast %jit3A_333 : i32 to vector<16xi32>
        %select_n3A_335 = arith.select %eq3A_332, %iota3A, %broadcast_in_dim3A_334 : vector<16xi1>, vector<16xi32>
        %broadcast_in_dim3A_336 = arith.constant true
        %broadcast_in_dim3A_337 = vector.broadcast %broadcast_in_dim3A_336 : i1 to vector<16xi1>
        %masked_cummax3A_338 = arith.constant -2147483648 : i32
        %masked_cummax3A_339 = vector.broadcast %masked_cummax3A_338 : i32 to vector<16xi32>
        %masked_cummax3A_340 = arith.xori %select_n3A_335, %masked_cummax3A_339 : vector<16xi32>
        %masked_cummax3A_341 = tpu.scan <max>, %masked_cummax3A_340 masked %broadcast_in_dim3A_337 : vector<16xi32>, vector<16xi1> -> vector<16xi32>
        %masked_cummax3A_342 = arith.xori %masked_cummax3A_341, %masked_cummax3A_339 : vector<16xi32>
        %max3A_343 = arith.constant 0 : i32
        %max3A_344 = vector.broadcast %max3A_343 : i32 to vector<16xi32>
        %max3A_345 = arith.maxsi %masked_cummax3A_342, %max3A_344 : vector<16xi32>
        %broadcast_in_dim3A_346 = vector.shape_cast %max3A_345 : vector<16xi32> to vector<16x1xi32>
        %gather3A_347 = vector.shape_cast %broadcast_in_dim3A_346 : vector<16x1xi32> to vector<16xi32>
        %gather3A_348 = tpu.dynamic_gather %get3A_319[%gather3A_347] in [0] : vector<16xf32>, vector<16xi32> -> vector<16xf32>
        %ge3A_349 = arith.constant 0 : i32
        %ge3A_350 = vector.broadcast %ge3A_349 : i32 to vector<16xi32>
        %ge3A_351 = arith.cmpi sge, %masked_cummax3A_342, %ge3A_350 : vector<16xi32>
        %select_n3A_352 = arith.select %ge3A_351, %gather3A_348, %gather3A_309 : vector<16xi1>, vector<16xf32>
        %swap3A_353 = arith.index_cast %add3A_317 : i32 to index
        %swap3A_354 = tpu.vector_load %arg7[%swap3A_353] {strides = array<i32>} : memref<16384xf32, #tpu.memory_space<vmem>>, vector<16xf32>,
        tpu.vector_store %arg7[%swap3A_353], %select_n3A_352 {strides = array<i32>} : memref<16384xf32, #tpu.memory_space<vmem>>, vector<16xf32>,
        %broadcast_in_dim3A_355 = vector.shape_cast %broadcast_in_dim3A_3 : vector<16xi32> to vector<16x1xi32>
        %gather3A_356 = vector.shape_cast %broadcast_in_dim3A_355 : vector<16x1xi32> to vector<16xi32>
        %gather3A_357 = tpu.dynamic_gather %select_n3A_352[%gather3A_356] in [0] : vector<16xf32>, vector<16xi32> -> vector<16xf32>
        %mul3A_358 = arith.constant 4 : i32
        %mul3A_359 = arith.muli %scan3A_223, %mul3A_358 : i32
        %add3A_360 = arith.constant 3 : i32
        %add3A_361 = arith.addi %mul3A_359, %add3A_360 : i32
        %mul3A_362 = arith.constant 16 : i32
        %mul3A_363 = arith.muli %add3A_361, %mul3A_362 : i32
        %add3A_364 = arith.constant 6144 : i32
        %add3A_365 = arith.addi %add3A_364, %mul3A_363 : i32
        %get3A_366 = arith.index_cast %add3A_365 : i32 to index
        %get3A_367 = tpu.vector_load %arg5[%get3A_366] {strides = array<i32>} : memref<16384xf32, #tpu.memory_space<vmem>>, vector<16xf32>,
        %add3A_368 = arith.constant 0 : i32
        %add3A_369 = arith.addi %add3A_368, %mul3A_363 : i32
        %get3A_370 = arith.index_cast %add3A_369 : i32 to index
        %get3A_371 = tpu.vector_load %arg6[%get3A_370] {strides = array<i32>} : memref<4096xi32, #tpu.memory_space<vmem>>, vector<16xi32>,
        %shift_right_arithmetic3A_372 = arith.constant 24 : i32
        %shift_right_arithmetic3A_373 = vector.broadcast %shift_right_arithmetic3A_372 : i32 to vector<16xi32>
        %shift_right_arithmetic3A_374 = arith.shrsi %get3A_371, %shift_right_arithmetic3A_373 : vector<16xi32>
        %and3A_375 = arith.constant 1 : i32
        %and3A_376 = vector.broadcast %and3A_375 : i32 to vector<16xi32>
        %and3A_377 = arith.andi %shift_right_arithmetic3A_374, %and3A_376 : vector<16xi32>
        %eq3A_378 = arith.constant 0 : i32
        %eq3A_379 = vector.broadcast %eq3A_378 : i32 to vector<16xi32>
        %eq3A_380 = arith.cmpi eq, %and3A_377, %eq3A_379 : vector<16xi32>
        %jit3A_381 = arith.constant -1 : i32
        %broadcast_in_dim3A_382 = vector.broadcast %jit3A_381 : i32 to vector<16xi32>
        %select_n3A_383 = arith.select %eq3A_380, %iota3A, %broadcast_in_dim3A_382 : vector<16xi1>, vector<16xi32>
        %broadcast_in_dim3A_384 = arith.constant true
        %broadcast_in_dim3A_385 = vector.broadcast %broadcast_in_dim3A_384 : i1 to vector<16xi1>
        %masked_cummax3A_386 = arith.constant -2147483648 : i32
        %masked_cummax3A_387 = vector.broadcast %masked_cummax3A_386 : i32 to vector<16xi32>
        %masked_cummax3A_388 = arith.xori %select_n3A_383, %masked_cummax3A_387 : vector<16xi32>
        %masked_cummax3A_389 = tpu.scan <max>, %masked_cummax3A_388 masked %broadcast_in_dim3A_385 : vector<16xi32>, vector<16xi1> -> vector<16xi32>
        %masked_cummax3A_390 = arith.xori %masked_cummax3A_389, %masked_cummax3A_387 : vector<16xi32>
        %max3A_391 = arith.constant 0 : i32
        %max3A_392 = vector.broadcast %max3A_391 : i32 to vector<16xi32>
        %max3A_393 = arith.maxsi %masked_cummax3A_390, %max3A_392 : vector<16xi32>
        %broadcast_in_dim3A_394 = vector.shape_cast %max3A_393 : vector<16xi32> to vector<16x1xi32>
        %gather3A_395 = vector.shape_cast %broadcast_in_dim3A_394 : vector<16x1xi32> to vector<16xi32>
        %gather3A_396 = tpu.dynamic_gather %get3A_367[%gather3A_395] in [0] : vector<16xf32>, vector<16xi32> -> vector<16xf32>
        %ge3A_397 = arith.constant 0 : i32
        %ge3A_398 = vector.broadcast %ge3A_397 : i32 to vector<16xi32>
        %ge3A_399 = arith.cmpi sge, %masked_cummax3A_390, %ge3A_398 : vector<16xi32>
        %select_n3A_400 = arith.select %ge3A_399, %gather3A_396, %gather3A_357 : vector<16xi1>, vector<16xf32>
        %swap3A_401 = arith.index_cast %add3A_365 : i32 to index
        %swap3A_402 = tpu.vector_load %arg7[%swap3A_401] {strides = array<i32>} : memref<16384xf32, #tpu.memory_space<vmem>>, vector<16xf32>,
        tpu.vector_store %arg7[%swap3A_401], %select_n3A_400 {strides = array<i32>} : memref<16384xf32, #tpu.memory_space<vmem>>, vector<16xf32>,
        %broadcast_in_dim3A_403 = vector.shape_cast %broadcast_in_dim3A_3 : vector<16xi32> to vector<16x1xi32>
        %gather3A_404 = vector.shape_cast %broadcast_in_dim3A_403 : vector<16x1xi32> to vector<16xi32>
        %gather3A_405 = tpu.dynamic_gather %select_n3A_400[%gather3A_404] in [0] : vector<16xf32>, vector<16xi32> -> vector<16xf32>
        scf.yield %gather3A_405 : vector<16xf32>
      }
      %scan3A_130 = arith.constant 32 : i32
      %dma_start3A_131 = arith.constant 0 : i32
      %dma_start3A_132 = tpu.memref_slice %arg7[%dma_start3A_131] : memref<16384xf32, #tpu.memory_space<vmem>> -> memref<8192xf32, #tpu.memory_space<vmem>>
      %dma_start3A_133 = arith.constant 0 : i32
      %dma_start3A_134 = tpu.memref_slice %arg4[%add3A_80, %dma_start3A_133] : memref<1024x8192xf32, #tpu.memory_space<hbm>> -> memref<1x8192xf32, #tpu.memory_space<hbm>>
      %dma_start3A_135 = tpu.memref_squeeze %dma_start3A_134 : memref<1x8192xf32, #tpu.memory_space<hbm>> -> memref<8192xf32, #tpu.memory_space<hbm>>
      %dma_start3A_136 = arith.constant 0 : i32
      %dma_start3A_137 = tpu.memref_slice %arg4[%add3A_80, %dma_start3A_136] : memref<1024x8192xf32, #tpu.memory_space<hbm>> -> memref<1x8192xf32, #tpu.memory_space<hbm>>
      %dma_start3A_138 = tpu.memref_squeeze %dma_start3A_137 : memref<1x8192xf32, #tpu.memory_space<hbm>> -> memref<8192xf32, #tpu.memory_space<hbm>>
      %dma_start3A_139 = arith.constant 0 : i32
      %dma_start3A_140 = tpu.memref_slice %arg7[%dma_start3A_139] : memref<16384xf32, #tpu.memory_space<vmem>> -> memref<8192xf32, #tpu.memory_space<vmem>>
      tpu.enqueue_dma source(%dma_start3A_140 : memref<8192xf32, #tpu.memory_space<vmem>>) target(%dma_start3A_138 : memref<8192xf32, #tpu.memory_space<hbm>>) target_semaphore(%arg10 : memref<!tpu.dma_semaphore, #tpu.memory_space<semaphore_mem>>)
      %add3A_141 = arith.constant 1 : i32
      %add3A_142 = arith.addi %scan3A_74, %add3A_141 : i32
      %lt3A = arith.constant 16 : i32
      %lt3A_143 = arith.cmpi slt, %add3A_142, %lt3A : i32
      %convert_element_type3A_144 = arith.extui %lt3A_143 : i1 to i32
      %cond3A_145 = arith.constant 0 : i32
      %cond3A_146 = arith.cmpi ne, %convert_element_type3A_144, %cond3A_145 : i32
      scf.if %cond3A_146 {
        %add3A_223 = arith.constant 2 : i32
        %add3A_224 = arith.addi %add3A_80, %add3A_223 : i32
        %dma_start3A_225 = arith.constant 0 : i32
        %dma_start3A_226 = tpu.memref_slice %arg5[%dma_start3A_225] : memref<16384xf32, #tpu.memory_space<vmem>> -> memref<8192xf32, #tpu.memory_space<vmem>>
        %dma_start3A_227 = arith.constant 0 : i32
        %dma_start3A_228 = tpu.memref_slice %arg2[%add3A_224, %dma_start3A_227] : memref<1024x8192xf32, #tpu.memory_space<hbm>> -> memref<1x8192xf32, #tpu.memory_space<hbm>>
        %dma_start3A_229 = tpu.memref_squeeze %dma_start3A_228 : memref<1x8192xf32, #tpu.memory_space<hbm>> -> memref<8192xf32, #tpu.memory_space<hbm>>
        %dma_start3A_230 = arith.constant 0 : i32
        %dma_start3A_231 = tpu.memref_slice %arg5[%dma_start3A_230] : memref<16384xf32, #tpu.memory_space<vmem>> -> memref<8192xf32, #tpu.memory_space<vmem>>
        %dma_start3A_232 = arith.constant 0 : i32
        %dma_start3A_233 = tpu.memref_slice %arg2[%add3A_224, %dma_start3A_232] : memref<1024x8192xf32, #tpu.memory_space<hbm>> -> memref<1x8192xf32, #tpu.memory_space<hbm>>
        %dma_start3A_234 = tpu.memref_squeeze %dma_start3A_233 : memref<1x8192xf32, #tpu.memory_space<hbm>> -> memref<8192xf32, #tpu.memory_space<hbm>>
        tpu.enqueue_dma source(%dma_start3A_234 : memref<8192xf32, #tpu.memory_space<hbm>>) target(%dma_start3A_231 : memref<8192xf32, #tpu.memory_space<vmem>>) target_semaphore(%arg8 : memref<!tpu.dma_semaphore, #tpu.memory_space<semaphore_mem>>)
        %dma_start3A_235 = arith.constant 0 : i32
        %dma_start3A_236 = tpu.memref_slice %arg6[%dma_start3A_235] : memref<4096xi32, #tpu.memory_space<vmem>> -> memref<2048xi32, #tpu.memory_space<vmem>>
        %dma_start3A_237 = arith.constant 0 : i32
        %dma_start3A_238 = tpu.memref_slice %arg3[%add3A_224, %dma_start3A_237] : memref<1024x2048xi32, #tpu.memory_space<hbm>> -> memref<1x2048xi32, #tpu.memory_space<hbm>>
        %dma_start3A_239 = tpu.memref_squeeze %dma_start3A_238 : memref<1x2048xi32, #tpu.memory_space<hbm>> -> memref<2048xi32, #tpu.memory_space<hbm>>
        %dma_start3A_240 = arith.constant 0 : i32
        %dma_start3A_241 = tpu.memref_slice %arg6[%dma_start3A_240] : memref<4096xi32, #tpu.memory_space<vmem>> -> memref<2048xi32, #tpu.memory_space<vmem>>
        %dma_start3A_242 = arith.constant 0 : i32
        %dma_start3A_243 = tpu.memref_slice %arg3[%add3A_224, %dma_start3A_242] : memref<1024x2048xi32, #tpu.memory_space<hbm>> -> memref<1x2048xi32, #tpu.memory_space<hbm>>
        %dma_start3A_244 = tpu.memref_squeeze %dma_start3A_243 : memref<1x2048xi32, #tpu.memory_space<hbm>> -> memref<2048xi32, #tpu.memory_space<hbm>>
        tpu.enqueue_dma source(%dma_start3A_244 : memref<2048xi32, #tpu.memory_space<hbm>>) target(%dma_start3A_241 : memref<2048xi32, #tpu.memory_space<vmem>>) target_semaphore(%arg8 : memref<!tpu.dma_semaphore, #tpu.memory_space<semaphore_mem>>)
      } else {
      }
      %mul3A_147 = arith.constant 2 : i32
      %mul3A_148 = arith.muli %scan3A_74, %mul3A_147 : i32
      %add3A_149 = arith.addi %mul3A_2, %mul3A_148 : i32
      %add3A_150 = arith.constant 1 : i32
      %add3A_151 = arith.addi %add3A_149, %add3A_150 : i32
      %dma_wait3A_152 = arith.constant 0 : i32
      %dma_wait3A_153 = arith.constant 8192 : i32
      %dma_wait3A_154 = tpu.memref_slice %arg5[%dma_wait3A_153] : memref<16384xf32, #tpu.memory_space<vmem>> -> memref<8192xf32, #tpu.memory_space<vmem>>
      %dma_wait3A_155 = arith.constant 0 : i32
      %dma_wait3A_156 = tpu.memref_slice %arg2[%dma_wait3A_152, %dma_wait3A_155] : memref<1024x8192xf32, #tpu.memory_space<hbm>> -> memref<1x8192xf32, #tpu.memory_space<hbm>>
      %dma_wait3A_157 = tpu.memref_squeeze %dma_wait3A_156 : memref<1x8192xf32, #tpu.memory_space<hbm>> -> memref<8192xf32, #tpu.memory_space<hbm>>
      %dma_wait3A_158 = arith.constant 8192 : i32
      %dma_wait3A_159 = tpu.memref_slice %arg5[%dma_wait3A_158] : memref<16384xf32, #tpu.memory_space<vmem>> -> memref<8192xf32, #tpu.memory_space<vmem>>
      %dma_wait3A_160 = arith.constant 0 : i32
      %dma_wait3A_161 = tpu.memref_slice %arg2[%dma_wait3A_152, %dma_wait3A_160] : memref<1024x8192xf32, #tpu.memory_space<hbm>> -> memref<1x8192xf32, #tpu.memory_space<hbm>>
      %dma_wait3A_162 = tpu.memref_squeeze %dma_wait3A_161 : memref<1x8192xf32, #tpu.memory_space<hbm>> -> memref<8192xf32, #tpu.memory_space<hbm>>
      tpu.wait_dma2 semaphore(%arg9 : memref<!tpu.dma_semaphore, #tpu.memory_space<semaphore_mem>>) src(%dma_wait3A_162 : memref<8192xf32, #tpu.memory_space<hbm>>) dst(%dma_wait3A_159 : memref<8192xf32, #tpu.memory_space<vmem>>)
      %dma_wait3A_163 = arith.constant 0 : i32
      %dma_wait3A_164 = arith.constant 2048 : i32
      %dma_wait3A_165 = tpu.memref_slice %arg6[%dma_wait3A_164] : memref<4096xi32, #tpu.memory_space<vmem>> -> memref<2048xi32, #tpu.memory_space<vmem>>
      %dma_wait3A_166 = arith.constant 0 : i32
      %dma_wait3A_167 = tpu.memref_slice %arg3[%dma_wait3A_163, %dma_wait3A_166] : memref<1024x2048xi32, #tpu.memory_space<hbm>> -> memref<1x2048xi32, #tpu.memory_space<hbm>>
      %dma_wait3A_168 = tpu.memref_squeeze %dma_wait3A_167 : memref<1x2048xi32, #tpu.memory_space<hbm>> -> memref<2048xi32, #tpu.memory_space<hbm>>
      %dma_wait3A_169 = arith.constant 2048 : i32
      %dma_wait3A_170 = tpu.memref_slice %arg6[%dma_wait3A_169] : memref<4096xi32, #tpu.memory_space<vmem>> -> memref<2048xi32, #tpu.memory_space<vmem>>
      %dma_wait3A_171 = arith.constant 0 : i32
      %dma_wait3A_172 = tpu.memref_slice %arg3[%dma_wait3A_163, %dma_wait3A_171] : memref<1024x2048xi32, #tpu.memory_space<hbm>> -> memref<1x2048xi32, #tpu.memory_space<hbm>>
      %dma_wait3A_173 = tpu.memref_squeeze %dma_wait3A_172 : memref<1x2048xi32, #tpu.memory_space<hbm>> -> memref<2048xi32, #tpu.memory_space<hbm>>
      tpu.wait_dma2 semaphore(%arg9 : memref<!tpu.dma_semaphore, #tpu.memory_space<semaphore_mem>>) src(%dma_wait3A_173 : memref<2048xi32, #tpu.memory_space<hbm>>) dst(%dma_wait3A_170 : memref<2048xi32, #tpu.memory_space<vmem>>)
      %gt3A_174 = arith.constant 0 : i32
      %gt3A_175 = arith.cmpi sgt, %scan3A_74, %gt3A_174 : i32
      %convert_element_type3A_176 = arith.extui %gt3A_175 : i1 to i32
      %cond3A_177 = arith.constant 0 : i32
      %cond3A_178 = arith.cmpi ne, %convert_element_type3A_176, %cond3A_177 : i32
      scf.if %cond3A_178 {
        %dma_wait3A_223 = arith.constant 0 : i32
        %dma_wait3A_224 = arith.constant 8192 : i32
        %dma_wait3A_225 = tpu.memref_slice %arg7[%dma_wait3A_224] : memref<16384xf32, #tpu.memory_space<vmem>> -> memref<8192xf32, #tpu.memory_space<vmem>>
        %dma_wait3A_226 = arith.constant 0 : i32
        %dma_wait3A_227 = tpu.memref_slice %arg4[%dma_wait3A_223, %dma_wait3A_226] : memref<1024x8192xf32, #tpu.memory_space<hbm>> -> memref<1x8192xf32, #tpu.memory_space<hbm>>
        %dma_wait3A_228 = tpu.memref_squeeze %dma_wait3A_227 : memref<1x8192xf32, #tpu.memory_space<hbm>> -> memref<8192xf32, #tpu.memory_space<hbm>>
        %dma_wait3A_229 = arith.constant 8192 : i32
        %dma_wait3A_230 = tpu.memref_slice %arg7[%dma_wait3A_229] : memref<16384xf32, #tpu.memory_space<vmem>> -> memref<8192xf32, #tpu.memory_space<vmem>>
        %dma_wait3A_231 = arith.constant 0 : i32
        %dma_wait3A_232 = tpu.memref_slice %arg4[%dma_wait3A_223, %dma_wait3A_231] : memref<1024x8192xf32, #tpu.memory_space<hbm>> -> memref<1x8192xf32, #tpu.memory_space<hbm>>
        %dma_wait3A_233 = tpu.memref_squeeze %dma_wait3A_232 : memref<1x8192xf32, #tpu.memory_space<hbm>> -> memref<8192xf32, #tpu.memory_space<hbm>>
        tpu.wait_dma2 semaphore(%arg11 : memref<!tpu.dma_semaphore, #tpu.memory_space<semaphore_mem>>) src(%dma_wait3A_233 : memref<8192xf32, #tpu.memory_space<hbm>>) dst(%dma_wait3A_230 : memref<8192xf32, #tpu.memory_space<vmem>>)
      } else {
      }
      %broadcast_in_dim3A_179 = arith.constant 0.000000e+00 : f32
      %broadcast_in_dim3A_180 = vector.broadcast %broadcast_in_dim3A_179 : f32 to vector<16xf32>
      %scan3A_181 = arith.constant 0 : i32
      %scan3A_182 = arith.constant 32 : i32
      %scan3A_183 = arith.addi %scan3A_181, %scan3A_182 : i32
      %scan3A_184 = arith.constant 1 : i32
      %scan3A_185 = scf.for %scan3A_223 = %scan3A_181 to %scan3A_183 step %scan3A_184 iter_args(%scan3A_224 = %broadcast_in_dim3A_180) -> (vector<16xf32>)  : i32 {
        %mul3A_225 = arith.constant 4 : i32
        %mul3A_226 = arith.muli %scan3A_223, %mul3A_225 : i32
        %add3A_227 = arith.constant 0 : i32
        %add3A_228 = arith.addi %mul3A_226, %add3A_227 : i32
        %mul3A_229 = arith.constant 16 : i32
        %mul3A_230 = arith.muli %add3A_228, %mul3A_229 : i32
        %add3A_231 = arith.constant 8192 : i32
        %add3A_232 = arith.addi %add3A_231, %mul3A_230 : i32
        %get3A = arith.index_cast %add3A_232 : i32 to index
        %get3A_233 = tpu.vector_load %arg5[%get3A] {strides = array<i32>} : memref<16384xf32, #tpu.memory_space<vmem>>, vector<16xf32>,
        %add3A_234 = arith.constant 2048 : i32
        %add3A_235 = arith.addi %add3A_234, %mul3A_230 : i32
        %get3A_236 = arith.index_cast %add3A_235 : i32 to index
        %get3A_237 = tpu.vector_load %arg6[%get3A_236] {strides = array<i32>} : memref<4096xi32, #tpu.memory_space<vmem>>, vector<16xi32>,
        %shift_right_arithmetic3A = arith.constant 0 : i32
        %shift_right_arithmetic3A_238 = vector.broadcast %shift_right_arithmetic3A : i32 to vector<16xi32>
        %shift_right_arithmetic3A_239 = arith.shrsi %get3A_237, %shift_right_arithmetic3A_238 : vector<16xi32>
        %and3A = arith.constant 1 : i32
        %and3A_240 = vector.broadcast %and3A : i32 to vector<16xi32>
        %and3A_241 = arith.andi %shift_right_arithmetic3A_239, %and3A_240 : vector<16xi32>
        %eq3A = arith.constant 0 : i32
        %eq3A_242 = vector.broadcast %eq3A : i32 to vector<16xi32>
        %eq3A_243 = arith.cmpi eq, %and3A_241, %eq3A_242 : vector<16xi32>
        %jit3A = arith.constant -1 : i32
        %broadcast_in_dim3A_244 = vector.broadcast %jit3A : i32 to vector<16xi32>
        %select_n3A = arith.select %eq3A_243, %iota3A, %broadcast_in_dim3A_244 : vector<16xi1>, vector<16xi32>
        %broadcast_in_dim3A_245 = arith.constant true
        %broadcast_in_dim3A_246 = vector.broadcast %broadcast_in_dim3A_245 : i1 to vector<16xi1>
        %masked_cummax3A = arith.constant -2147483648 : i32
        %masked_cummax3A_247 = vector.broadcast %masked_cummax3A : i32 to vector<16xi32>
        %masked_cummax3A_248 = arith.xori %select_n3A, %masked_cummax3A_247 : vector<16xi32>
        %masked_cummax3A_249 = tpu.scan <max>, %masked_cummax3A_248 masked %broadcast_in_dim3A_246 : vector<16xi32>, vector<16xi1> -> vector<16xi32>
        %masked_cummax3A_250 = arith.xori %masked_cummax3A_249, %masked_cummax3A_247 : vector<16xi32>
        %max3A = arith.constant 0 : i32
        %max3A_251 = vector.broadcast %max3A : i32 to vector<16xi32>
        %max3A_252 = arith.maxsi %masked_cummax3A_250, %max3A_251 : vector<16xi32>
        %broadcast_in_dim3A_253 = vector.shape_cast %max3A_252 : vector<16xi32> to vector<16x1xi32>
        %gather3A = vector.shape_cast %broadcast_in_dim3A_253 : vector<16x1xi32> to vector<16xi32>
        %gather3A_254 = tpu.dynamic_gather %get3A_233[%gather3A] in [0] : vector<16xf32>, vector<16xi32> -> vector<16xf32>
        %ge3A = arith.constant 0 : i32
        %ge3A_255 = vector.broadcast %ge3A : i32 to vector<16xi32>
        %ge3A_256 = arith.cmpi sge, %masked_cummax3A_250, %ge3A_255 : vector<16xi32>
        %select_n3A_257 = arith.select %ge3A_256, %gather3A_254, %scan3A_224 : vector<16xi1>, vector<16xf32>
        %swap3A = arith.index_cast %add3A_232 : i32 to index
        %swap3A_258 = tpu.vector_load %arg7[%swap3A] {strides = array<i32>} : memref<16384xf32, #tpu.memory_space<vmem>>, vector<16xf32>,
        tpu.vector_store %arg7[%swap3A], %select_n3A_257 {strides = array<i32>} : memref<16384xf32, #tpu.memory_space<vmem>>, vector<16xf32>,
        %broadcast_in_dim3A_259 = vector.shape_cast %broadcast_in_dim3A_3 : vector<16xi32> to vector<16x1xi32>
        %gather3A_260 = vector.shape_cast %broadcast_in_dim3A_259 : vector<16x1xi32> to vector<16xi32>
        %gather3A_261 = tpu.dynamic_gather %select_n3A_257[%gather3A_260] in [0] : vector<16xf32>, vector<16xi32> -> vector<16xf32>
        %mul3A_262 = arith.constant 4 : i32
        %mul3A_263 = arith.muli %scan3A_223, %mul3A_262 : i32
        %add3A_264 = arith.constant 1 : i32
        %add3A_265 = arith.addi %mul3A_263, %add3A_264 : i32
        %mul3A_266 = arith.constant 16 : i32
        %mul3A_267 = arith.muli %add3A_265, %mul3A_266 : i32
        %add3A_268 = arith.constant 8192 : i32
        %add3A_269 = arith.addi %add3A_268, %mul3A_267 : i32
        %get3A_270 = arith.index_cast %add3A_269 : i32 to index
        %get3A_271 = tpu.vector_load %arg5[%get3A_270] {strides = array<i32>} : memref<16384xf32, #tpu.memory_space<vmem>>, vector<16xf32>,
        %add3A_272 = arith.constant 2048 : i32
        %add3A_273 = arith.addi %add3A_272, %mul3A_267 : i32
        %get3A_274 = arith.index_cast %add3A_273 : i32 to index
        %get3A_275 = tpu.vector_load %arg6[%get3A_274] {strides = array<i32>} : memref<4096xi32, #tpu.memory_space<vmem>>, vector<16xi32>,
        %shift_right_arithmetic3A_276 = arith.constant 0 : i32
        %shift_right_arithmetic3A_277 = vector.broadcast %shift_right_arithmetic3A_276 : i32 to vector<16xi32>
        %shift_right_arithmetic3A_278 = arith.shrsi %get3A_275, %shift_right_arithmetic3A_277 : vector<16xi32>
        %and3A_279 = arith.constant 1 : i32
        %and3A_280 = vector.broadcast %and3A_279 : i32 to vector<16xi32>
        %and3A_281 = arith.andi %shift_right_arithmetic3A_278, %and3A_280 : vector<16xi32>
        %eq3A_282 = arith.constant 0 : i32
        %eq3A_283 = vector.broadcast %eq3A_282 : i32 to vector<16xi32>
        %eq3A_284 = arith.cmpi eq, %and3A_281, %eq3A_283 : vector<16xi32>
        %jit3A_285 = arith.constant -1 : i32
        %broadcast_in_dim3A_286 = vector.broadcast %jit3A_285 : i32 to vector<16xi32>
        %select_n3A_287 = arith.select %eq3A_284, %iota3A, %broadcast_in_dim3A_286 : vector<16xi1>, vector<16xi32>
        %broadcast_in_dim3A_288 = arith.constant true
        %broadcast_in_dim3A_289 = vector.broadcast %broadcast_in_dim3A_288 : i1 to vector<16xi1>
        %masked_cummax3A_290 = arith.constant -2147483648 : i32
        %masked_cummax3A_291 = vector.broadcast %masked_cummax3A_290 : i32 to vector<16xi32>
        %masked_cummax3A_292 = arith.xori %select_n3A_287, %masked_cummax3A_291 : vector<16xi32>
        %masked_cummax3A_293 = tpu.scan <max>, %masked_cummax3A_292 masked %broadcast_in_dim3A_289 : vector<16xi32>, vector<16xi1> -> vector<16xi32>
        %masked_cummax3A_294 = arith.xori %masked_cummax3A_293, %masked_cummax3A_291 : vector<16xi32>
        %max3A_295 = arith.constant 0 : i32
        %max3A_296 = vector.broadcast %max3A_295 : i32 to vector<16xi32>
        %max3A_297 = arith.maxsi %masked_cummax3A_294, %max3A_296 : vector<16xi32>
        %broadcast_in_dim3A_298 = vector.shape_cast %max3A_297 : vector<16xi32> to vector<16x1xi32>
        %gather3A_299 = vector.shape_cast %broadcast_in_dim3A_298 : vector<16x1xi32> to vector<16xi32>
        %gather3A_300 = tpu.dynamic_gather %get3A_271[%gather3A_299] in [0] : vector<16xf32>, vector<16xi32> -> vector<16xf32>
        %ge3A_301 = arith.constant 0 : i32
        %ge3A_302 = vector.broadcast %ge3A_301 : i32 to vector<16xi32>
        %ge3A_303 = arith.cmpi sge, %masked_cummax3A_294, %ge3A_302 : vector<16xi32>
        %select_n3A_304 = arith.select %ge3A_303, %gather3A_300, %gather3A_261 : vector<16xi1>, vector<16xf32>
        %swap3A_305 = arith.index_cast %add3A_269 : i32 to index
        %swap3A_306 = tpu.vector_load %arg7[%swap3A_305] {strides = array<i32>} : memref<16384xf32, #tpu.memory_space<vmem>>, vector<16xf32>,
        tpu.vector_store %arg7[%swap3A_305], %select_n3A_304 {strides = array<i32>} : memref<16384xf32, #tpu.memory_space<vmem>>, vector<16xf32>,
        %broadcast_in_dim3A_307 = vector.shape_cast %broadcast_in_dim3A_3 : vector<16xi32> to vector<16x1xi32>
        %gather3A_308 = vector.shape_cast %broadcast_in_dim3A_307 : vector<16x1xi32> to vector<16xi32>
        %gather3A_309 = tpu.dynamic_gather %select_n3A_304[%gather3A_308] in [0] : vector<16xf32>, vector<16xi32> -> vector<16xf32>
        %mul3A_310 = arith.constant 4 : i32
        %mul3A_311 = arith.muli %scan3A_223, %mul3A_310 : i32
        %add3A_312 = arith.constant 2 : i32
        %add3A_313 = arith.addi %mul3A_311, %add3A_312 : i32
        %mul3A_314 = arith.constant 16 : i32
        %mul3A_315 = arith.muli %add3A_313, %mul3A_314 : i32
        %add3A_316 = arith.constant 8192 : i32
        %add3A_317 = arith.addi %add3A_316, %mul3A_315 : i32
        %get3A_318 = arith.index_cast %add3A_317 : i32 to index
        %get3A_319 = tpu.vector_load %arg5[%get3A_318] {strides = array<i32>} : memref<16384xf32, #tpu.memory_space<vmem>>, vector<16xf32>,
        %add3A_320 = arith.constant 2048 : i32
        %add3A_321 = arith.addi %add3A_320, %mul3A_315 : i32
        %get3A_322 = arith.index_cast %add3A_321 : i32 to index
        %get3A_323 = tpu.vector_load %arg6[%get3A_322] {strides = array<i32>} : memref<4096xi32, #tpu.memory_space<vmem>>, vector<16xi32>,
        %shift_right_arithmetic3A_324 = arith.constant 0 : i32
        %shift_right_arithmetic3A_325 = vector.broadcast %shift_right_arithmetic3A_324 : i32 to vector<16xi32>
        %shift_right_arithmetic3A_326 = arith.shrsi %get3A_323, %shift_right_arithmetic3A_325 : vector<16xi32>
        %and3A_327 = arith.constant 1 : i32
        %and3A_328 = vector.broadcast %and3A_327 : i32 to vector<16xi32>
        %and3A_329 = arith.andi %shift_right_arithmetic3A_326, %and3A_328 : vector<16xi32>
        %eq3A_330 = arith.constant 0 : i32
        %eq3A_331 = vector.broadcast %eq3A_330 : i32 to vector<16xi32>
        %eq3A_332 = arith.cmpi eq, %and3A_329, %eq3A_331 : vector<16xi32>
        %jit3A_333 = arith.constant -1 : i32
        %broadcast_in_dim3A_334 = vector.broadcast %jit3A_333 : i32 to vector<16xi32>
        %select_n3A_335 = arith.select %eq3A_332, %iota3A, %broadcast_in_dim3A_334 : vector<16xi1>, vector<16xi32>
        %broadcast_in_dim3A_336 = arith.constant true
        %broadcast_in_dim3A_337 = vector.broadcast %broadcast_in_dim3A_336 : i1 to vector<16xi1>
        %masked_cummax3A_338 = arith.constant -2147483648 : i32
        %masked_cummax3A_339 = vector.broadcast %masked_cummax3A_338 : i32 to vector<16xi32>
        %masked_cummax3A_340 = arith.xori %select_n3A_335, %masked_cummax3A_339 : vector<16xi32>
        %masked_cummax3A_341 = tpu.scan <max>, %masked_cummax3A_340 masked %broadcast_in_dim3A_337 : vector<16xi32>, vector<16xi1> -> vector<16xi32>
        %masked_cummax3A_342 = arith.xori %masked_cummax3A_341, %masked_cummax3A_339 : vector<16xi32>
        %max3A_343 = arith.constant 0 : i32
        %max3A_344 = vector.broadcast %max3A_343 : i32 to vector<16xi32>
        %max3A_345 = arith.maxsi %masked_cummax3A_342, %max3A_344 : vector<16xi32>
        %broadcast_in_dim3A_346 = vector.shape_cast %max3A_345 : vector<16xi32> to vector<16x1xi32>
        %gather3A_347 = vector.shape_cast %broadcast_in_dim3A_346 : vector<16x1xi32> to vector<16xi32>
        %gather3A_348 = tpu.dynamic_gather %get3A_319[%gather3A_347] in [0] : vector<16xf32>, vector<16xi32> -> vector<16xf32>
        %ge3A_349 = arith.constant 0 : i32
        %ge3A_350 = vector.broadcast %ge3A_349 : i32 to vector<16xi32>
        %ge3A_351 = arith.cmpi sge, %masked_cummax3A_342, %ge3A_350 : vector<16xi32>
        %select_n3A_352 = arith.select %ge3A_351, %gather3A_348, %gather3A_309 : vector<16xi1>, vector<16xf32>
        %swap3A_353 = arith.index_cast %add3A_317 : i32 to index
        %swap3A_354 = tpu.vector_load %arg7[%swap3A_353] {strides = array<i32>} : memref<16384xf32, #tpu.memory_space<vmem>>, vector<16xf32>,
        tpu.vector_store %arg7[%swap3A_353], %select_n3A_352 {strides = array<i32>} : memref<16384xf32, #tpu.memory_space<vmem>>, vector<16xf32>,
        %broadcast_in_dim3A_355 = vector.shape_cast %broadcast_in_dim3A_3 : vector<16xi32> to vector<16x1xi32>
        %gather3A_356 = vector.shape_cast %broadcast_in_dim3A_355 : vector<16x1xi32> to vector<16xi32>
        %gather3A_357 = tpu.dynamic_gather %select_n3A_352[%gather3A_356] in [0] : vector<16xf32>, vector<16xi32> -> vector<16xf32>
        %mul3A_358 = arith.constant 4 : i32
        %mul3A_359 = arith.muli %scan3A_223, %mul3A_358 : i32
        %add3A_360 = arith.constant 3 : i32
        %add3A_361 = arith.addi %mul3A_359, %add3A_360 : i32
        %mul3A_362 = arith.constant 16 : i32
        %mul3A_363 = arith.muli %add3A_361, %mul3A_362 : i32
        %add3A_364 = arith.constant 8192 : i32
        %add3A_365 = arith.addi %add3A_364, %mul3A_363 : i32
        %get3A_366 = arith.index_cast %add3A_365 : i32 to index
        %get3A_367 = tpu.vector_load %arg5[%get3A_366] {strides = array<i32>} : memref<16384xf32, #tpu.memory_space<vmem>>, vector<16xf32>,
        %add3A_368 = arith.constant 2048 : i32
        %add3A_369 = arith.addi %add3A_368, %mul3A_363 : i32
        %get3A_370 = arith.index_cast %add3A_369 : i32 to index
        %get3A_371 = tpu.vector_load %arg6[%get3A_370] {strides = array<i32>} : memref<4096xi32, #tpu.memory_space<vmem>>, vector<16xi32>,
        %shift_right_arithmetic3A_372 = arith.constant 0 : i32
        %shift_right_arithmetic3A_373 = vector.broadcast %shift_right_arithmetic3A_372 : i32 to vector<16xi32>
        %shift_right_arithmetic3A_374 = arith.shrsi %get3A_371, %shift_right_arithmetic3A_373 : vector<16xi32>
        %and3A_375 = arith.constant 1 : i32
        %and3A_376 = vector.broadcast %and3A_375 : i32 to vector<16xi32>
        %and3A_377 = arith.andi %shift_right_arithmetic3A_374, %and3A_376 : vector<16xi32>
        %eq3A_378 = arith.constant 0 : i32
        %eq3A_379 = vector.broadcast %eq3A_378 : i32 to vector<16xi32>
        %eq3A_380 = arith.cmpi eq, %and3A_377, %eq3A_379 : vector<16xi32>
        %jit3A_381 = arith.constant -1 : i32
        %broadcast_in_dim3A_382 = vector.broadcast %jit3A_381 : i32 to vector<16xi32>
        %select_n3A_383 = arith.select %eq3A_380, %iota3A, %broadcast_in_dim3A_382 : vector<16xi1>, vector<16xi32>
        %broadcast_in_dim3A_384 = arith.constant true
        %broadcast_in_dim3A_385 = vector.broadcast %broadcast_in_dim3A_384 : i1 to vector<16xi1>
        %masked_cummax3A_386 = arith.constant -2147483648 : i32
        %masked_cummax3A_387 = vector.broadcast %masked_cummax3A_386 : i32 to vector<16xi32>
        %masked_cummax3A_388 = arith.xori %select_n3A_383, %masked_cummax3A_387 : vector<16xi32>
        %masked_cummax3A_389 = tpu.scan <max>, %masked_cummax3A_388 masked %broadcast_in_dim3A_385 : vector<16xi32>, vector<16xi1> -> vector<16xi32>
        %masked_cummax3A_390 = arith.xori %masked_cummax3A_389, %masked_cummax3A_387 : vector<16xi32>
        %max3A_391 = arith.constant 0 : i32
        %max3A_392 = vector.broadcast %max3A_391 : i32 to vector<16xi32>
        %max3A_393 = arith.maxsi %masked_cummax3A_390, %max3A_392 : vector<16xi32>
        %broadcast_in_dim3A_394 = vector.shape_cast %max3A_393 : vector<16xi32> to vector<16x1xi32>
        %gather3A_395 = vector.shape_cast %broadcast_in_dim3A_394 : vector<16x1xi32> to vector<16xi32>
        %gather3A_396 = tpu.dynamic_gather %get3A_367[%gather3A_395] in [0] : vector<16xf32>, vector<16xi32> -> vector<16xf32>
        %ge3A_397 = arith.constant 0 : i32
        %ge3A_398 = vector.broadcast %ge3A_397 : i32 to vector<16xi32>
        %ge3A_399 = arith.cmpi sge, %masked_cummax3A_390, %ge3A_398 : vector<16xi32>
        %select_n3A_400 = arith.select %ge3A_399, %gather3A_396, %gather3A_357 : vector<16xi1>, vector<16xf32>
        %swap3A_401 = arith.index_cast %add3A_365 : i32 to index
        %swap3A_402 = tpu.vector_load %arg7[%swap3A_401] {strides = array<i32>} : memref<16384xf32, #tpu.memory_space<vmem>>, vector<16xf32>,
        tpu.vector_store %arg7[%swap3A_401], %select_n3A_400 {strides = array<i32>} : memref<16384xf32, #tpu.memory_space<vmem>>, vector<16xf32>,
        %broadcast_in_dim3A_403 = vector.shape_cast %broadcast_in_dim3A_3 : vector<16xi32> to vector<16x1xi32>
        %gather3A_404 = vector.shape_cast %broadcast_in_dim3A_403 : vector<16x1xi32> to vector<16xi32>
        %gather3A_405 = tpu.dynamic_gather %select_n3A_400[%gather3A_404] in [0] : vector<16xf32>, vector<16xi32> -> vector<16xf32>
        scf.yield %gather3A_405 : vector<16xf32>
      }
      %scan3A_186 = arith.constant 32 : i32
      %scan3A_187 = arith.constant 0 : i32
      %scan3A_188 = arith.constant 32 : i32
      %scan3A_189 = arith.addi %scan3A_187, %scan3A_188 : i32
      %scan3A_190 = arith.constant 1 : i32
      %scan3A_191 = scf.for %scan3A_223 = %scan3A_187 to %scan3A_189 step %scan3A_190 iter_args(%scan3A_224 = %scan3A_185) -> (vector<16xf32>)  : i32 {
        %mul3A_225 = arith.constant 4 : i32
        %mul3A_226 = arith.muli %scan3A_223, %mul3A_225 : i32
        %add3A_227 = arith.constant 0 : i32
        %add3A_228 = arith.addi %mul3A_226, %add3A_227 : i32
        %mul3A_229 = arith.constant 16 : i32
        %mul3A_230 = arith.muli %add3A_228, %mul3A_229 : i32
        %add3A_231 = arith.constant 10240 : i32
        %add3A_232 = arith.addi %add3A_231, %mul3A_230 : i32
        %get3A = arith.index_cast %add3A_232 : i32 to index
        %get3A_233 = tpu.vector_load %arg5[%get3A] {strides = array<i32>} : memref<16384xf32, #tpu.memory_space<vmem>>, vector<16xf32>,
        %add3A_234 = arith.constant 2048 : i32
        %add3A_235 = arith.addi %add3A_234, %mul3A_230 : i32
        %get3A_236 = arith.index_cast %add3A_235 : i32 to index
        %get3A_237 = tpu.vector_load %arg6[%get3A_236] {strides = array<i32>} : memref<4096xi32, #tpu.memory_space<vmem>>, vector<16xi32>,
        %shift_right_arithmetic3A = arith.constant 8 : i32
        %shift_right_arithmetic3A_238 = vector.broadcast %shift_right_arithmetic3A : i32 to vector<16xi32>
        %shift_right_arithmetic3A_239 = arith.shrsi %get3A_237, %shift_right_arithmetic3A_238 : vector<16xi32>
        %and3A = arith.constant 1 : i32
        %and3A_240 = vector.broadcast %and3A : i32 to vector<16xi32>
        %and3A_241 = arith.andi %shift_right_arithmetic3A_239, %and3A_240 : vector<16xi32>
        %eq3A = arith.constant 0 : i32
        %eq3A_242 = vector.broadcast %eq3A : i32 to vector<16xi32>
        %eq3A_243 = arith.cmpi eq, %and3A_241, %eq3A_242 : vector<16xi32>
        %jit3A = arith.constant -1 : i32
        %broadcast_in_dim3A_244 = vector.broadcast %jit3A : i32 to vector<16xi32>
        %select_n3A = arith.select %eq3A_243, %iota3A, %broadcast_in_dim3A_244 : vector<16xi1>, vector<16xi32>
        %broadcast_in_dim3A_245 = arith.constant true
        %broadcast_in_dim3A_246 = vector.broadcast %broadcast_in_dim3A_245 : i1 to vector<16xi1>
        %masked_cummax3A = arith.constant -2147483648 : i32
        %masked_cummax3A_247 = vector.broadcast %masked_cummax3A : i32 to vector<16xi32>
        %masked_cummax3A_248 = arith.xori %select_n3A, %masked_cummax3A_247 : vector<16xi32>
        %masked_cummax3A_249 = tpu.scan <max>, %masked_cummax3A_248 masked %broadcast_in_dim3A_246 : vector<16xi32>, vector<16xi1> -> vector<16xi32>
        %masked_cummax3A_250 = arith.xori %masked_cummax3A_249, %masked_cummax3A_247 : vector<16xi32>
        %max3A = arith.constant 0 : i32
        %max3A_251 = vector.broadcast %max3A : i32 to vector<16xi32>
        %max3A_252 = arith.maxsi %masked_cummax3A_250, %max3A_251 : vector<16xi32>
        %broadcast_in_dim3A_253 = vector.shape_cast %max3A_252 : vector<16xi32> to vector<16x1xi32>
        %gather3A = vector.shape_cast %broadcast_in_dim3A_253 : vector<16x1xi32> to vector<16xi32>
        %gather3A_254 = tpu.dynamic_gather %get3A_233[%gather3A] in [0] : vector<16xf32>, vector<16xi32> -> vector<16xf32>
        %ge3A = arith.constant 0 : i32
        %ge3A_255 = vector.broadcast %ge3A : i32 to vector<16xi32>
        %ge3A_256 = arith.cmpi sge, %masked_cummax3A_250, %ge3A_255 : vector<16xi32>
        %select_n3A_257 = arith.select %ge3A_256, %gather3A_254, %scan3A_224 : vector<16xi1>, vector<16xf32>
        %swap3A = arith.index_cast %add3A_232 : i32 to index
        %swap3A_258 = tpu.vector_load %arg7[%swap3A] {strides = array<i32>} : memref<16384xf32, #tpu.memory_space<vmem>>, vector<16xf32>,
        tpu.vector_store %arg7[%swap3A], %select_n3A_257 {strides = array<i32>} : memref<16384xf32, #tpu.memory_space<vmem>>, vector<16xf32>,
        %broadcast_in_dim3A_259 = vector.shape_cast %broadcast_in_dim3A_3 : vector<16xi32> to vector<16x1xi32>
        %gather3A_260 = vector.shape_cast %broadcast_in_dim3A_259 : vector<16x1xi32> to vector<16xi32>
        %gather3A_261 = tpu.dynamic_gather %select_n3A_257[%gather3A_260] in [0] : vector<16xf32>, vector<16xi32> -> vector<16xf32>
        %mul3A_262 = arith.constant 4 : i32
        %mul3A_263 = arith.muli %scan3A_223, %mul3A_262 : i32
        %add3A_264 = arith.constant 1 : i32
        %add3A_265 = arith.addi %mul3A_263, %add3A_264 : i32
        %mul3A_266 = arith.constant 16 : i32
        %mul3A_267 = arith.muli %add3A_265, %mul3A_266 : i32
        %add3A_268 = arith.constant 10240 : i32
        %add3A_269 = arith.addi %add3A_268, %mul3A_267 : i32
        %get3A_270 = arith.index_cast %add3A_269 : i32 to index
        %get3A_271 = tpu.vector_load %arg5[%get3A_270] {strides = array<i32>} : memref<16384xf32, #tpu.memory_space<vmem>>, vector<16xf32>,
        %add3A_272 = arith.constant 2048 : i32
        %add3A_273 = arith.addi %add3A_272, %mul3A_267 : i32
        %get3A_274 = arith.index_cast %add3A_273 : i32 to index
        %get3A_275 = tpu.vector_load %arg6[%get3A_274] {strides = array<i32>} : memref<4096xi32, #tpu.memory_space<vmem>>, vector<16xi32>,
        %shift_right_arithmetic3A_276 = arith.constant 8 : i32
        %shift_right_arithmetic3A_277 = vector.broadcast %shift_right_arithmetic3A_276 : i32 to vector<16xi32>
        %shift_right_arithmetic3A_278 = arith.shrsi %get3A_275, %shift_right_arithmetic3A_277 : vector<16xi32>
        %and3A_279 = arith.constant 1 : i32
        %and3A_280 = vector.broadcast %and3A_279 : i32 to vector<16xi32>
        %and3A_281 = arith.andi %shift_right_arithmetic3A_278, %and3A_280 : vector<16xi32>
        %eq3A_282 = arith.constant 0 : i32
        %eq3A_283 = vector.broadcast %eq3A_282 : i32 to vector<16xi32>
        %eq3A_284 = arith.cmpi eq, %and3A_281, %eq3A_283 : vector<16xi32>
        %jit3A_285 = arith.constant -1 : i32
        %broadcast_in_dim3A_286 = vector.broadcast %jit3A_285 : i32 to vector<16xi32>
        %select_n3A_287 = arith.select %eq3A_284, %iota3A, %broadcast_in_dim3A_286 : vector<16xi1>, vector<16xi32>
        %broadcast_in_dim3A_288 = arith.constant true
        %broadcast_in_dim3A_289 = vector.broadcast %broadcast_in_dim3A_288 : i1 to vector<16xi1>
        %masked_cummax3A_290 = arith.constant -2147483648 : i32
        %masked_cummax3A_291 = vector.broadcast %masked_cummax3A_290 : i32 to vector<16xi32>
        %masked_cummax3A_292 = arith.xori %select_n3A_287, %masked_cummax3A_291 : vector<16xi32>
        %masked_cummax3A_293 = tpu.scan <max>, %masked_cummax3A_292 masked %broadcast_in_dim3A_289 : vector<16xi32>, vector<16xi1> -> vector<16xi32>
        %masked_cummax3A_294 = arith.xori %masked_cummax3A_293, %masked_cummax3A_291 : vector<16xi32>
        %max3A_295 = arith.constant 0 : i32
        %max3A_296 = vector.broadcast %max3A_295 : i32 to vector<16xi32>
        %max3A_297 = arith.maxsi %masked_cummax3A_294, %max3A_296 : vector<16xi32>
        %broadcast_in_dim3A_298 = vector.shape_cast %max3A_297 : vector<16xi32> to vector<16x1xi32>
        %gather3A_299 = vector.shape_cast %broadcast_in_dim3A_298 : vector<16x1xi32> to vector<16xi32>
        %gather3A_300 = tpu.dynamic_gather %get3A_271[%gather3A_299] in [0] : vector<16xf32>, vector<16xi32> -> vector<16xf32>
        %ge3A_301 = arith.constant 0 : i32
        %ge3A_302 = vector.broadcast %ge3A_301 : i32 to vector<16xi32>
        %ge3A_303 = arith.cmpi sge, %masked_cummax3A_294, %ge3A_302 : vector<16xi32>
        %select_n3A_304 = arith.select %ge3A_303, %gather3A_300, %gather3A_261 : vector<16xi1>, vector<16xf32>
        %swap3A_305 = arith.index_cast %add3A_269 : i32 to index
        %swap3A_306 = tpu.vector_load %arg7[%swap3A_305] {strides = array<i32>} : memref<16384xf32, #tpu.memory_space<vmem>>, vector<16xf32>,
        tpu.vector_store %arg7[%swap3A_305], %select_n3A_304 {strides = array<i32>} : memref<16384xf32, #tpu.memory_space<vmem>>, vector<16xf32>,
        %broadcast_in_dim3A_307 = vector.shape_cast %broadcast_in_dim3A_3 : vector<16xi32> to vector<16x1xi32>
        %gather3A_308 = vector.shape_cast %broadcast_in_dim3A_307 : vector<16x1xi32> to vector<16xi32>
        %gather3A_309 = tpu.dynamic_gather %select_n3A_304[%gather3A_308] in [0] : vector<16xf32>, vector<16xi32> -> vector<16xf32>
        %mul3A_310 = arith.constant 4 : i32
        %mul3A_311 = arith.muli %scan3A_223, %mul3A_310 : i32
        %add3A_312 = arith.constant 2 : i32
        %add3A_313 = arith.addi %mul3A_311, %add3A_312 : i32
        %mul3A_314 = arith.constant 16 : i32
        %mul3A_315 = arith.muli %add3A_313, %mul3A_314 : i32
        %add3A_316 = arith.constant 10240 : i32
        %add3A_317 = arith.addi %add3A_316, %mul3A_315 : i32
        %get3A_318 = arith.index_cast %add3A_317 : i32 to index
        %get3A_319 = tpu.vector_load %arg5[%get3A_318] {strides = array<i32>} : memref<16384xf32, #tpu.memory_space<vmem>>, vector<16xf32>,
        %add3A_320 = arith.constant 2048 : i32
        %add3A_321 = arith.addi %add3A_320, %mul3A_315 : i32
        %get3A_322 = arith.index_cast %add3A_321 : i32 to index
        %get3A_323 = tpu.vector_load %arg6[%get3A_322] {strides = array<i32>} : memref<4096xi32, #tpu.memory_space<vmem>>, vector<16xi32>,
        %shift_right_arithmetic3A_324 = arith.constant 8 : i32
        %shift_right_arithmetic3A_325 = vector.broadcast %shift_right_arithmetic3A_324 : i32 to vector<16xi32>
        %shift_right_arithmetic3A_326 = arith.shrsi %get3A_323, %shift_right_arithmetic3A_325 : vector<16xi32>
        %and3A_327 = arith.constant 1 : i32
        %and3A_328 = vector.broadcast %and3A_327 : i32 to vector<16xi32>
        %and3A_329 = arith.andi %shift_right_arithmetic3A_326, %and3A_328 : vector<16xi32>
        %eq3A_330 = arith.constant 0 : i32
        %eq3A_331 = vector.broadcast %eq3A_330 : i32 to vector<16xi32>
        %eq3A_332 = arith.cmpi eq, %and3A_329, %eq3A_331 : vector<16xi32>
        %jit3A_333 = arith.constant -1 : i32
        %broadcast_in_dim3A_334 = vector.broadcast %jit3A_333 : i32 to vector<16xi32>
        %select_n3A_335 = arith.select %eq3A_332, %iota3A, %broadcast_in_dim3A_334 : vector<16xi1>, vector<16xi32>
        %broadcast_in_dim3A_336 = arith.constant true
        %broadcast_in_dim3A_337 = vector.broadcast %broadcast_in_dim3A_336 : i1 to vector<16xi1>
        %masked_cummax3A_338 = arith.constant -2147483648 : i32
        %masked_cummax3A_339 = vector.broadcast %masked_cummax3A_338 : i32 to vector<16xi32>
        %masked_cummax3A_340 = arith.xori %select_n3A_335, %masked_cummax3A_339 : vector<16xi32>
        %masked_cummax3A_341 = tpu.scan <max>, %masked_cummax3A_340 masked %broadcast_in_dim3A_337 : vector<16xi32>, vector<16xi1> -> vector<16xi32>
        %masked_cummax3A_342 = arith.xori %masked_cummax3A_341, %masked_cummax3A_339 : vector<16xi32>
        %max3A_343 = arith.constant 0 : i32
        %max3A_344 = vector.broadcast %max3A_343 : i32 to vector<16xi32>
        %max3A_345 = arith.maxsi %masked_cummax3A_342, %max3A_344 : vector<16xi32>
        %broadcast_in_dim3A_346 = vector.shape_cast %max3A_345 : vector<16xi32> to vector<16x1xi32>
        %gather3A_347 = vector.shape_cast %broadcast_in_dim3A_346 : vector<16x1xi32> to vector<16xi32>
        %gather3A_348 = tpu.dynamic_gather %get3A_319[%gather3A_347] in [0] : vector<16xf32>, vector<16xi32> -> vector<16xf32>
        %ge3A_349 = arith.constant 0 : i32
        %ge3A_350 = vector.broadcast %ge3A_349 : i32 to vector<16xi32>
        %ge3A_351 = arith.cmpi sge, %masked_cummax3A_342, %ge3A_350 : vector<16xi32>
        %select_n3A_352 = arith.select %ge3A_351, %gather3A_348, %gather3A_309 : vector<16xi1>, vector<16xf32>
        %swap3A_353 = arith.index_cast %add3A_317 : i32 to index
        %swap3A_354 = tpu.vector_load %arg7[%swap3A_353] {strides = array<i32>} : memref<16384xf32, #tpu.memory_space<vmem>>, vector<16xf32>,
        tpu.vector_store %arg7[%swap3A_353], %select_n3A_352 {strides = array<i32>} : memref<16384xf32, #tpu.memory_space<vmem>>, vector<16xf32>,
        %broadcast_in_dim3A_355 = vector.shape_cast %broadcast_in_dim3A_3 : vector<16xi32> to vector<16x1xi32>
        %gather3A_356 = vector.shape_cast %broadcast_in_dim3A_355 : vector<16x1xi32> to vector<16xi32>
        %gather3A_357 = tpu.dynamic_gather %select_n3A_352[%gather3A_356] in [0] : vector<16xf32>, vector<16xi32> -> vector<16xf32>
        %mul3A_358 = arith.constant 4 : i32
        %mul3A_359 = arith.muli %scan3A_223, %mul3A_358 : i32
        %add3A_360 = arith.constant 3 : i32
        %add3A_361 = arith.addi %mul3A_359, %add3A_360 : i32
        %mul3A_362 = arith.constant 16 : i32
        %mul3A_363 = arith.muli %add3A_361, %mul3A_362 : i32
        %add3A_364 = arith.constant 10240 : i32
        %add3A_365 = arith.addi %add3A_364, %mul3A_363 : i32
        %get3A_366 = arith.index_cast %add3A_365 : i32 to index
        %get3A_367 = tpu.vector_load %arg5[%get3A_366] {strides = array<i32>} : memref<16384xf32, #tpu.memory_space<vmem>>, vector<16xf32>,
        %add3A_368 = arith.constant 2048 : i32
        %add3A_369 = arith.addi %add3A_368, %mul3A_363 : i32
        %get3A_370 = arith.index_cast %add3A_369 : i32 to index
        %get3A_371 = tpu.vector_load %arg6[%get3A_370] {strides = array<i32>} : memref<4096xi32, #tpu.memory_space<vmem>>, vector<16xi32>,
        %shift_right_arithmetic3A_372 = arith.constant 8 : i32
        %shift_right_arithmetic3A_373 = vector.broadcast %shift_right_arithmetic3A_372 : i32 to vector<16xi32>
        %shift_right_arithmetic3A_374 = arith.shrsi %get3A_371, %shift_right_arithmetic3A_373 : vector<16xi32>
        %and3A_375 = arith.constant 1 : i32
        %and3A_376 = vector.broadcast %and3A_375 : i32 to vector<16xi32>
        %and3A_377 = arith.andi %shift_right_arithmetic3A_374, %and3A_376 : vector<16xi32>
        %eq3A_378 = arith.constant 0 : i32
        %eq3A_379 = vector.broadcast %eq3A_378 : i32 to vector<16xi32>
        %eq3A_380 = arith.cmpi eq, %and3A_377, %eq3A_379 : vector<16xi32>
        %jit3A_381 = arith.constant -1 : i32
        %broadcast_in_dim3A_382 = vector.broadcast %jit3A_381 : i32 to vector<16xi32>
        %select_n3A_383 = arith.select %eq3A_380, %iota3A, %broadcast_in_dim3A_382 : vector<16xi1>, vector<16xi32>
        %broadcast_in_dim3A_384 = arith.constant true
        %broadcast_in_dim3A_385 = vector.broadcast %broadcast_in_dim3A_384 : i1 to vector<16xi1>
        %masked_cummax3A_386 = arith.constant -2147483648 : i32
        %masked_cummax3A_387 = vector.broadcast %masked_cummax3A_386 : i32 to vector<16xi32>
        %masked_cummax3A_388 = arith.xori %select_n3A_383, %masked_cummax3A_387 : vector<16xi32>
        %masked_cummax3A_389 = tpu.scan <max>, %masked_cummax3A_388 masked %broadcast_in_dim3A_385 : vector<16xi32>, vector<16xi1> -> vector<16xi32>
        %masked_cummax3A_390 = arith.xori %masked_cummax3A_389, %masked_cummax3A_387 : vector<16xi32>
        %max3A_391 = arith.constant 0 : i32
        %max3A_392 = vector.broadcast %max3A_391 : i32 to vector<16xi32>
        %max3A_393 = arith.maxsi %masked_cummax3A_390, %max3A_392 : vector<16xi32>
        %broadcast_in_dim3A_394 = vector.shape_cast %max3A_393 : vector<16xi32> to vector<16x1xi32>
        %gather3A_395 = vector.shape_cast %broadcast_in_dim3A_394 : vector<16x1xi32> to vector<16xi32>
        %gather3A_396 = tpu.dynamic_gather %get3A_367[%gather3A_395] in [0] : vector<16xf32>, vector<16xi32> -> vector<16xf32>
        %ge3A_397 = arith.constant 0 : i32
        %ge3A_398 = vector.broadcast %ge3A_397 : i32 to vector<16xi32>
        %ge3A_399 = arith.cmpi sge, %masked_cummax3A_390, %ge3A_398 : vector<16xi32>
        %select_n3A_400 = arith.select %ge3A_399, %gather3A_396, %gather3A_357 : vector<16xi1>, vector<16xf32>
        %swap3A_401 = arith.index_cast %add3A_365 : i32 to index
        %swap3A_402 = tpu.vector_load %arg7[%swap3A_401] {strides = array<i32>} : memref<16384xf32, #tpu.memory_space<vmem>>, vector<16xf32>,
        tpu.vector_store %arg7[%swap3A_401], %select_n3A_400 {strides = array<i32>} : memref<16384xf32, #tpu.memory_space<vmem>>, vector<16xf32>,
        %broadcast_in_dim3A_403 = vector.shape_cast %broadcast_in_dim3A_3 : vector<16xi32> to vector<16x1xi32>
        %gather3A_404 = vector.shape_cast %broadcast_in_dim3A_403 : vector<16x1xi32> to vector<16xi32>
        %gather3A_405 = tpu.dynamic_gather %select_n3A_400[%gather3A_404] in [0] : vector<16xf32>, vector<16xi32> -> vector<16xf32>
        scf.yield %gather3A_405 : vector<16xf32>
      }
      %scan3A_192 = arith.constant 32 : i32
      %scan3A_193 = arith.constant 0 : i32
      %scan3A_194 = arith.constant 32 : i32
      %scan3A_195 = arith.addi %scan3A_193, %scan3A_194 : i32
      %scan3A_196 = arith.constant 1 : i32
      %scan3A_197 = scf.for %scan3A_223 = %scan3A_193 to %scan3A_195 step %scan3A_196 iter_args(%scan3A_224 = %scan3A_191) -> (vector<16xf32>)  : i32 {
        %mul3A_225 = arith.constant 4 : i32
        %mul3A_226 = arith.muli %scan3A_223, %mul3A_225 : i32
        %add3A_227 = arith.constant 0 : i32
        %add3A_228 = arith.addi %mul3A_226, %add3A_227 : i32
        %mul3A_229 = arith.constant 16 : i32
        %mul3A_230 = arith.muli %add3A_228, %mul3A_229 : i32
        %add3A_231 = arith.constant 12288 : i32
        %add3A_232 = arith.addi %add3A_231, %mul3A_230 : i32
        %get3A = arith.index_cast %add3A_232 : i32 to index
        %get3A_233 = tpu.vector_load %arg5[%get3A] {strides = array<i32>} : memref<16384xf32, #tpu.memory_space<vmem>>, vector<16xf32>,
        %add3A_234 = arith.constant 2048 : i32
        %add3A_235 = arith.addi %add3A_234, %mul3A_230 : i32
        %get3A_236 = arith.index_cast %add3A_235 : i32 to index
        %get3A_237 = tpu.vector_load %arg6[%get3A_236] {strides = array<i32>} : memref<4096xi32, #tpu.memory_space<vmem>>, vector<16xi32>,
        %shift_right_arithmetic3A = arith.constant 16 : i32
        %shift_right_arithmetic3A_238 = vector.broadcast %shift_right_arithmetic3A : i32 to vector<16xi32>
        %shift_right_arithmetic3A_239 = arith.shrsi %get3A_237, %shift_right_arithmetic3A_238 : vector<16xi32>
        %and3A = arith.constant 1 : i32
        %and3A_240 = vector.broadcast %and3A : i32 to vector<16xi32>
        %and3A_241 = arith.andi %shift_right_arithmetic3A_239, %and3A_240 : vector<16xi32>
        %eq3A = arith.constant 0 : i32
        %eq3A_242 = vector.broadcast %eq3A : i32 to vector<16xi32>
        %eq3A_243 = arith.cmpi eq, %and3A_241, %eq3A_242 : vector<16xi32>
        %jit3A = arith.constant -1 : i32
        %broadcast_in_dim3A_244 = vector.broadcast %jit3A : i32 to vector<16xi32>
        %select_n3A = arith.select %eq3A_243, %iota3A, %broadcast_in_dim3A_244 : vector<16xi1>, vector<16xi32>
        %broadcast_in_dim3A_245 = arith.constant true
        %broadcast_in_dim3A_246 = vector.broadcast %broadcast_in_dim3A_245 : i1 to vector<16xi1>
        %masked_cummax3A = arith.constant -2147483648 : i32
        %masked_cummax3A_247 = vector.broadcast %masked_cummax3A : i32 to vector<16xi32>
        %masked_cummax3A_248 = arith.xori %select_n3A, %masked_cummax3A_247 : vector<16xi32>
        %masked_cummax3A_249 = tpu.scan <max>, %masked_cummax3A_248 masked %broadcast_in_dim3A_246 : vector<16xi32>, vector<16xi1> -> vector<16xi32>
        %masked_cummax3A_250 = arith.xori %masked_cummax3A_249, %masked_cummax3A_247 : vector<16xi32>
        %max3A = arith.constant 0 : i32
        %max3A_251 = vector.broadcast %max3A : i32 to vector<16xi32>
        %max3A_252 = arith.maxsi %masked_cummax3A_250, %max3A_251 : vector<16xi32>
        %broadcast_in_dim3A_253 = vector.shape_cast %max3A_252 : vector<16xi32> to vector<16x1xi32>
        %gather3A = vector.shape_cast %broadcast_in_dim3A_253 : vector<16x1xi32> to vector<16xi32>
        %gather3A_254 = tpu.dynamic_gather %get3A_233[%gather3A] in [0] : vector<16xf32>, vector<16xi32> -> vector<16xf32>
        %ge3A = arith.constant 0 : i32
        %ge3A_255 = vector.broadcast %ge3A : i32 to vector<16xi32>
        %ge3A_256 = arith.cmpi sge, %masked_cummax3A_250, %ge3A_255 : vector<16xi32>
        %select_n3A_257 = arith.select %ge3A_256, %gather3A_254, %scan3A_224 : vector<16xi1>, vector<16xf32>
        %swap3A = arith.index_cast %add3A_232 : i32 to index
        %swap3A_258 = tpu.vector_load %arg7[%swap3A] {strides = array<i32>} : memref<16384xf32, #tpu.memory_space<vmem>>, vector<16xf32>,
        tpu.vector_store %arg7[%swap3A], %select_n3A_257 {strides = array<i32>} : memref<16384xf32, #tpu.memory_space<vmem>>, vector<16xf32>,
        %broadcast_in_dim3A_259 = vector.shape_cast %broadcast_in_dim3A_3 : vector<16xi32> to vector<16x1xi32>
        %gather3A_260 = vector.shape_cast %broadcast_in_dim3A_259 : vector<16x1xi32> to vector<16xi32>
        %gather3A_261 = tpu.dynamic_gather %select_n3A_257[%gather3A_260] in [0] : vector<16xf32>, vector<16xi32> -> vector<16xf32>
        %mul3A_262 = arith.constant 4 : i32
        %mul3A_263 = arith.muli %scan3A_223, %mul3A_262 : i32
        %add3A_264 = arith.constant 1 : i32
        %add3A_265 = arith.addi %mul3A_263, %add3A_264 : i32
        %mul3A_266 = arith.constant 16 : i32
        %mul3A_267 = arith.muli %add3A_265, %mul3A_266 : i32
        %add3A_268 = arith.constant 12288 : i32
        %add3A_269 = arith.addi %add3A_268, %mul3A_267 : i32
        %get3A_270 = arith.index_cast %add3A_269 : i32 to index
        %get3A_271 = tpu.vector_load %arg5[%get3A_270] {strides = array<i32>} : memref<16384xf32, #tpu.memory_space<vmem>>, vector<16xf32>,
        %add3A_272 = arith.constant 2048 : i32
        %add3A_273 = arith.addi %add3A_272, %mul3A_267 : i32
        %get3A_274 = arith.index_cast %add3A_273 : i32 to index
        %get3A_275 = tpu.vector_load %arg6[%get3A_274] {strides = array<i32>} : memref<4096xi32, #tpu.memory_space<vmem>>, vector<16xi32>,
        %shift_right_arithmetic3A_276 = arith.constant 16 : i32
        %shift_right_arithmetic3A_277 = vector.broadcast %shift_right_arithmetic3A_276 : i32 to vector<16xi32>
        %shift_right_arithmetic3A_278 = arith.shrsi %get3A_275, %shift_right_arithmetic3A_277 : vector<16xi32>
        %and3A_279 = arith.constant 1 : i32
        %and3A_280 = vector.broadcast %and3A_279 : i32 to vector<16xi32>
        %and3A_281 = arith.andi %shift_right_arithmetic3A_278, %and3A_280 : vector<16xi32>
        %eq3A_282 = arith.constant 0 : i32
        %eq3A_283 = vector.broadcast %eq3A_282 : i32 to vector<16xi32>
        %eq3A_284 = arith.cmpi eq, %and3A_281, %eq3A_283 : vector<16xi32>
        %jit3A_285 = arith.constant -1 : i32
        %broadcast_in_dim3A_286 = vector.broadcast %jit3A_285 : i32 to vector<16xi32>
        %select_n3A_287 = arith.select %eq3A_284, %iota3A, %broadcast_in_dim3A_286 : vector<16xi1>, vector<16xi32>
        %broadcast_in_dim3A_288 = arith.constant true
        %broadcast_in_dim3A_289 = vector.broadcast %broadcast_in_dim3A_288 : i1 to vector<16xi1>
        %masked_cummax3A_290 = arith.constant -2147483648 : i32
        %masked_cummax3A_291 = vector.broadcast %masked_cummax3A_290 : i32 to vector<16xi32>
        %masked_cummax3A_292 = arith.xori %select_n3A_287, %masked_cummax3A_291 : vector<16xi32>
        %masked_cummax3A_293 = tpu.scan <max>, %masked_cummax3A_292 masked %broadcast_in_dim3A_289 : vector<16xi32>, vector<16xi1> -> vector<16xi32>
        %masked_cummax3A_294 = arith.xori %masked_cummax3A_293, %masked_cummax3A_291 : vector<16xi32>
        %max3A_295 = arith.constant 0 : i32
        %max3A_296 = vector.broadcast %max3A_295 : i32 to vector<16xi32>
        %max3A_297 = arith.maxsi %masked_cummax3A_294, %max3A_296 : vector<16xi32>
        %broadcast_in_dim3A_298 = vector.shape_cast %max3A_297 : vector<16xi32> to vector<16x1xi32>
        %gather3A_299 = vector.shape_cast %broadcast_in_dim3A_298 : vector<16x1xi32> to vector<16xi32>
        %gather3A_300 = tpu.dynamic_gather %get3A_271[%gather3A_299] in [0] : vector<16xf32>, vector<16xi32> -> vector<16xf32>
        %ge3A_301 = arith.constant 0 : i32
        %ge3A_302 = vector.broadcast %ge3A_301 : i32 to vector<16xi32>
        %ge3A_303 = arith.cmpi sge, %masked_cummax3A_294, %ge3A_302 : vector<16xi32>
        %select_n3A_304 = arith.select %ge3A_303, %gather3A_300, %gather3A_261 : vector<16xi1>, vector<16xf32>
        %swap3A_305 = arith.index_cast %add3A_269 : i32 to index
        %swap3A_306 = tpu.vector_load %arg7[%swap3A_305] {strides = array<i32>} : memref<16384xf32, #tpu.memory_space<vmem>>, vector<16xf32>,
        tpu.vector_store %arg7[%swap3A_305], %select_n3A_304 {strides = array<i32>} : memref<16384xf32, #tpu.memory_space<vmem>>, vector<16xf32>,
        %broadcast_in_dim3A_307 = vector.shape_cast %broadcast_in_dim3A_3 : vector<16xi32> to vector<16x1xi32>
        %gather3A_308 = vector.shape_cast %broadcast_in_dim3A_307 : vector<16x1xi32> to vector<16xi32>
        %gather3A_309 = tpu.dynamic_gather %select_n3A_304[%gather3A_308] in [0] : vector<16xf32>, vector<16xi32> -> vector<16xf32>
        %mul3A_310 = arith.constant 4 : i32
        %mul3A_311 = arith.muli %scan3A_223, %mul3A_310 : i32
        %add3A_312 = arith.constant 2 : i32
        %add3A_313 = arith.addi %mul3A_311, %add3A_312 : i32
        %mul3A_314 = arith.constant 16 : i32
        %mul3A_315 = arith.muli %add3A_313, %mul3A_314 : i32
        %add3A_316 = arith.constant 12288 : i32
        %add3A_317 = arith.addi %add3A_316, %mul3A_315 : i32
        %get3A_318 = arith.index_cast %add3A_317 : i32 to index
        %get3A_319 = tpu.vector_load %arg5[%get3A_318] {strides = array<i32>} : memref<16384xf32, #tpu.memory_space<vmem>>, vector<16xf32>,
        %add3A_320 = arith.constant 2048 : i32
        %add3A_321 = arith.addi %add3A_320, %mul3A_315 : i32
        %get3A_322 = arith.index_cast %add3A_321 : i32 to index
        %get3A_323 = tpu.vector_load %arg6[%get3A_322] {strides = array<i32>} : memref<4096xi32, #tpu.memory_space<vmem>>, vector<16xi32>,
        %shift_right_arithmetic3A_324 = arith.constant 16 : i32
        %shift_right_arithmetic3A_325 = vector.broadcast %shift_right_arithmetic3A_324 : i32 to vector<16xi32>
        %shift_right_arithmetic3A_326 = arith.shrsi %get3A_323, %shift_right_arithmetic3A_325 : vector<16xi32>
        %and3A_327 = arith.constant 1 : i32
        %and3A_328 = vector.broadcast %and3A_327 : i32 to vector<16xi32>
        %and3A_329 = arith.andi %shift_right_arithmetic3A_326, %and3A_328 : vector<16xi32>
        %eq3A_330 = arith.constant 0 : i32
        %eq3A_331 = vector.broadcast %eq3A_330 : i32 to vector<16xi32>
        %eq3A_332 = arith.cmpi eq, %and3A_329, %eq3A_331 : vector<16xi32>
        %jit3A_333 = arith.constant -1 : i32
        %broadcast_in_dim3A_334 = vector.broadcast %jit3A_333 : i32 to vector<16xi32>
        %select_n3A_335 = arith.select %eq3A_332, %iota3A, %broadcast_in_dim3A_334 : vector<16xi1>, vector<16xi32>
        %broadcast_in_dim3A_336 = arith.constant true
        %broadcast_in_dim3A_337 = vector.broadcast %broadcast_in_dim3A_336 : i1 to vector<16xi1>
        %masked_cummax3A_338 = arith.constant -2147483648 : i32
        %masked_cummax3A_339 = vector.broadcast %masked_cummax3A_338 : i32 to vector<16xi32>
        %masked_cummax3A_340 = arith.xori %select_n3A_335, %masked_cummax3A_339 : vector<16xi32>
        %masked_cummax3A_341 = tpu.scan <max>, %masked_cummax3A_340 masked %broadcast_in_dim3A_337 : vector<16xi32>, vector<16xi1> -> vector<16xi32>
        %masked_cummax3A_342 = arith.xori %masked_cummax3A_341, %masked_cummax3A_339 : vector<16xi32>
        %max3A_343 = arith.constant 0 : i32
        %max3A_344 = vector.broadcast %max3A_343 : i32 to vector<16xi32>
        %max3A_345 = arith.maxsi %masked_cummax3A_342, %max3A_344 : vector<16xi32>
        %broadcast_in_dim3A_346 = vector.shape_cast %max3A_345 : vector<16xi32> to vector<16x1xi32>
        %gather3A_347 = vector.shape_cast %broadcast_in_dim3A_346 : vector<16x1xi32> to vector<16xi32>
        %gather3A_348 = tpu.dynamic_gather %get3A_319[%gather3A_347] in [0] : vector<16xf32>, vector<16xi32> -> vector<16xf32>
        %ge3A_349 = arith.constant 0 : i32
        %ge3A_350 = vector.broadcast %ge3A_349 : i32 to vector<16xi32>
        %ge3A_351 = arith.cmpi sge, %masked_cummax3A_342, %ge3A_350 : vector<16xi32>
        %select_n3A_352 = arith.select %ge3A_351, %gather3A_348, %gather3A_309 : vector<16xi1>, vector<16xf32>
        %swap3A_353 = arith.index_cast %add3A_317 : i32 to index
        %swap3A_354 = tpu.vector_load %arg7[%swap3A_353] {strides = array<i32>} : memref<16384xf32, #tpu.memory_space<vmem>>, vector<16xf32>,
        tpu.vector_store %arg7[%swap3A_353], %select_n3A_352 {strides = array<i32>} : memref<16384xf32, #tpu.memory_space<vmem>>, vector<16xf32>,
        %broadcast_in_dim3A_355 = vector.shape_cast %broadcast_in_dim3A_3 : vector<16xi32> to vector<16x1xi32>
        %gather3A_356 = vector.shape_cast %broadcast_in_dim3A_355 : vector<16x1xi32> to vector<16xi32>
        %gather3A_357 = tpu.dynamic_gather %select_n3A_352[%gather3A_356] in [0] : vector<16xf32>, vector<16xi32> -> vector<16xf32>
        %mul3A_358 = arith.constant 4 : i32
        %mul3A_359 = arith.muli %scan3A_223, %mul3A_358 : i32
        %add3A_360 = arith.constant 3 : i32
        %add3A_361 = arith.addi %mul3A_359, %add3A_360 : i32
        %mul3A_362 = arith.constant 16 : i32
        %mul3A_363 = arith.muli %add3A_361, %mul3A_362 : i32
        %add3A_364 = arith.constant 12288 : i32
        %add3A_365 = arith.addi %add3A_364, %mul3A_363 : i32
        %get3A_366 = arith.index_cast %add3A_365 : i32 to index
        %get3A_367 = tpu.vector_load %arg5[%get3A_366] {strides = array<i32>} : memref<16384xf32, #tpu.memory_space<vmem>>, vector<16xf32>,
        %add3A_368 = arith.constant 2048 : i32
        %add3A_369 = arith.addi %add3A_368, %mul3A_363 : i32
        %get3A_370 = arith.index_cast %add3A_369 : i32 to index
        %get3A_371 = tpu.vector_load %arg6[%get3A_370] {strides = array<i32>} : memref<4096xi32, #tpu.memory_space<vmem>>, vector<16xi32>,
        %shift_right_arithmetic3A_372 = arith.constant 16 : i32
        %shift_right_arithmetic3A_373 = vector.broadcast %shift_right_arithmetic3A_372 : i32 to vector<16xi32>
        %shift_right_arithmetic3A_374 = arith.shrsi %get3A_371, %shift_right_arithmetic3A_373 : vector<16xi32>
        %and3A_375 = arith.constant 1 : i32
        %and3A_376 = vector.broadcast %and3A_375 : i32 to vector<16xi32>
        %and3A_377 = arith.andi %shift_right_arithmetic3A_374, %and3A_376 : vector<16xi32>
        %eq3A_378 = arith.constant 0 : i32
        %eq3A_379 = vector.broadcast %eq3A_378 : i32 to vector<16xi32>
        %eq3A_380 = arith.cmpi eq, %and3A_377, %eq3A_379 : vector<16xi32>
        %jit3A_381 = arith.constant -1 : i32
        %broadcast_in_dim3A_382 = vector.broadcast %jit3A_381 : i32 to vector<16xi32>
        %select_n3A_383 = arith.select %eq3A_380, %iota3A, %broadcast_in_dim3A_382 : vector<16xi1>, vector<16xi32>
        %broadcast_in_dim3A_384 = arith.constant true
        %broadcast_in_dim3A_385 = vector.broadcast %broadcast_in_dim3A_384 : i1 to vector<16xi1>
        %masked_cummax3A_386 = arith.constant -2147483648 : i32
        %masked_cummax3A_387 = vector.broadcast %masked_cummax3A_386 : i32 to vector<16xi32>
        %masked_cummax3A_388 = arith.xori %select_n3A_383, %masked_cummax3A_387 : vector<16xi32>
        %masked_cummax3A_389 = tpu.scan <max>, %masked_cummax3A_388 masked %broadcast_in_dim3A_385 : vector<16xi32>, vector<16xi1> -> vector<16xi32>
        %masked_cummax3A_390 = arith.xori %masked_cummax3A_389, %masked_cummax3A_387 : vector<16xi32>
        %max3A_391 = arith.constant 0 : i32
        %max3A_392 = vector.broadcast %max3A_391 : i32 to vector<16xi32>
        %max3A_393 = arith.maxsi %masked_cummax3A_390, %max3A_392 : vector<16xi32>
        %broadcast_in_dim3A_394 = vector.shape_cast %max3A_393 : vector<16xi32> to vector<16x1xi32>
        %gather3A_395 = vector.shape_cast %broadcast_in_dim3A_394 : vector<16x1xi32> to vector<16xi32>
        %gather3A_396 = tpu.dynamic_gather %get3A_367[%gather3A_395] in [0] : vector<16xf32>, vector<16xi32> -> vector<16xf32>
        %ge3A_397 = arith.constant 0 : i32
        %ge3A_398 = vector.broadcast %ge3A_397 : i32 to vector<16xi32>
        %ge3A_399 = arith.cmpi sge, %masked_cummax3A_390, %ge3A_398 : vector<16xi32>
        %select_n3A_400 = arith.select %ge3A_399, %gather3A_396, %gather3A_357 : vector<16xi1>, vector<16xf32>
        %swap3A_401 = arith.index_cast %add3A_365 : i32 to index
        %swap3A_402 = tpu.vector_load %arg7[%swap3A_401] {strides = array<i32>} : memref<16384xf32, #tpu.memory_space<vmem>>, vector<16xf32>,
        tpu.vector_store %arg7[%swap3A_401], %select_n3A_400 {strides = array<i32>} : memref<16384xf32, #tpu.memory_space<vmem>>, vector<16xf32>,
        %broadcast_in_dim3A_403 = vector.shape_cast %broadcast_in_dim3A_3 : vector<16xi32> to vector<16x1xi32>
        %gather3A_404 = vector.shape_cast %broadcast_in_dim3A_403 : vector<16x1xi32> to vector<16xi32>
        %gather3A_405 = tpu.dynamic_gather %select_n3A_400[%gather3A_404] in [0] : vector<16xf32>, vector<16xi32> -> vector<16xf32>
        scf.yield %gather3A_405 : vector<16xf32>
      }
      %scan3A_198 = arith.constant 32 : i32
      %scan3A_199 = arith.constant 0 : i32
      %scan3A_200 = arith.constant 32 : i32
      %scan3A_201 = arith.addi %scan3A_199, %scan3A_200 : i32
      %scan3A_202 = arith.constant 1 : i32
      %scan3A_203 = scf.for %scan3A_223 = %scan3A_199 to %scan3A_201 step %scan3A_202 iter_args(%scan3A_224 = %scan3A_197) -> (vector<16xf32>)  : i32 {
        %mul3A_225 = arith.constant 4 : i32
        %mul3A_226 = arith.muli %scan3A_223, %mul3A_225 : i32
        %add3A_227 = arith.constant 0 : i32
        %add3A_228 = arith.addi %mul3A_226, %add3A_227 : i32
        %mul3A_229 = arith.constant 16 : i32
        %mul3A_230 = arith.muli %add3A_228, %mul3A_229 : i32
        %add3A_231 = arith.constant 14336 : i32
        %add3A_232 = arith.addi %add3A_231, %mul3A_230 : i32
        %get3A = arith.index_cast %add3A_232 : i32 to index
        %get3A_233 = tpu.vector_load %arg5[%get3A] {strides = array<i32>} : memref<16384xf32, #tpu.memory_space<vmem>>, vector<16xf32>,
        %add3A_234 = arith.constant 2048 : i32
        %add3A_235 = arith.addi %add3A_234, %mul3A_230 : i32
        %get3A_236 = arith.index_cast %add3A_235 : i32 to index
        %get3A_237 = tpu.vector_load %arg6[%get3A_236] {strides = array<i32>} : memref<4096xi32, #tpu.memory_space<vmem>>, vector<16xi32>,
        %shift_right_arithmetic3A = arith.constant 24 : i32
        %shift_right_arithmetic3A_238 = vector.broadcast %shift_right_arithmetic3A : i32 to vector<16xi32>
        %shift_right_arithmetic3A_239 = arith.shrsi %get3A_237, %shift_right_arithmetic3A_238 : vector<16xi32>
        %and3A = arith.constant 1 : i32
        %and3A_240 = vector.broadcast %and3A : i32 to vector<16xi32>
        %and3A_241 = arith.andi %shift_right_arithmetic3A_239, %and3A_240 : vector<16xi32>
        %eq3A = arith.constant 0 : i32
        %eq3A_242 = vector.broadcast %eq3A : i32 to vector<16xi32>
        %eq3A_243 = arith.cmpi eq, %and3A_241, %eq3A_242 : vector<16xi32>
        %jit3A = arith.constant -1 : i32
        %broadcast_in_dim3A_244 = vector.broadcast %jit3A : i32 to vector<16xi32>
        %select_n3A = arith.select %eq3A_243, %iota3A, %broadcast_in_dim3A_244 : vector<16xi1>, vector<16xi32>
        %broadcast_in_dim3A_245 = arith.constant true
        %broadcast_in_dim3A_246 = vector.broadcast %broadcast_in_dim3A_245 : i1 to vector<16xi1>
        %masked_cummax3A = arith.constant -2147483648 : i32
        %masked_cummax3A_247 = vector.broadcast %masked_cummax3A : i32 to vector<16xi32>
        %masked_cummax3A_248 = arith.xori %select_n3A, %masked_cummax3A_247 : vector<16xi32>
        %masked_cummax3A_249 = tpu.scan <max>, %masked_cummax3A_248 masked %broadcast_in_dim3A_246 : vector<16xi32>, vector<16xi1> -> vector<16xi32>
        %masked_cummax3A_250 = arith.xori %masked_cummax3A_249, %masked_cummax3A_247 : vector<16xi32>
        %max3A = arith.constant 0 : i32
        %max3A_251 = vector.broadcast %max3A : i32 to vector<16xi32>
        %max3A_252 = arith.maxsi %masked_cummax3A_250, %max3A_251 : vector<16xi32>
        %broadcast_in_dim3A_253 = vector.shape_cast %max3A_252 : vector<16xi32> to vector<16x1xi32>
        %gather3A = vector.shape_cast %broadcast_in_dim3A_253 : vector<16x1xi32> to vector<16xi32>
        %gather3A_254 = tpu.dynamic_gather %get3A_233[%gather3A] in [0] : vector<16xf32>, vector<16xi32> -> vector<16xf32>
        %ge3A = arith.constant 0 : i32
        %ge3A_255 = vector.broadcast %ge3A : i32 to vector<16xi32>
        %ge3A_256 = arith.cmpi sge, %masked_cummax3A_250, %ge3A_255 : vector<16xi32>
        %select_n3A_257 = arith.select %ge3A_256, %gather3A_254, %scan3A_224 : vector<16xi1>, vector<16xf32>
        %swap3A = arith.index_cast %add3A_232 : i32 to index
        %swap3A_258 = tpu.vector_load %arg7[%swap3A] {strides = array<i32>} : memref<16384xf32, #tpu.memory_space<vmem>>, vector<16xf32>,
        tpu.vector_store %arg7[%swap3A], %select_n3A_257 {strides = array<i32>} : memref<16384xf32, #tpu.memory_space<vmem>>, vector<16xf32>,
        %broadcast_in_dim3A_259 = vector.shape_cast %broadcast_in_dim3A_3 : vector<16xi32> to vector<16x1xi32>
        %gather3A_260 = vector.shape_cast %broadcast_in_dim3A_259 : vector<16x1xi32> to vector<16xi32>
        %gather3A_261 = tpu.dynamic_gather %select_n3A_257[%gather3A_260] in [0] : vector<16xf32>, vector<16xi32> -> vector<16xf32>
        %mul3A_262 = arith.constant 4 : i32
        %mul3A_263 = arith.muli %scan3A_223, %mul3A_262 : i32
        %add3A_264 = arith.constant 1 : i32
        %add3A_265 = arith.addi %mul3A_263, %add3A_264 : i32
        %mul3A_266 = arith.constant 16 : i32
        %mul3A_267 = arith.muli %add3A_265, %mul3A_266 : i32
        %add3A_268 = arith.constant 14336 : i32
        %add3A_269 = arith.addi %add3A_268, %mul3A_267 : i32
        %get3A_270 = arith.index_cast %add3A_269 : i32 to index
        %get3A_271 = tpu.vector_load %arg5[%get3A_270] {strides = array<i32>} : memref<16384xf32, #tpu.memory_space<vmem>>, vector<16xf32>,
        %add3A_272 = arith.constant 2048 : i32
        %add3A_273 = arith.addi %add3A_272, %mul3A_267 : i32
        %get3A_274 = arith.index_cast %add3A_273 : i32 to index
        %get3A_275 = tpu.vector_load %arg6[%get3A_274] {strides = array<i32>} : memref<4096xi32, #tpu.memory_space<vmem>>, vector<16xi32>,
        %shift_right_arithmetic3A_276 = arith.constant 24 : i32
        %shift_right_arithmetic3A_277 = vector.broadcast %shift_right_arithmetic3A_276 : i32 to vector<16xi32>
        %shift_right_arithmetic3A_278 = arith.shrsi %get3A_275, %shift_right_arithmetic3A_277 : vector<16xi32>
        %and3A_279 = arith.constant 1 : i32
        %and3A_280 = vector.broadcast %and3A_279 : i32 to vector<16xi32>
        %and3A_281 = arith.andi %shift_right_arithmetic3A_278, %and3A_280 : vector<16xi32>
        %eq3A_282 = arith.constant 0 : i32
        %eq3A_283 = vector.broadcast %eq3A_282 : i32 to vector<16xi32>
        %eq3A_284 = arith.cmpi eq, %and3A_281, %eq3A_283 : vector<16xi32>
        %jit3A_285 = arith.constant -1 : i32
        %broadcast_in_dim3A_286 = vector.broadcast %jit3A_285 : i32 to vector<16xi32>
        %select_n3A_287 = arith.select %eq3A_284, %iota3A, %broadcast_in_dim3A_286 : vector<16xi1>, vector<16xi32>
        %broadcast_in_dim3A_288 = arith.constant true
        %broadcast_in_dim3A_289 = vector.broadcast %broadcast_in_dim3A_288 : i1 to vector<16xi1>
        %masked_cummax3A_290 = arith.constant -2147483648 : i32
        %masked_cummax3A_291 = vector.broadcast %masked_cummax3A_290 : i32 to vector<16xi32>
        %masked_cummax3A_292 = arith.xori %select_n3A_287, %masked_cummax3A_291 : vector<16xi32>
        %masked_cummax3A_293 = tpu.scan <max>, %masked_cummax3A_292 masked %broadcast_in_dim3A_289 : vector<16xi32>, vector<16xi1> -> vector<16xi32>
        %masked_cummax3A_294 = arith.xori %masked_cummax3A_293, %masked_cummax3A_291 : vector<16xi32>
        %max3A_295 = arith.constant 0 : i32
        %max3A_296 = vector.broadcast %max3A_295 : i32 to vector<16xi32>
        %max3A_297 = arith.maxsi %masked_cummax3A_294, %max3A_296 : vector<16xi32>
        %broadcast_in_dim3A_298 = vector.shape_cast %max3A_297 : vector<16xi32> to vector<16x1xi32>
        %gather3A_299 = vector.shape_cast %broadcast_in_dim3A_298 : vector<16x1xi32> to vector<16xi32>
        %gather3A_300 = tpu.dynamic_gather %get3A_271[%gather3A_299] in [0] : vector<16xf32>, vector<16xi32> -> vector<16xf32>
        %ge3A_301 = arith.constant 0 : i32
        %ge3A_302 = vector.broadcast %ge3A_301 : i32 to vector<16xi32>
        %ge3A_303 = arith.cmpi sge, %masked_cummax3A_294, %ge3A_302 : vector<16xi32>
        %select_n3A_304 = arith.select %ge3A_303, %gather3A_300, %gather3A_261 : vector<16xi1>, vector<16xf32>
        %swap3A_305 = arith.index_cast %add3A_269 : i32 to index
        %swap3A_306 = tpu.vector_load %arg7[%swap3A_305] {strides = array<i32>} : memref<16384xf32, #tpu.memory_space<vmem>>, vector<16xf32>,
        tpu.vector_store %arg7[%swap3A_305], %select_n3A_304 {strides = array<i32>} : memref<16384xf32, #tpu.memory_space<vmem>>, vector<16xf32>,
        %broadcast_in_dim3A_307 = vector.shape_cast %broadcast_in_dim3A_3 : vector<16xi32> to vector<16x1xi32>
        %gather3A_308 = vector.shape_cast %broadcast_in_dim3A_307 : vector<16x1xi32> to vector<16xi32>
        %gather3A_309 = tpu.dynamic_gather %select_n3A_304[%gather3A_308] in [0] : vector<16xf32>, vector<16xi32> -> vector<16xf32>
        %mul3A_310 = arith.constant 4 : i32
        %mul3A_311 = arith.muli %scan3A_223, %mul3A_310 : i32
        %add3A_312 = arith.constant 2 : i32
        %add3A_313 = arith.addi %mul3A_311, %add3A_312 : i32
        %mul3A_314 = arith.constant 16 : i32
        %mul3A_315 = arith.muli %add3A_313, %mul3A_314 : i32
        %add3A_316 = arith.constant 14336 : i32
        %add3A_317 = arith.addi %add3A_316, %mul3A_315 : i32
        %get3A_318 = arith.index_cast %add3A_317 : i32 to index
        %get3A_319 = tpu.vector_load %arg5[%get3A_318] {strides = array<i32>} : memref<16384xf32, #tpu.memory_space<vmem>>, vector<16xf32>,
        %add3A_320 = arith.constant 2048 : i32
        %add3A_321 = arith.addi %add3A_320, %mul3A_315 : i32
        %get3A_322 = arith.index_cast %add3A_321 : i32 to index
        %get3A_323 = tpu.vector_load %arg6[%get3A_322] {strides = array<i32>} : memref<4096xi32, #tpu.memory_space<vmem>>, vector<16xi32>,
        %shift_right_arithmetic3A_324 = arith.constant 24 : i32
        %shift_right_arithmetic3A_325 = vector.broadcast %shift_right_arithmetic3A_324 : i32 to vector<16xi32>
        %shift_right_arithmetic3A_326 = arith.shrsi %get3A_323, %shift_right_arithmetic3A_325 : vector<16xi32>
        %and3A_327 = arith.constant 1 : i32
        %and3A_328 = vector.broadcast %and3A_327 : i32 to vector<16xi32>
        %and3A_329 = arith.andi %shift_right_arithmetic3A_326, %and3A_328 : vector<16xi32>
        %eq3A_330 = arith.constant 0 : i32
        %eq3A_331 = vector.broadcast %eq3A_330 : i32 to vector<16xi32>
        %eq3A_332 = arith.cmpi eq, %and3A_329, %eq3A_331 : vector<16xi32>
        %jit3A_333 = arith.constant -1 : i32
        %broadcast_in_dim3A_334 = vector.broadcast %jit3A_333 : i32 to vector<16xi32>
        %select_n3A_335 = arith.select %eq3A_332, %iota3A, %broadcast_in_dim3A_334 : vector<16xi1>, vector<16xi32>
        %broadcast_in_dim3A_336 = arith.constant true
        %broadcast_in_dim3A_337 = vector.broadcast %broadcast_in_dim3A_336 : i1 to vector<16xi1>
        %masked_cummax3A_338 = arith.constant -2147483648 : i32
        %masked_cummax3A_339 = vector.broadcast %masked_cummax3A_338 : i32 to vector<16xi32>
        %masked_cummax3A_340 = arith.xori %select_n3A_335, %masked_cummax3A_339 : vector<16xi32>
        %masked_cummax3A_341 = tpu.scan <max>, %masked_cummax3A_340 masked %broadcast_in_dim3A_337 : vector<16xi32>, vector<16xi1> -> vector<16xi32>
        %masked_cummax3A_342 = arith.xori %masked_cummax3A_341, %masked_cummax3A_339 : vector<16xi32>
        %max3A_343 = arith.constant 0 : i32
        %max3A_344 = vector.broadcast %max3A_343 : i32 to vector<16xi32>
        %max3A_345 = arith.maxsi %masked_cummax3A_342, %max3A_344 : vector<16xi32>
        %broadcast_in_dim3A_346 = vector.shape_cast %max3A_345 : vector<16xi32> to vector<16x1xi32>
        %gather3A_347 = vector.shape_cast %broadcast_in_dim3A_346 : vector<16x1xi32> to vector<16xi32>
        %gather3A_348 = tpu.dynamic_gather %get3A_319[%gather3A_347] in [0] : vector<16xf32>, vector<16xi32> -> vector<16xf32>
        %ge3A_349 = arith.constant 0 : i32
        %ge3A_350 = vector.broadcast %ge3A_349 : i32 to vector<16xi32>
        %ge3A_351 = arith.cmpi sge, %masked_cummax3A_342, %ge3A_350 : vector<16xi32>
        %select_n3A_352 = arith.select %ge3A_351, %gather3A_348, %gather3A_309 : vector<16xi1>, vector<16xf32>
        %swap3A_353 = arith.index_cast %add3A_317 : i32 to index
        %swap3A_354 = tpu.vector_load %arg7[%swap3A_353] {strides = array<i32>} : memref<16384xf32, #tpu.memory_space<vmem>>, vector<16xf32>,
        tpu.vector_store %arg7[%swap3A_353], %select_n3A_352 {strides = array<i32>} : memref<16384xf32, #tpu.memory_space<vmem>>, vector<16xf32>,
        %broadcast_in_dim3A_355 = vector.shape_cast %broadcast_in_dim3A_3 : vector<16xi32> to vector<16x1xi32>
        %gather3A_356 = vector.shape_cast %broadcast_in_dim3A_355 : vector<16x1xi32> to vector<16xi32>
        %gather3A_357 = tpu.dynamic_gather %select_n3A_352[%gather3A_356] in [0] : vector<16xf32>, vector<16xi32> -> vector<16xf32>
        %mul3A_358 = arith.constant 4 : i32
        %mul3A_359 = arith.muli %scan3A_223, %mul3A_358 : i32
        %add3A_360 = arith.constant 3 : i32
        %add3A_361 = arith.addi %mul3A_359, %add3A_360 : i32
        %mul3A_362 = arith.constant 16 : i32
        %mul3A_363 = arith.muli %add3A_361, %mul3A_362 : i32
        %add3A_364 = arith.constant 14336 : i32
        %add3A_365 = arith.addi %add3A_364, %mul3A_363 : i32
        %get3A_366 = arith.index_cast %add3A_365 : i32 to index
        %get3A_367 = tpu.vector_load %arg5[%get3A_366] {strides = array<i32>} : memref<16384xf32, #tpu.memory_space<vmem>>, vector<16xf32>,
        %add3A_368 = arith.constant 2048 : i32
        %add3A_369 = arith.addi %add3A_368, %mul3A_363 : i32
        %get3A_370 = arith.index_cast %add3A_369 : i32 to index
        %get3A_371 = tpu.vector_load %arg6[%get3A_370] {strides = array<i32>} : memref<4096xi32, #tpu.memory_space<vmem>>, vector<16xi32>,
        %shift_right_arithmetic3A_372 = arith.constant 24 : i32
        %shift_right_arithmetic3A_373 = vector.broadcast %shift_right_arithmetic3A_372 : i32 to vector<16xi32>
        %shift_right_arithmetic3A_374 = arith.shrsi %get3A_371, %shift_right_arithmetic3A_373 : vector<16xi32>
        %and3A_375 = arith.constant 1 : i32
        %and3A_376 = vector.broadcast %and3A_375 : i32 to vector<16xi32>
        %and3A_377 = arith.andi %shift_right_arithmetic3A_374, %and3A_376 : vector<16xi32>
        %eq3A_378 = arith.constant 0 : i32
        %eq3A_379 = vector.broadcast %eq3A_378 : i32 to vector<16xi32>
        %eq3A_380 = arith.cmpi eq, %and3A_377, %eq3A_379 : vector<16xi32>
        %jit3A_381 = arith.constant -1 : i32
        %broadcast_in_dim3A_382 = vector.broadcast %jit3A_381 : i32 to vector<16xi32>
        %select_n3A_383 = arith.select %eq3A_380, %iota3A, %broadcast_in_dim3A_382 : vector<16xi1>, vector<16xi32>
        %broadcast_in_dim3A_384 = arith.constant true
        %broadcast_in_dim3A_385 = vector.broadcast %broadcast_in_dim3A_384 : i1 to vector<16xi1>
        %masked_cummax3A_386 = arith.constant -2147483648 : i32
        %masked_cummax3A_387 = vector.broadcast %masked_cummax3A_386 : i32 to vector<16xi32>
        %masked_cummax3A_388 = arith.xori %select_n3A_383, %masked_cummax3A_387 : vector<16xi32>
        %masked_cummax3A_389 = tpu.scan <max>, %masked_cummax3A_388 masked %broadcast_in_dim3A_385 : vector<16xi32>, vector<16xi1> -> vector<16xi32>
        %masked_cummax3A_390 = arith.xori %masked_cummax3A_389, %masked_cummax3A_387 : vector<16xi32>
        %max3A_391 = arith.constant 0 : i32
        %max3A_392 = vector.broadcast %max3A_391 : i32 to vector<16xi32>
        %max3A_393 = arith.maxsi %masked_cummax3A_390, %max3A_392 : vector<16xi32>
        %broadcast_in_dim3A_394 = vector.shape_cast %max3A_393 : vector<16xi32> to vector<16x1xi32>
        %gather3A_395 = vector.shape_cast %broadcast_in_dim3A_394 : vector<16x1xi32> to vector<16xi32>
        %gather3A_396 = tpu.dynamic_gather %get3A_367[%gather3A_395] in [0] : vector<16xf32>, vector<16xi32> -> vector<16xf32>
        %ge3A_397 = arith.constant 0 : i32
        %ge3A_398 = vector.broadcast %ge3A_397 : i32 to vector<16xi32>
        %ge3A_399 = arith.cmpi sge, %masked_cummax3A_390, %ge3A_398 : vector<16xi32>
        %select_n3A_400 = arith.select %ge3A_399, %gather3A_396, %gather3A_357 : vector<16xi1>, vector<16xf32>
        %swap3A_401 = arith.index_cast %add3A_365 : i32 to index
        %swap3A_402 = tpu.vector_load %arg7[%swap3A_401] {strides = array<i32>} : memref<16384xf32, #tpu.memory_space<vmem>>, vector<16xf32>,
        tpu.vector_store %arg7[%swap3A_401], %select_n3A_400 {strides = array<i32>} : memref<16384xf32, #tpu.memory_space<vmem>>, vector<16xf32>,
        %broadcast_in_dim3A_403 = vector.shape_cast %broadcast_in_dim3A_3 : vector<16xi32> to vector<16x1xi32>
        %gather3A_404 = vector.shape_cast %broadcast_in_dim3A_403 : vector<16x1xi32> to vector<16xi32>
        %gather3A_405 = tpu.dynamic_gather %select_n3A_400[%gather3A_404] in [0] : vector<16xf32>, vector<16xi32> -> vector<16xf32>
        scf.yield %gather3A_405 : vector<16xf32>
      }
      %scan3A_204 = arith.constant 32 : i32
      %dma_start3A_205 = arith.constant 8192 : i32
      %dma_start3A_206 = tpu.memref_slice %arg7[%dma_start3A_205] : memref<16384xf32, #tpu.memory_space<vmem>> -> memref<8192xf32, #tpu.memory_space<vmem>>
      %dma_start3A_207 = arith.constant 0 : i32
      %dma_start3A_208 = tpu.memref_slice %arg4[%add3A_151, %dma_start3A_207] : memref<1024x8192xf32, #tpu.memory_space<hbm>> -> memref<1x8192xf32, #tpu.memory_space<hbm>>
      %dma_start3A_209 = tpu.memref_squeeze %dma_start3A_208 : memref<1x8192xf32, #tpu.memory_space<hbm>> -> memref<8192xf32, #tpu.memory_space<hbm>>
      %dma_start3A_210 = arith.constant 0 : i32
      %dma_start3A_211 = tpu.memref_slice %arg4[%add3A_151, %dma_start3A_210] : memref<1024x8192xf32, #tpu.memory_space<hbm>> -> memref<1x8192xf32, #tpu.memory_space<hbm>>
      %dma_start3A_212 = tpu.memref_squeeze %dma_start3A_211 : memref<1x8192xf32, #tpu.memory_space<hbm>> -> memref<8192xf32, #tpu.memory_space<hbm>>
      %dma_start3A_213 = arith.constant 8192 : i32
      %dma_start3A_214 = tpu.memref_slice %arg7[%dma_start3A_213] : memref<16384xf32, #tpu.memory_space<vmem>> -> memref<8192xf32, #tpu.memory_space<vmem>>
      tpu.enqueue_dma source(%dma_start3A_214 : memref<8192xf32, #tpu.memory_space<vmem>>) target(%dma_start3A_212 : memref<8192xf32, #tpu.memory_space<hbm>>) target_semaphore(%arg11 : memref<!tpu.dma_semaphore, #tpu.memory_space<semaphore_mem>>)
      %add3A_215 = arith.constant 1 : i32
      %add3A_216 = arith.addi %scan3A_74, %add3A_215 : i32
      %lt3A_217 = arith.constant 16 : i32
      %lt3A_218 = arith.cmpi slt, %add3A_216, %lt3A_217 : i32
      %convert_element_type3A_219 = arith.extui %lt3A_218 : i1 to i32
      %cond3A_220 = arith.constant 0 : i32
      %cond3A_221 = arith.cmpi ne, %convert_element_type3A_219, %cond3A_220 : i32
      scf.if %cond3A_221 {
        %add3A_223 = arith.constant 2 : i32
        %add3A_224 = arith.addi %add3A_151, %add3A_223 : i32
        %dma_start3A_225 = arith.constant 8192 : i32
        %dma_start3A_226 = tpu.memref_slice %arg5[%dma_start3A_225] : memref<16384xf32, #tpu.memory_space<vmem>> -> memref<8192xf32, #tpu.memory_space<vmem>>
        %dma_start3A_227 = arith.constant 0 : i32
        %dma_start3A_228 = tpu.memref_slice %arg2[%add3A_224, %dma_start3A_227] : memref<1024x8192xf32, #tpu.memory_space<hbm>> -> memref<1x8192xf32, #tpu.memory_space<hbm>>
        %dma_start3A_229 = tpu.memref_squeeze %dma_start3A_228 : memref<1x8192xf32, #tpu.memory_space<hbm>> -> memref<8192xf32, #tpu.memory_space<hbm>>
        %dma_start3A_230 = arith.constant 8192 : i32
        %dma_start3A_231 = tpu.memref_slice %arg5[%dma_start3A_230] : memref<16384xf32, #tpu.memory_space<vmem>> -> memref<8192xf32, #tpu.memory_space<vmem>>
        %dma_start3A_232 = arith.constant 0 : i32
        %dma_start3A_233 = tpu.memref_slice %arg2[%add3A_224, %dma_start3A_232] : memref<1024x8192xf32, #tpu.memory_space<hbm>> -> memref<1x8192xf32, #tpu.memory_space<hbm>>
        %dma_start3A_234 = tpu.memref_squeeze %dma_start3A_233 : memref<1x8192xf32, #tpu.memory_space<hbm>> -> memref<8192xf32, #tpu.memory_space<hbm>>
        tpu.enqueue_dma source(%dma_start3A_234 : memref<8192xf32, #tpu.memory_space<hbm>>) target(%dma_start3A_231 : memref<8192xf32, #tpu.memory_space<vmem>>) target_semaphore(%arg9 : memref<!tpu.dma_semaphore, #tpu.memory_space<semaphore_mem>>)
        %dma_start3A_235 = arith.constant 2048 : i32
        %dma_start3A_236 = tpu.memref_slice %arg6[%dma_start3A_235] : memref<4096xi32, #tpu.memory_space<vmem>> -> memref<2048xi32, #tpu.memory_space<vmem>>
        %dma_start3A_237 = arith.constant 0 : i32
        %dma_start3A_238 = tpu.memref_slice %arg3[%add3A_224, %dma_start3A_237] : memref<1024x2048xi32, #tpu.memory_space<hbm>> -> memref<1x2048xi32, #tpu.memory_space<hbm>>
        %dma_start3A_239 = tpu.memref_squeeze %dma_start3A_238 : memref<1x2048xi32, #tpu.memory_space<hbm>> -> memref<2048xi32, #tpu.memory_space<hbm>>
        %dma_start3A_240 = arith.constant 2048 : i32
        %dma_start3A_241 = tpu.memref_slice %arg6[%dma_start3A_240] : memref<4096xi32, #tpu.memory_space<vmem>> -> memref<2048xi32, #tpu.memory_space<vmem>>
        %dma_start3A_242 = arith.constant 0 : i32
        %dma_start3A_243 = tpu.memref_slice %arg3[%add3A_224, %dma_start3A_242] : memref<1024x2048xi32, #tpu.memory_space<hbm>> -> memref<1x2048xi32, #tpu.memory_space<hbm>>
        %dma_start3A_244 = tpu.memref_squeeze %dma_start3A_243 : memref<1x2048xi32, #tpu.memory_space<hbm>> -> memref<2048xi32, #tpu.memory_space<hbm>>
        tpu.enqueue_dma source(%dma_start3A_244 : memref<2048xi32, #tpu.memory_space<hbm>>) target(%dma_start3A_241 : memref<2048xi32, #tpu.memory_space<vmem>>) target_semaphore(%arg9 : memref<!tpu.dma_semaphore, #tpu.memory_space<semaphore_mem>>)
      } else {
      }
      %scan3A_222 = arith.constant 0 : i32
      scf.yield %scan3A_222 : i32
    }
    %scan3A_52 = arith.constant 16 : i32
    %dma_wait3A = arith.constant 0 : i32
    %dma_wait3A_53 = arith.constant 0 : i32
    %dma_wait3A_54 = tpu.memref_slice %arg7[%dma_wait3A_53] : memref<16384xf32, #tpu.memory_space<vmem>> -> memref<8192xf32, #tpu.memory_space<vmem>>
    %dma_wait3A_55 = arith.constant 0 : i32
    %dma_wait3A_56 = tpu.memref_slice %arg4[%dma_wait3A, %dma_wait3A_55] : memref<1024x8192xf32, #tpu.memory_space<hbm>> -> memref<1x8192xf32, #tpu.memory_space<hbm>>
    %dma_wait3A_57 = tpu.memref_squeeze %dma_wait3A_56 : memref<1x8192xf32, #tpu.memory_space<hbm>> -> memref<8192xf32, #tpu.memory_space<hbm>>
    %dma_wait3A_58 = arith.constant 0 : i32
    %dma_wait3A_59 = tpu.memref_slice %arg7[%dma_wait3A_58] : memref<16384xf32, #tpu.memory_space<vmem>> -> memref<8192xf32, #tpu.memory_space<vmem>>
    %dma_wait3A_60 = arith.constant 0 : i32
    %dma_wait3A_61 = tpu.memref_slice %arg4[%dma_wait3A, %dma_wait3A_60] : memref<1024x8192xf32, #tpu.memory_space<hbm>> -> memref<1x8192xf32, #tpu.memory_space<hbm>>
    %dma_wait3A_62 = tpu.memref_squeeze %dma_wait3A_61 : memref<1x8192xf32, #tpu.memory_space<hbm>> -> memref<8192xf32, #tpu.memory_space<hbm>>
    tpu.wait_dma2 semaphore(%arg10 : memref<!tpu.dma_semaphore, #tpu.memory_space<semaphore_mem>>) src(%dma_wait3A_62 : memref<8192xf32, #tpu.memory_space<hbm>>) dst(%dma_wait3A_59 : memref<8192xf32, #tpu.memory_space<vmem>>)
    %dma_wait3A_63 = arith.constant 0 : i32
    %dma_wait3A_64 = arith.constant 8192 : i32
    %dma_wait3A_65 = tpu.memref_slice %arg7[%dma_wait3A_64] : memref<16384xf32, #tpu.memory_space<vmem>> -> memref<8192xf32, #tpu.memory_space<vmem>>
    %dma_wait3A_66 = arith.constant 0 : i32
    %dma_wait3A_67 = tpu.memref_slice %arg4[%dma_wait3A_63, %dma_wait3A_66] : memref<1024x8192xf32, #tpu.memory_space<hbm>> -> memref<1x8192xf32, #tpu.memory_space<hbm>>
    %dma_wait3A_68 = tpu.memref_squeeze %dma_wait3A_67 : memref<1x8192xf32, #tpu.memory_space<hbm>> -> memref<8192xf32, #tpu.memory_space<hbm>>
    %dma_wait3A_69 = arith.constant 8192 : i32
    %dma_wait3A_70 = tpu.memref_slice %arg7[%dma_wait3A_69] : memref<16384xf32, #tpu.memory_space<vmem>> -> memref<8192xf32, #tpu.memory_space<vmem>>
    %dma_wait3A_71 = arith.constant 0 : i32
    %dma_wait3A_72 = tpu.memref_slice %arg4[%dma_wait3A_63, %dma_wait3A_71] : memref<1024x8192xf32, #tpu.memory_space<hbm>> -> memref<1x8192xf32, #tpu.memory_space<hbm>>
    %dma_wait3A_73 = tpu.memref_squeeze %dma_wait3A_72 : memref<1x8192xf32, #tpu.memory_space<hbm>> -> memref<8192xf32, #tpu.memory_space<hbm>>
    tpu.wait_dma2 semaphore(%arg11 : memref<!tpu.dma_semaphore, #tpu.memory_space<semaphore_mem>>) src(%dma_wait3A_73 : memref<8192xf32, #tpu.memory_space<hbm>>) dst(%dma_wait3A_70 : memref<8192xf32, #tpu.memory_space<vmem>>)
    return
  }
}

</mosaic_0001>

<sc_bundles>
// kernel: kernel.3.cloned.1.call-start
scs
__scs_entry_jumppad:
0x0: {  	(pc) =	sbr.rel $0x88, $3  }
0x1: {  	(tag) =	ssettag $0x0;
	lr =	simm.s32 $0x1  }
0x2: {  	[smem:$0x3F9F] =	sst lr;
	_ =	strace $0xD0000000  }
0x3: {  	_ = 	snop  }
0x4: {  	_ = 	snop  }
0x5: {  	_ = 	snop  }
0x6: {  	_ = 	snop  }
0x7: {  	_ = 	snop  }
__scs_overlays_trampoline_lowered:
0x8: {  	[smem:$0x3FAE] =	sst s0  }
0x9: {  	[smem:$0x3FAF] =	sst s1  }
0xa: {  	[smem:$0x3FB0] =	sst s2  }
0xb: {  	[smem:$0x3FB1] =	sst s3  }
0xc: {  	[smem:$0x3FB2] =	sst s4  }
0xd: {  	[smem:$0x3FB3] =	sst s5  }
0xe: {  	[smem:$0x3FB4] =	sst s6  }
0xf: {  	[smem:$0x3FB5] =	sst s7  }
0x10: {  	[smem:$0x3FB6] =	sst s8  }
0x11: {  	[smem:$0x3FB7] =	sst s9;
	s0 =	simm.s32 @!p0 $0x0  }
0x12: {  	s1 =	sld [smem:$0x3F9D];
	s0 =	simm.s32 @p0 $0x1  }
0x13: {  	[smem:$0x3FB8] =	sst s0;
	s0 =	simm.s32 @!p1 $0x0  }
0x14: {  	s2 =	sld [smem:$0x3F9C];
	s0 =	simm.s32 @p1 $0x1  }
0x15: {  	[smem:$0x3FB9] =	sst s0;
	s0 =	simm.s32 @!p2 $0x0  }
0x16: {  	s3 =	sld [smem:$0x3FDB];
	s0 =	simm.s32 @p2 $0x1  }
0x17: {  	s4 =	simm.s32 $0x1BF5;
	[smem:$0x3FBB] =	sst s0  }
0x18: {  	s0 =	sld [smem:$0x3F9E];
	_ =	swait.ge [sflag:s4], $0x0  }
0x19: {  	s7 =	sld [smem:$0x3F9F]  }
0x1a: {  	s8 =	sadd.s32 $0xFFFFE003, lr  }
0x1b: {  	s9 =	sadd.s32 $0xFFFFFEF7, lr;
	s5 =	simm.s32 $0xFFFFFFFF;
	p2 =	slt.u32 s8, $0xFFFFF086  }
0x1c: {  	p1 =	slt.u32 s9, $0xF7A;
	s5 =	simm.s32 @!p2 $0x0  }
0x1d: {  	s5 =	simm.s32 @p1 $0x1;
	p0 =	seq.s32 s7, s2  }
0x1e: {  	s7 =	smul.u32 @!p0 $0xF7A, s2;
	p2 =	seq.s32 @!p0 s5, $0x0  }
0x1f: {  	s9 =	smul.u32 $0xF7A, s1;
	s8 =	simm.s32 @!p0 $0x1BF5;
	p2 =	por !p2, p0  }
0x20: {  	[sflag:s8] =	ssyncset.s32 @!p0 $0xFFFFF086;
	s6 =	sadd.s32 @!p0 s3, s7;
	s7 =	simm.s32 @!p0 $0x108  }
0x21: {  	s3 =	sadd.s32 s3, s9;
	s6 =	sadd.s32 @!p0 $0x88, s6;
	s7 =	simm.s32 @p2 $0x1082  }
0x22: {  	[simem:s7], [sflag:s8] =	dma.local @!p0 [hbm:s6], $0xF7A  }
0x23: {  	s9 =	sor.u32 $0xD0000000, s2;
	s6 =	simm.s32 $0x108;
	_ =	swait.ge @!p0 [sflag:s8], $0x0  }
0x24: {  	s3 =	sadd.s32 $0x88, s3;
	s6 =	simm.s32 @!p1 $0x1082;
	[sflag:s4] =	ssyncset.s32 $0xFFFFF086  }
0x25: {  	[simem:s6], [sflag:s4] =	dma.local [hbm:s3], $0xF7A  }
0x26: {  	[smem:$0x3F9F] =	sst s1;
	(tag) =	ssettag s2;
	_ =	strace s9  }
0x27: {  	s1 =	sld [smem:$0x3FAF]  }
0x28: {  	s2 =	sld [smem:$0x3FB0]  }
0x29: {  	s4 =	sld [smem:$0x3FB2]  }
0x2a: {  	p0 =	seq.s32 s5, $0x0;
	s5 =	sld [smem:$0x3FB3]  }
0x2b: {  	s6 =	sld [smem:$0x3FB4]  }
0x2c: {  	s7 =	sld [smem:$0x3FB5]  }
0x2d: {  	s3 =	simm.s32 $0x108;
	s8 =	sld [smem:$0x3FB6]  }
0x2e: {  	s3 =	simm.s32 @!p0 $0x1082;
	s9 =	sld [smem:$0x3FB7]  }
0x2f: {  	lr =	sadd.s32 s0, s3;
	s0 =	sld [smem:$0x3FAE]  }
0x30: {  	s3 =	sld [smem:$0x3FB1]  }
0x31: {  	[smem:$0x3FBA] =	sst s10  }
0x32: {  	s10 =	sld [smem:$0x3FB8];
	_ =	sdelay $0x3  }
0x33: {  	p0 =	seq.s32 s10, $0x1;
	s10 =	sld [smem:$0x3FBA];
	_ =	sdelay $0x3  }
0x34: {  	[smem:$0x3FBA] =	sst s10  }
0x35: {  	s10 =	sld [smem:$0x3FB9];
	_ =	sdelay $0x3  }
0x36: {  	p1 =	seq.s32 s10, $0x1;
	s10 =	sld [smem:$0x3FBA];
	_ =	sdelay $0x3  }
0x37: {  	[smem:$0x3FBA] =	sst s10  }
0x38: {  	s10 =	sld [smem:$0x3FBB]  }
0x39: {  	_ = 	snop;
	(pc) =	sbr.ind lr, $3  }
0x3a: {  	_ = 	snop  }
0x3b: {  	_ = 	snop  }
0x3c: {  	p2 =	seq.s32 s10, $0x1;
	s10 =	sld [smem:$0x3FBA]  }
0x3d: {  	_ =	shalt  }
0x3e: {  	_ =	shalt  }
0x3f: {  	_ =	shalt  }
0x40: {  	_ =	shalt  }
0x41: {  	_ =	shalt  }
0x42: {  	_ =	shalt  }
0x43: {  	_ =	shalt  }
0x44: {  	_ =	shalt  }
0x45: {  	_ =	shalt  }
0x46: {  	_ =	shalt  }
0x47: {  	_ =	shalt  }
0x48: {  	_ =	shalt  }
0x49: {  	_ =	shalt  }
0x4a: {  	_ =	shalt  }
0x4b: {  	_ =	shalt  }
0x4c: {  	_ =	shalt  }
0x4d: {  	_ =	shalt  }
0x4e: {  	_ =	shalt  }
0x4f: {  	_ =	shalt  }
0x50: {  	_ =	shalt  }
0x51: {  	_ =	shalt  }
0x52: {  	_ =	shalt  }
0x53: {  	_ =	shalt  }
0x54: {  	_ =	shalt  }
0x55: {  	_ =	shalt  }
0x56: {  	_ =	shalt  }
0x57: {  	_ =	shalt  }
0x58: {  	_ =	shalt  }
0x59: {  	_ =	shalt  }
0x5a: {  	_ =	shalt  }
0x5b: {  	_ =	shalt  }
0x5c: {  	_ =	shalt  }
0x5d: {  	_ =	shalt  }
0x5e: {  	_ =	shalt  }
0x5f: {  	_ =	shalt  }
0x60: {  	_ =	shalt  }
0x61: {  	_ =	shalt  }
0x62: {  	_ =	shalt  }
0x63: {  	_ =	shalt  }
0x64: {  	_ =	shalt  }
0x65: {  	_ =	shalt  }
0x66: {  	_ =	shalt  }
0x67: {  	_ =	shalt  }
0x68: {  	_ =	shalt  }
0x69: {  	_ =	shalt  }
0x6a: {  	_ =	shalt  }
0x6b: {  	_ =	shalt  }
0x6c: {  	_ =	shalt  }
0x6d: {  	_ =	shalt  }
0x6e: {  	_ =	shalt  }
0x6f: {  	_ =	shalt  }
0x70: {  	_ =	shalt  }
0x71: {  	_ =	shalt  }
0x72: {  	_ =	shalt  }
0x73: {  	_ =	shalt  }
0x74: {  	_ =	shalt  }
0x75: {  	_ =	shalt  }
0x76: {  	_ =	shalt  }
0x77: {  	_ =	shalt  }
0x78: {  	_ =	shalt  }
0x79: {  	_ =	shalt  }
0x7a: {  	_ =	shalt  }
0x7b: {  	_ =	shalt  }
0x7c: {  	_ =	shalt  }
0x7d: {  	_ =	shalt  }
0x7e: {  	_ =	shalt  }
0x7f: {  	_ =	shalt  }
0x80: {  	_ =	shalt  }
0x81: {  	_ =	shalt  }
0x82: {  	_ =	shalt  }
0x83: {  	_ =	shalt  }
0x84: {  	_ =	shalt  }
0x85: {  	_ =	shalt  }
0x86: {  	_ =	shalt  }
0x87: {  	_ =	shalt  }
.Lfunc_end0:
.L_simem_size_0:
called_computation_lowered:
.L_overlay_start_0:
0x88: {  	s2 =	sld [smem:$0x3FD9]  }
0x89: {  	s3 =	sld [smem:$0x3FFE];
	_ =	sdelay $0x1  }
0x8a: {  	s1 =	srdreg.scid  }
0x8b: {  	s0 =	sand.u32 $0x1, s1  }
0x8c: {  	s17 =	sshll.u32 s0, $0xA;
	s2 =	sadd.s32 s3, s2  }
0x8d: {  	s2 =	sadd.s32 s2, s17  }
0x8e: {  	[smem:$0x3FC6] =	sst s2  }
0x8f: {  	_ = 	snop  }
0x90: {  	s2 =	sld [smem:$0x3FC9]  }
0x91: {  	s18 =	sld [smem:$0x3FD0];
	(tm) =	ssettm $0x1  }
0x92: {  	s4 =	sld [smem:$0x3FFB];
	_ =	sdelay $0x3  }
0x93: {  	_ =	strace s4  }
0x94: {  	s4 =	sld [smem:$0x3FFC];
	_ =	sdelay $0x3  }
0x95: {  	_ =	strace s4  }
0x96: {  	s4 =	sld [smem:$0x3FFD];
	_ =	sdelay $0x3  }
0x97: {  	_ =	strace s4  }
0x98: {  	_ =	strace $0x8FFFFFFF  }
0x99: {  	s19 =	sld [smem:$0x3FDB];
	_ =	sdelay $0x1  }
0x9a: {  	s5 =	simm.s32 $_scs_section_size  }
0x9b: {  	s6 =	simm.s32 $_size__tile_overlayer_lowered;
	s7 =	simm.s32 $_tile_overlayer_lowered  }
0x9c: {  	s22 =	simm.s32 $0x1BFF;
	s21 =	sshll.u32 s7, $0x1;
	s4 =	sadd.s32 s5, s19  }
0x9d: {  	s8 =	simm.s32 $0x0;
	s20 =	sshll.u32 s6, $0x1;
	s6 =	sadd.s32 s21, s4  }
0x9e: {  	[timem:s8], [sflag:s22] =	dma.local [hbm:s6], s20  }
0x9f: {  	_ =	swait.ge [sflag:s22], s20  }
0xa0: {  	s5 =	ssub.s32 $0x0, s20;
	[sflag:s22] =	ssyncset.done $0x0  }
0xa1: {  	[sflag:s22] =	ssyncadd.s32 s5;
	_ =	sdelay $0x1  }
0xa2: {  	s23 =	simm.s32 $0x1B8B  }
0xa3: {  	_ =	swait.ge [sflag:s23], $0x1  }
0xa4: {  	[sflag:s23] =	ssyncset.done $0x0  }
0xa5: {  	s25 =	simm.s32 $0x1B8E;
	s24 =	sld [smem:$0x3FFE];
	[sflag:s23] =	ssyncadd.s32 $0xFFFFFFFF  }
0xa6: {  	s26 =	simm.s32 $execute0_lowered;
	[smem:$0x3FD2] =	sst s25  }
0xa7: {  	s6 =	sshll.u32 s26, $0x1;
	_ =	strace $0x80000046;
	[dreg:$0x1] =	wrdreg $0xFFFFFFFF  }
0xa8: {  	s28 =	simm.s32 $_size_execute0_lowered;
	s4 =	sadd.s32 s4, s6;
	[dreg:$0x0] =	wrdreg $0x0  }
0xa9: {  	s6 =	sshll.u32 s28, $0x1;
	[dreg:$0x2] =	wrdreg s4  }
0xaa: {  	[dreg:$0x3] =	wrdreg s6  }
0xab: {  	[dreg:$0x4] =	wrdreg $0xC0  }
0xac: {  	_ =	task [dreg:s8], $0x5FFFF  }
0xad: {  	[dreg:$0x1] =	wrdreg $0xFFFFFFFF  }
0xae: {  	[dreg:$0x0] =	wrdreg $0x60  }
0xaf: {  	[dreg:$0x2] =	wrdreg s2  }
0xb0: {  	[dreg:$0x3] =	wrdreg s24  }
0xb1: {  	[dreg:$0x4] =	wrdreg s18  }
0xb2: {  	[dreg:$0x5] =	wrdreg $0x9  }
0xb3: {  	_ =	task.clear_ibuf [dreg:s8], $0x6FFFF;
	_ =	strace $0x90000046  }
0xb4: {  	s29 =	simm.s32 $0x9;
	_ =	strace $0x80000048  }
0xb5: {  	_ =	swait.ge [sflag:s29], $0x1  }
0xb6: {  	[sflag:s29] =	ssyncadd.s32 $0xFFFFFFFF  }
0xb7: {  	_ =	strace $0x90000048  }
0xb8: {  	_ =	sfence  }
0xb9: {  	s30 =	sld [smem:$0x0];
	_ =	sdelay $0x2  }
0xba: {  	s31 =	sshll.u32 s1, $0xD;
	s1 =	sshrl.u32 s1, $0x2  }
0xbb: {  	s3 =	sand.u32 $0x4000, s31;
	s1 =	sadd.s32 s1, s30  }
0xbc: {  	s0 =	sor.u32 s3, s0;
	s1 =	sshll.u32 s1, $0x11  }
0xbd: {  	s0 =	sor.u32 s1, s0  }
0xbe: {  	s0 =	sadd.s32 $0x8F2B, s0  }
0xbf: {  	[sflag:s0] =	ssyncadd.remote.s32 $0x1  }
0xc0: {  	_ =	sfence.sel $0xFFFF  }
0xc1: {  	[dreg:$0x0] =	wrdreg $0xFFFFFFFF;
	(pc) =	sbr.abs _section_cstart, $3  }
0xc2: {  	[dreg:$0x1] =	wrdreg $0xFFFFFFFF  }
0xc3: {  	_ =	task.clear_ibuf [dreg:s8], $0x2FFFF;
	_ =	strace $0x9FFFFFFF  }
0xc4: {  	(tm) =	ssettm $0x7FFFFFFF  }
0xc5: {  	_ =	shalt  }
tec
execute0_lowered:
.L_overlay_start_1:
0x0: {  	(tag) =	ssettag $0x1  }
0x1: {  	s1 =	rddreg [dreg:$0x0]  }
0x2: {  	s0 =	rddreg [dreg:$0x1]  }
0x3: {  	s2 =	rddreg [dreg:$0x2];
	s4 =	simm.s32 $0x0;
	s3 =	srdreg.scid  }
0x4: {  	s5 =	stileid.u32;
	s12 =	simm.s32 $0x80;
	s13 =	simm.s32 $0x400  }
0x5: {  	s17 =	simm.s32 $0x1;
	s18 =	simm.s32 $0x5000;
	s19 =	simm.s32 $0x2  }
0x6: {  	s20 =	simm.s32 $0x7000;
	s21 =	simm.s32 $0x3;
	s22 =	simm.s32 $0x4  }
0x7: {  	s23 =	simm.s32 $0x0;
	[smem:$0x7FF] =	sst s4;
	s3 =	sand.u32 $0x1, s3  }
0x8: {  	s6 =	sshll.u32 s5, $0x6;
	s5 =	sadd.s32 $0x400, s0;
	s7 =	sshll.u32 s3, $0x5  }
0x9: {  	_ =	strace $0x80000047;
	s31 =	ssub.s32 $0x2, s3;
	s6 =	sor.u32 s7, s6  }
0xa: {  	s3 =	sshrl.u32 s31, $0x1;
	s7 =	sshll.u32 s6, $0xA;
	s8 =	sshll.u32 s6, $0x8  }
0xb: {  	v0 =	vlaneseq.u32;
	s0 =	ssub.s32 s31, s3;
	s7 =	sadd.s32 s1, s7;
	s8 =	sadd.s32 s5, s8  }
0xc: {  	v1 =	vimm.s32 $0xF;
	v0 =	vor.u32 $0x80000000, v0;
	s11 =	smax.u32 s0, $0x1;
	s9 =	sadd.s32 $0x10, s7;
	s10 =	sadd.s32 $0x10, s8  }
.LBB2_1:
0xd: {  	[tilespmem:s4], [sflag:$0x1] =	stream.strided.gather [hbm4b:s7+s12], $0x2000, s13, s12, $0x38;
	[tilespmem:$0x9000] =	vst v63  }
0xe: {  	s0 =	simm.s32 $0x4000  }
0xf: {  	[tilespmem:s0], [sflag:$0x1] =	stream.strided.gather [hbm4b:s8+s12], $0x800, s13, s12, $0x38;
	[tilespmem:$0x9000] =	vst v63  }
0x10: {  	s30 =	simm.s32 $0x2000  }
0x11: {  	[tilespmem:s30], [sflag:$0x2] =	stream.strided.gather [hbm4b:s9+s12], $0x2000, s13, s12, $0x38;
	[tilespmem:$0x9000] =	vst v63  }
0x12: {  	s31 =	simm.s32 $0x4800;
	s25 =	simm.s32 $0x0  }
0x13: {  	[tilespmem:s31], [sflag:$0x2] =	stream.strided.gather [hbm4b:s10+s12], $0x800, s13, s12, $0x38;
	[tilespmem:$0x9000] =	vst v63  }
.LBB2_2:
0x14: {  	_ =	swait.ge [sflag:s17], $0x2000  }
0x15: {  	[sflag:s17] =	ssyncset.done $0x0  }
0x16: {  	[sflag:s17] =	ssyncadd.s32 $0xFFFFE000  }
0x17: {  	_ =	swait.ge [sflag:s17], $0x800  }
0x18: {  	p1 =	seq.s32 s25, $0x0;
	[sflag:s17] =	ssyncset.done $0x0  }
0x19: {  	s0 =	simm.s32 @!p1 $0x3;
	[sflag:s17] =	ssyncadd.s32 $0xFFFFF800  }
0x1a: {  	_ =	swait.ge @!p1 [sflag:s0], $0x2000  }
0x1b: {  	[sflag:s0] =	ssyncset.done @!p1 $0x0  }
0x1c: {  	s28 =	simm.s32 $0x0;
	[sflag:s0] =	ssyncadd.s32 @!p1 $0xFFFFE000  }
0x1d: {  	v2 =	vld [tilespmem:s28+$0x4000];
	_ =	sdelay $0x2  }
0x1e: {  	v3 =	vld [tilespmem:s28+$0x4010];
	_ =	sdelay $0x1  }
0x1f: {  	v2 =	vand.u32 $0x1, v2  }
0x20: {  	v4 =	vld [tilespmem:s28+$0x4020];
	vm0 =	veq.s32 v2, $0x0  }
0x21: {  	v2 =	vnsel vm0, $0x7FFFFFFF, v0  }
0x22: {  	v3 =	vand.u32 $0x1, v3;
	(xrf0) =	vmax.scan.msk.u32 $0xffff, v2  }
0x23: {  	vm5 =	veq.s32 v3, $0x0;
	v3 =	vld [tilespmem:s28+$0x4030]  }
0x24: {  	v2 =	vnsel vm5, $0x7FFFFFFF, v0  }
0x25: {  	(xrf0) =	vmax.scan.msk.u32 $0xffff, v2;
	v2 =	vand.u32 $0x1, v4  }
0x26: {  	vm6 =	veq.s32 v2, $0x0  }
0x27: {  	s26 =	simm.s32 $0x40;
	v4 =	vld [tilespmem:s28+$0x0];
	v5 =	vnsel vm6, $0x7FFFFFFF, v0  }
0x28: {  	v7 =	vld [tilespmem:s26+$0x4000];
	v3 =	vand.u32 $0x1, v3;
	v6, _, _ =	vpop (xrf0);
	(xrf0) =	vmax.scan.msk.u32 $0xffff, v5  }
0x29: {  	v2 =	vld [tilespmem:s26+$0x4010];
	vm7 =	veq.s32 v3, $0x0;
	v5 =	vxor.u32 $0x80000000, v6  }
0x2a: {  	v3 =	vld [tilespmem:s28+$0x10];
	v8 =	vnsel vm7, $0x7FFFFFFF, v0;
	vm1 =	vgt.s32 v5, $0x0  }
0x2b: {  	v9, _, _ =	vpop (xrf0);
	(xrf0) =	vmax.scan.msk.u32 $0xffff, v8;
	v8 =	vimm.f32 $0.0e+00;
	v5 =	vnsel vm1, $0x0, v5  }
0x2c: {  	v4 =	vperm.xlane v4, v5;
	v5 =	vxor.u32 $0x80000000, v9  }
0x2d: {  	v7 =	vand.u32 $0x1, v7;
	vm8 =	vlt.s32 v6, $0x0;
	vm9 =	vgt.s32 v5, $0x0  }
0x2e: {  	v10 =	vld [tilespmem:s26+$0x4020];
	v2 =	vand.u32 $0x1, v2;
	v4 =	vsel vm8, v4, v8;
	v5 =	vnsel vm9, $0x0, v5;
	v8, _, _ =	vpop (xrf0)  }
0x2f: {  	v6 =	vld [tilespmem:s28+$0x20];
	[tilespmem:s28+$0x5000] =	vst v4;
	v4 =	vperm.xlane v4, v1;
	v3 =	vperm.xlane v3, v5;
	v5 =	vxor.u32 $0x80000000, v8  }
0x30: {  	vm10 =	veq.s32 v7, $0x0;
	vm11 =	vlt.s32 v9, $0x0;
	vm2 =	veq.s32 v2, $0x0  }
0x31: {  	vm12 =	vgt.s32 v5, $0x0;
	v2 =	vsel vm11, v3, v4;
	v3 =	vnsel vm10, $0x7FFFFFFF, v0  }
0x32: {  	v11 =	vld [tilespmem:s28+$0x30];
	v9 =	vnsel vm12, $0x0, v5;
	v5, _, _ =	vpop (xrf0);
	(xrf0) =	vmax.scan.msk.u32 $0xffff, v3  }
0x33: {  	v7 =	vnsel vm2, $0x7FFFFFFF, v0;
	v4 =	vld [tilespmem:s26+$0x4030]  }
0x34: {  	[tilespmem:s28+$0x5010] =	vst v2;
	v12 =	vperm.xlane v2, v1;
	v6 =	vperm.xlane v6, v9;
	v9 =	vxor.u32 $0x80000000, v5  }
0x35: {  	s0 =	simm.s32 $0x80;
	v10 =	vand.u32 $0x1, v10;
	vm13 =	vlt.s32 v8, $0x0;
	v2 =	vld [tilespmem:s26+$0x0];
	(xrf0) =	vmax.scan.msk.u32 $0xffff, v7;
	vm14 =	vgt.s32 v9, $0x0  }
0x36: {  	s3 =	sshll.u32 s25, $0x1;
	s15 =	simm.s32 $0x300;
	vm15 =	veq.s32 v10, $0x0;
	v3 =	vld [tilespmem:s0+$0x4010];
	v7 =	vsel vm13, v6, v12;
	v8 =	vnsel vm14, $0x0, v9  }
0x37: {  	s14 =	simm.s32 $0x0;
	s24 =	sadd.s32 s6, s3;
	s3 =	simm.s32 $0x40;
	v6 =	vld [tilespmem:s0+$0x4000];
	v9 =	vnsel vm15, $0x7FFFFFFF, v0;
	[tilespmem:s28+$0x5020] =	vst v7;
	v7 =	vperm.xlane v7, v1;
	v8 =	vperm.xlane v11, v8  }
.LBB2_3:
0x38: {  	p0 =	sne.s32 s15, $0x1F00;
	v4 =	vand.u32 $0x1, v4;
	v10, _, _ =	vpop (xrf0);
	(xrf0) =	vmax.scan.msk.u32 $0xffff, v9;
	vm0 =	vlt.s32 v5, $0x0  }
0x39: {  	v5 =	vxor.u32 $0x80000000, v10;
	vm1 =	veq.s32 v4, $0x0;
	v4 =	vsel vm0, v8, v7  }
0x3a: {  	vm0 =	vgt.s32 v5, $0x0;
	v7 =	vld [tilespmem:s3+$0x10];
	v8 =	vnsel vm1, $0x7FFFFFFF, v0;
	[tilespmem:s14+$0x5030] =	vst v4;
	v4 =	vperm.xlane v4, v1;
	s14 =	smov.u32 s3;
	s3 =	smov.u32 s0  }
0x3b: {  	v3 =	vand.u32 $0x1, v3;
	v5 =	vnsel vm0, $0x0, v5;
	v9, _, _ =	vpop (xrf0);
	(xrf0) =	vmax.scan.msk.u32 $0xffff, v8  }
0x3c: {  	v6 =	vand.u32 $0x1, v6;
	v2 =	vperm.xlane v2, v5;
	v5 =	vxor.u32 $0x80000000, v9  }
0x3d: {  	vm1 =	vlt.s32 v10, $0x0;
	vm0 =	veq.s32 v6, $0x0;
	vm2 =	vgt.s32 v5, $0x0;
	v6 =	vld [tilespmem:s14+$0x20]  }
0x3e: {  	v8 =	vnsel vm0, $0x7FFFFFFF, v0;
	v10 =	vld [tilespmem:s3+$0x4020];
	v2 =	vsel vm1, v2, v4;
	v4 =	vnsel vm2, $0x0, v5;
	v11, _, _ =	vpop (xrf0)  }
0x3f: {  	[tilespmem:s14+$0x5000] =	vst v2;
	v2 =	vperm.xlane v2, v1;
	v12 =	vperm.xlane v7, v4;
	v7 =	vxor.u32 $0x80000000, v11  }
0x40: {  	vm0 =	veq.s32 v3, $0x0;
	vm1 =	vlt.s32 v9, $0x0;
	(xrf0) =	vmax.scan.msk.u32 $0xffff, v8;
	vm2 =	vgt.s32 v7, $0x0;
	v8 =	vld [tilespmem:s14+$0x30]  }
.Ltmp0:
0x41: {  	v3 =	vnsel vm0, $0x7FFFFFFF, v0;
	v4 =	vld [tilespmem:s3+$0x4030];
	v2 =	vsel vm1, v12, v2;
	v7 =	vnsel vm2, $0x0, v7;
	v5, _, _ =	vpop (xrf0);
	(pc) =	sbr.rel @p0 .LBB2_3-.Ltmp0, $4  }
0x42: {  	[tilespmem:s14+$0x5010] =	vst v2;
	v9 =	vperm.xlane v2, v1;
	v6 =	vperm.xlane v6, v7;
	v7 =	vxor.u32 $0x80000000, v5  }
0x43: {  	s0 =	sshra.s32 s15, $0x2;
	vm0 =	vlt.s32 v11, $0x0;
	v2 =	vld [tilespmem:s3+$0x0];
	v10 =	vand.u32 $0x1, v10;
	(xrf0) =	vmax.scan.msk.u32 $0xffff, v3;
	vm1 =	vgt.s32 v7, $0x0  }
0x44: {  	v3 =	vld [tilespmem:s0+$0x4010];
	vm2 =	veq.s32 v10, $0x0;
	v10 =	vsel vm0, v6, v9;
	v11 =	vnsel vm1, $0x0, v7  }
0x45: {  	s15 =	sadd.s32 $0x100, s15;
	v6 =	vld [tilespmem:s0+$0x4000];
	v9 =	vnsel vm2, $0x7FFFFFFF, v0;
	[tilespmem:s14+$0x5020] =	vst v10;
	v7 =	vperm.xlane v10, v1;
	v8 =	vperm.xlane v8, v11  }
0x46: {  	v10, _, _ =	vpop (xrf0)  }
0x47: {  	(xrf0) =	vmax.scan.msk.u32 $0xffff, v9;
	v9 =	vxor.u32 $0x80000000, v10  }
0x48: {  	v4 =	vand.u32 $0x1, v4;
	vm0 =	vlt.s32 v5, $0x0  }
0x49: {  	v5 =	vld [tilespmem:s3+$0x10];
	vm2 =	veq.s32 v4, $0x0;
	v4 =	vsel vm0, v8, v7;
	vm1 =	vgt.s32 v9, $0x0  }
0x4a: {  	vm7 =	vlt.s32 v10, $0x0;
	v8 =	vnsel vm2, $0x7FFFFFFF, v0;
	[tilespmem:s14+$0x5030] =	vst v4;
	v7 =	vnsel vm1, $0x0, v9;
	v9, _, _ =	vpop (xrf0)  }
0x4b: {  	v4 =	vperm.xlane v4, v1;
	v2 =	vperm.xlane v2, v7;
	(xrf0) =	vmax.scan.msk.u32 $0xffff, v8;
	v7 =	vxor.u32 $0x80000000, v9  }
0x4c: {  	v3 =	vand.u32 $0x1, v3;
	v6 =	vand.u32 $0x1, v6;
	v8 =	vld [tilespmem:s3+$0x20];
	vm9 =	vgt.s32 v7, $0x0  }
0x4d: {  	vm8 =	veq.s32 v6, $0x0;
	v6 =	vld [tilespmem:s0+$0x4020];
	v2 =	vsel vm7, v2, v4;
	v10, _, _ =	vpop (xrf0);
	v7 =	vnsel vm9, $0x0, v7  }
0x4e: {  	v4 =	vnsel vm8, $0x7FFFFFFF, v0;
	v5 =	vperm.xlane v5, v7;
	v7 =	vxor.u32 $0x80000000, v10  }
0x4f: {  	vm10 =	veq.s32 v3, $0x0;
	[tilespmem:s3+$0x5000] =	vst v2;
	v2 =	vperm.xlane v2, v1;
	(xrf0) =	vmax.scan.msk.u32 $0xffff, v4  }
0x50: {  	vm11 =	vlt.s32 v9, $0x0;
	v9 =	vnsel vm10, $0x7FFFFFFF, v0;
	v3 =	vld [tilespmem:s0+$0x4030];
	vm12 =	vgt.s32 v7, $0x0  }
0x51: {  	v4 =	vld [tilespmem:s3+$0x30];
	v2 =	vsel vm11, v5, v2;
	v5 =	vnsel vm12, $0x0, v7;
	v7, _, _ =	vpop (xrf0);
	(xrf0) =	vmax.scan.msk.u32 $0xffff, v9  }
0x52: {  	v6 =	vand.u32 $0x1, v6;
	v11 =	vperm.xlane v2, v1;
	v5 =	vperm.xlane v8, v5  }
0x53: {  	vm13 =	vlt.s32 v10, $0x0;
	[tilespmem:s3+$0x5010] =	vst v2;
	vm14 =	veq.s32 v6, $0x0;
	v2 =	vxor.u32 $0x80000000, v7  }
0x54: {  	v6 =	vld [tilespmem:s0+$0x0];
	v8 =	vnsel vm14, $0x7FFFFFFF, v0;
	vm15 =	vgt.s32 v2, $0x0;
	v5 =	vsel vm13, v5, v11  }
0x55: {  	v3 =	vand.u32 $0x1, v3;
	v10, _, _ =	vpop (xrf0);
	(xrf0) =	vmax.scan.msk.u32 $0xffff, v8;
	v2 =	vnsel vm15, $0x0, v2;
	v9 =	vperm.xlane v5, v1  }
0x56: {  	[tilespmem:s3+$0x5020] =	vst v5;
	vm4 =	veq.s32 v3, $0x0;
	v2 =	vperm.xlane v4, v2;
	v4 =	vxor.u32 $0x80000000, v10  }
0x57: {  	vm5 =	vlt.s32 v7, $0x0;
	v3 =	vld [tilespmem:s0+$0x10];
	v5 =	vnsel vm4, $0x7FFFFFFF, v0;
	vm6 =	vgt.s32 v4, $0x0;
	v7, _, _ =	vpop (xrf0)  }
0x58: {  	v2 =	vsel vm5, v2, v9;
	v4 =	vnsel vm6, $0x0, v4;
	(xrf0) =	vmax.scan.msk.u32 $0xffff, v5;
	v5 =	vxor.u32 $0x80000000, v7  }
0x59: {  	[tilespmem:s3+$0x5030] =	vst v2;
	v2 =	vperm.xlane v2, v1;
	v4 =	vperm.xlane v6, v4  }
0x5a: {  	vm7 =	vlt.s32 v10, $0x0;
	vm8 =	vgt.s32 v5, $0x0  }
0x5b: {  	v6 =	vld [tilespmem:s0+$0x20];
	v2 =	vsel vm7, v4, v2;
	v4 =	vnsel vm8, $0x0, v5;
	v5, _, _ =	vpop (xrf0)  }
0x5c: {  	v3 =	vperm.xlane v3, v4;
	v4 =	vxor.u32 $0x80000000, v5  }
0x5d: {  	[tilespmem:s0+$0x5000] =	vst v2;
	v2 =	vperm.xlane v2, v1  }
0x5e: {  	vm9 =	vlt.s32 v7, $0x0;
	v7 =	vld [tilespmem:s0+$0x30];
	vm10 =	vgt.s32 v4, $0x0  }
0x5f: {  	v2 =	vsel vm9, v3, v2;
	v3 =	vnsel vm10, $0x0, v4;
	v4, _, _ =	vpop (xrf0)  }
0x60: {  	v8 =	vperm.xlane v2, v1;
	v3 =	vperm.xlane v6, v3;
	v6 =	vxor.u32 $0x80000000, v4  }
0x61: {  	vm11 =	vlt.s32 v5, $0x0;
	vm12 =	vgt.s32 v6, $0x0  }
0x62: {  	v3 =	vsel vm11, v3, v8;
	v5 =	vnsel vm12, $0x0, v6  }
0x63: {  	v6 =	vperm.xlane v3, v1;
	v5 =	vperm.xlane v7, v5  }
0x64: {  	[tilespmem:s0+$0x5010] =	vst v2;
	vm13 =	vlt.s32 v4, $0x0  }
0x65: {  	[tilespmem:s0+$0x5020] =	vst v3;
	v2 =	vsel vm13, v5, v6  }
0x66: {  	[tilespmem:s0+$0x5030] =	vst v2  }
0x67: {  	v3 =	vld [tilespmem:s28+$0x4000];
	_ =	sdelay $0x2  }
0x68: {  	v4 =	vld [tilespmem:s28+$0x4010];
	_ =	sdelay $0x1  }
0x69: {  	v3 =	vand.u32 $0x100, v3  }
0x6a: {  	v5 =	vld [tilespmem:s28+$0x4020];
	vm14 =	veq.s32 v3, $0x0  }
0x6b: {  	v3 =	vnsel vm14, $0x7FFFFFFF, v0  }
0x6c: {  	v4 =	vand.u32 $0x100, v4;
	(xrf0) =	vmax.scan.msk.u32 $0xffff, v3  }
0x6d: {  	vm15 =	veq.s32 v4, $0x0  }
0x6e: {  	v4 =	vld [tilespmem:s28+$0x4030];
	v3 =	vnsel vm15, $0x7FFFFFFF, v0  }
0x6f: {  	(xrf0) =	vmax.scan.msk.u32 $0xffff, v3;
	v3 =	vand.u32 $0x100, v5  }
0x70: {  	vm4 =	veq.s32 v3, $0x0  }
0x71: {  	v5 =	vld [tilespmem:s28+$0x800];
	v6 =	vnsel vm4, $0x7FFFFFFF, v0  }
0x72: {  	v8 =	vld [tilespmem:s26+$0x4000];
	v7, _, _ =	vpop (xrf0);
	(xrf0) =	vmax.scan.msk.u32 $0xffff, v6  }
0x73: {  	v3 =	vld [tilespmem:s26+$0x4010];
	v4 =	vand.u32 $0x100, v4;
	v6 =	vxor.u32 $0x80000000, v7  }
0x74: {  	vm5 =	veq.s32 v4, $0x0;
	v4 =	vld [tilespmem:s28+$0x810];
	vm6 =	vgt.s32 v6, $0x0  }
0x75: {  	v9 =	vnsel vm5, $0x7FFFFFFF, v0;
	v10, _, _ =	vpop (xrf0);
	v6 =	vnsel vm6, $0x0, v6  }
0x76: {  	v2 =	vperm.xlane v2, v1;
	(xrf0) =	vmax.scan.msk.u32 $0xffff, v9;
	v5 =	vperm.xlane v5, v6;
	v6 =	vxor.u32 $0x80000000, v10  }
0x77: {  	vm7 =	vlt.s32 v7, $0x0;
	vm8 =	vgt.s32 v6, $0x0  }
0x78: {  	v2 =	vsel vm7, v5, v2;
	v5 =	vnsel vm8, $0x0, v6;
	v6 =	vand.u32 $0x100, v8;
	v8, _, _ =	vpop (xrf0)  }
0x79: {  	v7 =	vld [tilespmem:s28+$0x820];
	v3 =	vand.u32 $0x100, v3;
	v4 =	vperm.xlane v4, v5;
	v5 =	vxor.u32 $0x80000000, v8  }
0x7a: {  	v9 =	vld [tilespmem:s26+$0x4020];
	vm11 =	veq.s32 v3, $0x0;
	vm9 =	veq.s32 v6, $0x0  }
0x7b: {  	[tilespmem:s28+$0x5800] =	vst v2;
	v2 =	vperm.xlane v2, v1;
	vm12 =	vgt.s32 v5, $0x0;
	v3 =	vnsel vm9, $0x7FFFFFFF, v0  }
0x7c: {  	vm10 =	vlt.s32 v10, $0x0;
	v10 =	vld [tilespmem:s28+$0x830];
	v11 =	vnsel vm12, $0x0, v5;
	v5, _, _ =	vpop (xrf0);
	(xrf0) =	vmax.scan.msk.u32 $0xffff, v3  }
0x7d: {  	v6 =	vnsel vm11, $0x7FFFFFFF, v0;
	v2 =	vsel vm10, v4, v2;
	v4 =	vld [tilespmem:s26+$0x4030]  }
0x7e: {  	[tilespmem:s28+$0x5810] =	vst v2;
	v12 =	vperm.xlane v2, v1;
	v7 =	vperm.xlane v7, v11;
	v11 =	vxor.u32 $0x80000000, v5  }
0x7f: {  	s0 =	simm.s32 $0x80;
	v9 =	vand.u32 $0x100, v9;
	vm13 =	vlt.s32 v8, $0x0;
	v2 =	vld [tilespmem:s26+$0x800];
	(xrf0) =	vmax.scan.msk.u32 $0xffff, v6;
	vm14 =	vgt.s32 v11, $0x0  }
0x80: {  	vm15 =	veq.s32 v9, $0x0;
	v3 =	vld [tilespmem:s0+$0x4010];
	v7 =	vsel vm13, v7, v12;
	v8 =	vnsel vm14, $0x0, v11  }
0x81: {  	s3 =	simm.s32 $0x300;
	v9 =	vnsel vm15, $0x7FFFFFFF, v0;
	v6 =	vld [tilespmem:s0+$0x4000];
	[tilespmem:s28+$0x5820] =	vst v7;
	v7 =	vperm.xlane v7, v1;
	v8 =	vperm.xlane v10, v8  }
.LBB2_5:
0x82: {  	p0 =	sne.s32 s3, $0x1F00;
	v4 =	vand.u32 $0x100, v4;
	v10, _, _ =	vpop (xrf0);
	(xrf0) =	vmax.scan.msk.u32 $0xffff, v9;
	vm0 =	vlt.s32 v5, $0x0  }
0x83: {  	v5 =	vxor.u32 $0x80000000, v10;
	vm1 =	veq.s32 v4, $0x0;
	v4 =	vsel vm0, v8, v7  }
0x84: {  	vm0 =	vgt.s32 v5, $0x0;
	v7 =	vld [tilespmem:s26+$0x810];
	v8 =	vnsel vm1, $0x7FFFFFFF, v0;
	[tilespmem:s28+$0x5830] =	vst v4;
	v4 =	vperm.xlane v4, v1;
	s28 =	smov.u32 s26;
	s26 =	smov.u32 s0  }
0x85: {  	v3 =	vand.u32 $0x100, v3;
	v5 =	vnsel vm0, $0x0, v5;
	v9, _, _ =	vpop (xrf0);
	(xrf0) =	vmax.scan.msk.u32 $0xffff, v8  }
0x86: {  	v6 =	vand.u32 $0x100, v6;
	v2 =	vperm.xlane v2, v5;
	v5 =	vxor.u32 $0x80000000, v9  }
0x87: {  	vm1 =	vlt.s32 v10, $0x0;
	vm0 =	veq.s32 v6, $0x0;
	vm2 =	vgt.s32 v5, $0x0;
	v6 =	vld [tilespmem:s28+$0x820]  }
0x88: {  	v8 =	vnsel vm0, $0x7FFFFFFF, v0;
	v10 =	vld [tilespmem:s26+$0x4020];
	v2 =	vsel vm1, v2, v4;
	v4 =	vnsel vm2, $0x0, v5;
	v11, _, _ =	vpop (xrf0)  }
0x89: {  	[tilespmem:s28+$0x5800] =	vst v2;
	v2 =	vperm.xlane v2, v1;
	v12 =	vperm.xlane v7, v4;
	v7 =	vxor.u32 $0x80000000, v11  }
0x8a: {  	vm0 =	veq.s32 v3, $0x0;
	vm1 =	vlt.s32 v9, $0x0;
	(xrf0) =	vmax.scan.msk.u32 $0xffff, v8;
	vm2 =	vgt.s32 v7, $0x0;
	v8 =	vld [tilespmem:s28+$0x830]  }
.Ltmp1:
0x8b: {  	v3 =	vnsel vm0, $0x7FFFFFFF, v0;
	v4 =	vld [tilespmem:s26+$0x4030];
	v2 =	vsel vm1, v12, v2;
	v7 =	vnsel vm2, $0x0, v7;
	v5, _, _ =	vpop (xrf0);
	(pc) =	sbr.rel @p0 .LBB2_5-.Ltmp1, $4  }
0x8c: {  	[tilespmem:s28+$0x5810] =	vst v2;
	v9 =	vperm.xlane v2, v1;
	v6 =	vperm.xlane v6, v7;
	v7 =	vxor.u32 $0x80000000, v5  }
0x8d: {  	s0 =	sshra.s32 s3, $0x2;
	vm0 =	vlt.s32 v11, $0x0;
	v2 =	vld [tilespmem:s26+$0x800];
	v10 =	vand.u32 $0x100, v10;
	(xrf0) =	vmax.scan.msk.u32 $0xffff, v3;
	vm1 =	vgt.s32 v7, $0x0  }
0x8e: {  	v3 =	vld [tilespmem:s0+$0x4010];
	vm2 =	veq.s32 v10, $0x0;
	v10 =	vsel vm0, v6, v9;
	v11 =	vnsel vm1, $0x0, v7  }
0x8f: {  	s3 =	sadd.s32 $0x100, s3;
	v6 =	vld [tilespmem:s0+$0x4000];
	v9 =	vnsel vm2, $0x7FFFFFFF, v0;
	[tilespmem:s28+$0x5820] =	vst v10;
	v7 =	vperm.xlane v10, v1;
	v8 =	vperm.xlane v8, v11  }
0x90: {  	v10, _, _ =	vpop (xrf0)  }
0x91: {  	(xrf0) =	vmax.scan.msk.u32 $0xffff, v9;
	v9 =	vxor.u32 $0x80000000, v10  }
0x92: {  	v4 =	vand.u32 $0x100, v4;
	vm0 =	vlt.s32 v5, $0x0  }
0x93: {  	v5 =	vld [tilespmem:s26+$0x810];
	vm2 =	veq.s32 v4, $0x0;
	v4 =	vsel vm0, v8, v7;
	vm1 =	vgt.s32 v9, $0x0  }
0x94: {  	vm7 =	vlt.s32 v10, $0x0;
	v8 =	vnsel vm2, $0x7FFFFFFF, v0;
	[tilespmem:s28+$0x5830] =	vst v4;
	v7 =	vnsel vm1, $0x0, v9;
	v9, _, _ =	vpop (xrf0)  }
0x95: {  	v4 =	vperm.xlane v4, v1;
	v2 =	vperm.xlane v2, v7;
	(xrf0) =	vmax.scan.msk.u32 $0xffff, v8;
	v7 =	vxor.u32 $0x80000000, v9  }
0x96: {  	v3 =	vand.u32 $0x100, v3;
	v6 =	vand.u32 $0x100, v6;
	v8 =	vld [tilespmem:s26+$0x820];
	vm9 =	vgt.s32 v7, $0x0  }
0x97: {  	vm8 =	veq.s32 v6, $0x0;
	v6 =	vld [tilespmem:s0+$0x4020];
	v2 =	vsel vm7, v2, v4;
	v10, _, _ =	vpop (xrf0);
	v7 =	vnsel vm9, $0x0, v7  }
0x98: {  	v4 =	vnsel vm8, $0x7FFFFFFF, v0;
	v5 =	vperm.xlane v5, v7;
	v7 =	vxor.u32 $0x80000000, v10  }
0x99: {  	vm10 =	veq.s32 v3, $0x0;
	[tilespmem:s26+$0x5800] =	vst v2;
	v2 =	vperm.xlane v2, v1;
	(xrf0) =	vmax.scan.msk.u32 $0xffff, v4  }
0x9a: {  	vm11 =	vlt.s32 v9, $0x0;
	v9 =	vnsel vm10, $0x7FFFFFFF, v0;
	v3 =	vld [tilespmem:s0+$0x4030];
	vm12 =	vgt.s32 v7, $0x0  }
0x9b: {  	v4 =	vld [tilespmem:s26+$0x830];
	v2 =	vsel vm11, v5, v2;
	v5 =	vnsel vm12, $0x0, v7;
	v7, _, _ =	vpop (xrf0);
	(xrf0) =	vmax.scan.msk.u32 $0xffff, v9  }
0x9c: {  	v6 =	vand.u32 $0x100, v6;
	v11 =	vperm.xlane v2, v1;
	v5 =	vperm.xlane v8, v5  }
0x9d: {  	vm13 =	vlt.s32 v10, $0x0;
	[tilespmem:s26+$0x5810] =	vst v2;
	vm14 =	veq.s32 v6, $0x0;
	v2 =	vxor.u32 $0x80000000, v7  }
0x9e: {  	v6 =	vld [tilespmem:s0+$0x800];
	v8 =	vnsel vm14, $0x7FFFFFFF, v0;
	vm15 =	vgt.s32 v2, $0x0;
	v5 =	vsel vm13, v5, v11  }
0x9f: {  	v3 =	vand.u32 $0x100, v3;
	v10, _, _ =	vpop (xrf0);
	(xrf0) =	vmax.scan.msk.u32 $0xffff, v8;
	v2 =	vnsel vm15, $0x0, v2;
	v9 =	vperm.xlane v5, v1  }
0xa0: {  	[tilespmem:s26+$0x5820] =	vst v5;
	vm4 =	veq.s32 v3, $0x0;
	v2 =	vperm.xlane v4, v2;
	v4 =	vxor.u32 $0x80000000, v10  }
0xa1: {  	vm5 =	vlt.s32 v7, $0x0;
	v3 =	vld [tilespmem:s0+$0x810];
	v5 =	vnsel vm4, $0x7FFFFFFF, v0;
	vm6 =	vgt.s32 v4, $0x0;
	v7, _, _ =	vpop (xrf0)  }
0xa2: {  	v2 =	vsel vm5, v2, v9;
	v4 =	vnsel vm6, $0x0, v4;
	(xrf0) =	vmax.scan.msk.u32 $0xffff, v5;
	v5 =	vxor.u32 $0x80000000, v7  }
0xa3: {  	[tilespmem:s26+$0x5830] =	vst v2;
	v2 =	vperm.xlane v2, v1;
	v4 =	vperm.xlane v6, v4  }
0xa4: {  	vm7 =	vlt.s32 v10, $0x0;
	vm8 =	vgt.s32 v5, $0x0  }
0xa5: {  	v6 =	vld [tilespmem:s0+$0x820];
	v2 =	vsel vm7, v4, v2;
	v4 =	vnsel vm8, $0x0, v5;
	v5, _, _ =	vpop (xrf0)  }
0xa6: {  	v3 =	vperm.xlane v3, v4;
	v4 =	vxor.u32 $0x80000000, v5  }
0xa7: {  	[tilespmem:s0+$0x5800] =	vst v2;
	v2 =	vperm.xlane v2, v1  }
0xa8: {  	vm9 =	vlt.s32 v7, $0x0;
	v7 =	vld [tilespmem:s0+$0x830];
	vm10 =	vgt.s32 v4, $0x0  }
0xa9: {  	v2 =	vsel vm9, v3, v2;
	v3 =	vnsel vm10, $0x0, v4;
	v4, _, _ =	vpop (xrf0)  }
0xaa: {  	v8 =	vperm.xlane v2, v1;
	v3 =	vperm.xlane v6, v3;
	v6 =	vxor.u32 $0x80000000, v4  }
0xab: {  	vm11 =	vlt.s32 v5, $0x0;
	vm12 =	vgt.s32 v6, $0x0  }
0xac: {  	v3 =	vsel vm11, v3, v8;
	v5 =	vnsel vm12, $0x0, v6  }
0xad: {  	v6 =	vperm.xlane v3, v1;
	v5 =	vperm.xlane v7, v5  }
0xae: {  	[tilespmem:s0+$0x5810] =	vst v2;
	vm13 =	vlt.s32 v4, $0x0  }
0xaf: {  	[tilespmem:s0+$0x5820] =	vst v3;
	v2 =	vsel vm13, v5, v6  }
0xb0: {  	s28 =	simm.s32 $0x0;
	[tilespmem:s0+$0x5830] =	vst v2  }
0xb1: {  	v3 =	vld [tilespmem:s28+$0x4000];
	_ =	sdelay $0x2  }
0xb2: {  	v4 =	vld [tilespmem:s28+$0x4010];
	_ =	sdelay $0x1  }
0xb3: {  	v3 =	vand.u32 $0x10000, v3  }
0xb4: {  	v5 =	vld [tilespmem:s28+$0x4020];
	vm14 =	veq.s32 v3, $0x0  }
0xb5: {  	v3 =	vnsel vm14, $0x7FFFFFFF, v0  }
0xb6: {  	v4 =	vand.u32 $0x10000, v4;
	(xrf0) =	vmax.scan.msk.u32 $0xffff, v3  }
0xb7: {  	vm15 =	veq.s32 v4, $0x0  }
0xb8: {  	v4 =	vld [tilespmem:s28+$0x4030];
	v3 =	vnsel vm15, $0x7FFFFFFF, v0  }
0xb9: {  	(xrf0) =	vmax.scan.msk.u32 $0xffff, v3;
	v3 =	vand.u32 $0x10000, v5  }
0xba: {  	vm4 =	veq.s32 v3, $0x0  }
0xbb: {  	s26 =	simm.s32 $0x40;
	v5 =	vld [tilespmem:s28+$0x1000];
	v6 =	vnsel vm4, $0x7FFFFFFF, v0  }
0xbc: {  	v8 =	vld [tilespmem:s26+$0x4000];
	v7, _, _ =	vpop (xrf0);
	(xrf0) =	vmax.scan.msk.u32 $0xffff, v6  }
0xbd: {  	v3 =	vld [tilespmem:s26+$0x4010];
	v4 =	vand.u32 $0x10000, v4;
	v6 =	vxor.u32 $0x80000000, v7  }
0xbe: {  	vm5 =	veq.s32 v4, $0x0;
	v4 =	vld [tilespmem:s28+$0x1010];
	vm6 =	vgt.s32 v6, $0x0  }
0xbf: {  	v9 =	vnsel vm5, $0x7FFFFFFF, v0;
	v10, _, _ =	vpop (xrf0);
	v6 =	vnsel vm6, $0x0, v6  }
0xc0: {  	v2 =	vperm.xlane v2, v1;
	(xrf0) =	vmax.scan.msk.u32 $0xffff, v9;
	v5 =	vperm.xlane v5, v6;
	v6 =	vxor.u32 $0x80000000, v10  }
0xc1: {  	vm7 =	vlt.s32 v7, $0x0;
	vm8 =	vgt.s32 v6, $0x0  }
0xc2: {  	v2 =	vsel vm7, v5, v2;
	v5 =	vnsel vm8, $0x0, v6;
	v6 =	vand.u32 $0x10000, v8;
	v8, _, _ =	vpop (xrf0)  }
0xc3: {  	v7 =	vld [tilespmem:s28+$0x1020];
	v3 =	vand.u32 $0x10000, v3;
	v4 =	vperm.xlane v4, v5;
	v5 =	vxor.u32 $0x80000000, v8  }
0xc4: {  	v9 =	vld [tilespmem:s26+$0x4020];
	vm11 =	veq.s32 v3, $0x0;
	vm9 =	veq.s32 v6, $0x0  }
0xc5: {  	[tilespmem:s28+$0x6000] =	vst v2;
	v2 =	vperm.xlane v2, v1;
	vm12 =	vgt.s32 v5, $0x0;
	v3 =	vnsel vm9, $0x7FFFFFFF, v0  }
0xc6: {  	vm10 =	vlt.s32 v10, $0x0;
	v10 =	vld [tilespmem:s28+$0x1030];
	v11 =	vnsel vm12, $0x0, v5;
	v5, _, _ =	vpop (xrf0);
	(xrf0) =	vmax.scan.msk.u32 $0xffff, v3  }
0xc7: {  	v6 =	vnsel vm11, $0x7FFFFFFF, v0;
	v2 =	vsel vm10, v4, v2;
	v4 =	vld [tilespmem:s26+$0x4030]  }
0xc8: {  	[tilespmem:s28+$0x6010] =	vst v2;
	v12 =	vperm.xlane v2, v1;
	v7 =	vperm.xlane v7, v11;
	v11 =	vxor.u32 $0x80000000, v5  }
0xc9: {  	s0 =	simm.s32 $0x80;
	v9 =	vand.u32 $0x10000, v9;
	vm13 =	vlt.s32 v8, $0x0;
	v2 =	vld [tilespmem:s26+$0x1000];
	(xrf0) =	vmax.scan.msk.u32 $0xffff, v6;
	vm14 =	vgt.s32 v11, $0x0  }
0xca: {  	vm15 =	veq.s32 v9, $0x0;
	v3 =	vld [tilespmem:s0+$0x4010];
	v7 =	vsel vm13, v7, v12;
	v8 =	vnsel vm14, $0x0, v11  }
0xcb: {  	s15 =	simm.s32 $0x300;
	s3 =	simm.s32 $0x40;
	s14 =	simm.s32 $0x0;
	v9 =	vnsel vm15, $0x7FFFFFFF, v0;
	v6 =	vld [tilespmem:s0+$0x4000];
	[tilespmem:s28+$0x6020] =	vst v7;
	v7 =	vperm.xlane v7, v1;
	v8 =	vperm.xlane v10, v8  }
.LBB2_7:
0xcc: {  	p0 =	sne.s32 s15, $0x1F00;
	v4 =	vand.u32 $0x10000, v4;
	v10, _, _ =	vpop (xrf0);
	(xrf0) =	vmax.scan.msk.u32 $0xffff, v9;
	vm0 =	vlt.s32 v5, $0x0  }
0xcd: {  	v5 =	vxor.u32 $0x80000000, v10;
	vm1 =	veq.s32 v4, $0x0;
	v4 =	vsel vm0, v8, v7  }
0xce: {  	vm0 =	vgt.s32 v5, $0x0;
	v7 =	vld [tilespmem:s3+$0x1010];
	v8 =	vnsel vm1, $0x7FFFFFFF, v0;
	[tilespmem:s14+$0x6030] =	vst v4;
	v4 =	vperm.xlane v4, v1;
	s14 =	smov.u32 s3;
	s3 =	smov.u32 s0  }
0xcf: {  	v3 =	vand.u32 $0x10000, v3;
	v5 =	vnsel vm0, $0x0, v5;
	v9, _, _ =	vpop (xrf0);
	(xrf0) =	vmax.scan.msk.u32 $0xffff, v8  }
0xd0: {  	v6 =	vand.u32 $0x10000, v6;
	v2 =	vperm.xlane v2, v5;
	v5 =	vxor.u32 $0x80000000, v9  }
0xd1: {  	vm1 =	vlt.s32 v10, $0x0;
	vm0 =	veq.s32 v6, $0x0;
	vm2 =	vgt.s32 v5, $0x0;
	v6 =	vld [tilespmem:s14+$0x1020]  }
0xd2: {  	v8 =	vnsel vm0, $0x7FFFFFFF, v0;
	v10 =	vld [tilespmem:s3+$0x4020];
	v2 =	vsel vm1, v2, v4;
	v4 =	vnsel vm2, $0x0, v5;
	v11, _, _ =	vpop (xrf0)  }
0xd3: {  	[tilespmem:s14+$0x6000] =	vst v2;
	v2 =	vperm.xlane v2, v1;
	v12 =	vperm.xlane v7, v4;
	v7 =	vxor.u32 $0x80000000, v11  }
0xd4: {  	vm0 =	veq.s32 v3, $0x0;
	vm1 =	vlt.s32 v9, $0x0;
	(xrf0) =	vmax.scan.msk.u32 $0xffff, v8;
	vm2 =	vgt.s32 v7, $0x0;
	v8 =	vld [tilespmem:s14+$0x1030]  }
.Ltmp2:
0xd5: {  	v3 =	vnsel vm0, $0x7FFFFFFF, v0;
	v4 =	vld [tilespmem:s3+$0x4030];
	v2 =	vsel vm1, v12, v2;
	v7 =	vnsel vm2, $0x0, v7;
	v5, _, _ =	vpop (xrf0);
	(pc) =	sbr.rel @p0 .LBB2_7-.Ltmp2, $4  }
0xd6: {  	[tilespmem:s14+$0x6010] =	vst v2;
	v9 =	vperm.xlane v2, v1;
	v6 =	vperm.xlane v6, v7;
	v7 =	vxor.u32 $0x80000000, v5  }
0xd7: {  	s0 =	sshra.s32 s15, $0x2;
	vm0 =	vlt.s32 v11, $0x0;
	v2 =	vld [tilespmem:s3+$0x1000];
	v10 =	vand.u32 $0x10000, v10;
	(xrf0) =	vmax.scan.msk.u32 $0xffff, v3;
	vm1 =	vgt.s32 v7, $0x0  }
0xd8: {  	v3 =	vld [tilespmem:s0+$0x4010];
	vm2 =	veq.s32 v10, $0x0;
	v10 =	vsel vm0, v6, v9;
	v11 =	vnsel vm1, $0x0, v7  }
0xd9: {  	s15 =	sadd.s32 $0x100, s15;
	v6 =	vld [tilespmem:s0+$0x4000];
	v9 =	vnsel vm2, $0x7FFFFFFF, v0;
	[tilespmem:s14+$0x6020] =	vst v10;
	v7 =	vperm.xlane v10, v1;
	v8 =	vperm.xlane v8, v11  }
0xda: {  	v10, _, _ =	vpop (xrf0)  }
0xdb: {  	(xrf0) =	vmax.scan.msk.u32 $0xffff, v9;
	v9 =	vxor.u32 $0x80000000, v10  }
0xdc: {  	v4 =	vand.u32 $0x10000, v4;
	vm0 =	vlt.s32 v5, $0x0  }
0xdd: {  	v5 =	vld [tilespmem:s3+$0x1010];
	vm2 =	veq.s32 v4, $0x0;
	v4 =	vsel vm0, v8, v7;
	vm1 =	vgt.s32 v9, $0x0  }
0xde: {  	vm7 =	vlt.s32 v10, $0x0;
	v8 =	vnsel vm2, $0x7FFFFFFF, v0;
	[tilespmem:s14+$0x6030] =	vst v4;
	v7 =	vnsel vm1, $0x0, v9;
	v9, _, _ =	vpop (xrf0)  }
0xdf: {  	v4 =	vperm.xlane v4, v1;
	v2 =	vperm.xlane v2, v7;
	(xrf0) =	vmax.scan.msk.u32 $0xffff, v8;
	v7 =	vxor.u32 $0x80000000, v9  }
0xe0: {  	v3 =	vand.u32 $0x10000, v3;
	v6 =	vand.u32 $0x10000, v6;
	v8 =	vld [tilespmem:s3+$0x1020];
	vm9 =	vgt.s32 v7, $0x0  }
0xe1: {  	vm8 =	veq.s32 v6, $0x0;
	v6 =	vld [tilespmem:s0+$0x4020];
	v2 =	vsel vm7, v2, v4;
	v10, _, _ =	vpop (xrf0);
	v7 =	vnsel vm9, $0x0, v7  }
0xe2: {  	v4 =	vnsel vm8, $0x7FFFFFFF, v0;
	v5 =	vperm.xlane v5, v7;
	v7 =	vxor.u32 $0x80000000, v10  }
0xe3: {  	vm10 =	veq.s32 v3, $0x0;
	[tilespmem:s3+$0x6000] =	vst v2;
	v2 =	vperm.xlane v2, v1;
	(xrf0) =	vmax.scan.msk.u32 $0xffff, v4  }
0xe4: {  	vm11 =	vlt.s32 v9, $0x0;
	v9 =	vnsel vm10, $0x7FFFFFFF, v0;
	v3 =	vld [tilespmem:s0+$0x4030];
	vm12 =	vgt.s32 v7, $0x0  }
0xe5: {  	v4 =	vld [tilespmem:s3+$0x1030];
	v2 =	vsel vm11, v5, v2;
	v5 =	vnsel vm12, $0x0, v7;
	v7, _, _ =	vpop (xrf0);
	(xrf0) =	vmax.scan.msk.u32 $0xffff, v9  }
0xe6: {  	v6 =	vand.u32 $0x10000, v6;
	v11 =	vperm.xlane v2, v1;
	v5 =	vperm.xlane v8, v5  }
0xe7: {  	vm13 =	vlt.s32 v10, $0x0;
	[tilespmem:s3+$0x6010] =	vst v2;
	vm14 =	veq.s32 v6, $0x0;
	v2 =	vxor.u32 $0x80000000, v7  }
0xe8: {  	v6 =	vld [tilespmem:s0+$0x1000];
	v8 =	vnsel vm14, $0x7FFFFFFF, v0;
	vm15 =	vgt.s32 v2, $0x0;
	v5 =	vsel vm13, v5, v11  }
0xe9: {  	v3 =	vand.u32 $0x10000, v3;
	v10, _, _ =	vpop (xrf0);
	(xrf0) =	vmax.scan.msk.u32 $0xffff, v8;
	v2 =	vnsel vm15, $0x0, v2;
	v9 =	vperm.xlane v5, v1  }
0xea: {  	[tilespmem:s3+$0x6020] =	vst v5;
	vm4 =	veq.s32 v3, $0x0;
	v2 =	vperm.xlane v4, v2;
	v4 =	vxor.u32 $0x80000000, v10  }
0xeb: {  	vm5 =	vlt.s32 v7, $0x0;
	v3 =	vld [tilespmem:s0+$0x1010];
	v5 =	vnsel vm4, $0x7FFFFFFF, v0;
	vm6 =	vgt.s32 v4, $0x0;
	v7, _, _ =	vpop (xrf0)  }
0xec: {  	v2 =	vsel vm5, v2, v9;
	v4 =	vnsel vm6, $0x0, v4;
	(xrf0) =	vmax.scan.msk.u32 $0xffff, v5;
	v5 =	vxor.u32 $0x80000000, v7  }
0xed: {  	[tilespmem:s3+$0x6030] =	vst v2;
	v2 =	vperm.xlane v2, v1;
	v4 =	vperm.xlane v6, v4  }
0xee: {  	vm7 =	vlt.s32 v10, $0x0;
	vm8 =	vgt.s32 v5, $0x0  }
0xef: {  	v6 =	vld [tilespmem:s0+$0x1020];
	v2 =	vsel vm7, v4, v2;
	v4 =	vnsel vm8, $0x0, v5;
	v5, _, _ =	vpop (xrf0)  }
0xf0: {  	v3 =	vperm.xlane v3, v4;
	v4 =	vxor.u32 $0x80000000, v5  }
0xf1: {  	[tilespmem:s0+$0x6000] =	vst v2;
	v2 =	vperm.xlane v2, v1  }
0xf2: {  	vm9 =	vlt.s32 v7, $0x0;
	v7 =	vld [tilespmem:s0+$0x1030];
	vm10 =	vgt.s32 v4, $0x0  }
0xf3: {  	v2 =	vsel vm9, v3, v2;
	v3 =	vnsel vm10, $0x0, v4;
	v4, _, _ =	vpop (xrf0)  }
0xf4: {  	v8 =	vperm.xlane v2, v1;
	v3 =	vperm.xlane v6, v3;
	v6 =	vxor.u32 $0x80000000, v4  }
0xf5: {  	vm11 =	vlt.s32 v5, $0x0;
	vm12 =	vgt.s32 v6, $0x0  }
0xf6: {  	v3 =	vsel vm11, v3, v8;
	v5 =	vnsel vm12, $0x0, v6  }
0xf7: {  	v6 =	vperm.xlane v3, v1;
	v5 =	vperm.xlane v7, v5  }
0xf8: {  	[tilespmem:s0+$0x6010] =	vst v2;
	vm13 =	vlt.s32 v4, $0x0  }
0xf9: {  	[tilespmem:s0+$0x6020] =	vst v3;
	v2 =	vsel vm13, v5, v6  }
0xfa: {  	[tilespmem:s0+$0x6030] =	vst v2  }
0xfb: {  	v3 =	vld [tilespmem:s28+$0x4000];
	_ =	sdelay $0x2  }
0xfc: {  	v4 =	vld [tilespmem:s28+$0x4010];
	_ =	sdelay $0x1  }
0xfd: {  	v3 =	vand.u32 $0x1000000, v3  }
0xfe: {  	v5 =	vld [tilespmem:s28+$0x4020];
	vm14 =	veq.s32 v3, $0x0  }
0xff: {  	v3 =	vnsel vm14, $0x7FFFFFFF, v0  }
0x100: {  	v4 =	vand.u32 $0x1000000, v4;
	(xrf0) =	vmax.scan.msk.u32 $0xffff, v3  }
0x101: {  	vm15 =	veq.s32 v4, $0x0  }
0x102: {  	v4 =	vld [tilespmem:s28+$0x4030];
	v3 =	vnsel vm15, $0x7FFFFFFF, v0  }
0x103: {  	(xrf0) =	vmax.scan.msk.u32 $0xffff, v3;
	v3 =	vand.u32 $0x1000000, v5  }
0x104: {  	vm4 =	veq.s32 v3, $0x0  }
0x105: {  	v5 =	vld [tilespmem:s28+$0x1800];
	v6 =	vnsel vm4, $0x7FFFFFFF, v0  }
0x106: {  	v8 =	vld [tilespmem:s26+$0x4000];
	v7, _, _ =	vpop (xrf0);
	(xrf0) =	vmax.scan.msk.u32 $0xffff, v6  }
0x107: {  	v3 =	vld [tilespmem:s26+$0x4010];
	v4 =	vand.u32 $0x1000000, v4;
	v6 =	vxor.u32 $0x80000000, v7  }
0x108: {  	vm5 =	veq.s32 v4, $0x0;
	v4 =	vld [tilespmem:s28+$0x1810];
	vm6 =	vgt.s32 v6, $0x0  }
0x109: {  	v9 =	vnsel vm5, $0x7FFFFFFF, v0;
	v10, _, _ =	vpop (xrf0);
	v6 =	vnsel vm6, $0x0, v6  }
0x10a: {  	v2 =	vperm.xlane v2, v1;
	(xrf0) =	vmax.scan.msk.u32 $0xffff, v9;
	v5 =	vperm.xlane v5, v6;
	v6 =	vxor.u32 $0x80000000, v10  }
0x10b: {  	vm7 =	vlt.s32 v7, $0x0;
	vm8 =	vgt.s32 v6, $0x0  }
0x10c: {  	v2 =	vsel vm7, v5, v2;
	v5 =	vnsel vm8, $0x0, v6;
	v6 =	vand.u32 $0x1000000, v8;
	v8, _, _ =	vpop (xrf0)  }
0x10d: {  	v7 =	vld [tilespmem:s28+$0x1820];
	v3 =	vand.u32 $0x1000000, v3;
	v4 =	vperm.xlane v4, v5;
	v5 =	vxor.u32 $0x80000000, v8  }
0x10e: {  	v9 =	vld [tilespmem:s26+$0x4020];
	vm11 =	veq.s32 v3, $0x0;
	vm9 =	veq.s32 v6, $0x0  }
0x10f: {  	[tilespmem:s28+$0x6800] =	vst v2;
	v2 =	vperm.xlane v2, v1;
	vm12 =	vgt.s32 v5, $0x0;
	v3 =	vnsel vm9, $0x7FFFFFFF, v0  }
0x110: {  	vm10 =	vlt.s32 v10, $0x0;
	v10 =	vld [tilespmem:s28+$0x1830];
	v11 =	vnsel vm12, $0x0, v5;
	v5, _, _ =	vpop (xrf0);
	(xrf0) =	vmax.scan.msk.u32 $0xffff, v3  }
0x111: {  	v6 =	vnsel vm11, $0x7FFFFFFF, v0;
	v2 =	vsel vm10, v4, v2;
	v4 =	vld [tilespmem:s26+$0x4030]  }
0x112: {  	[tilespmem:s28+$0x6810] =	vst v2;
	v12 =	vperm.xlane v2, v1;
	v7 =	vperm.xlane v7, v11;
	v11 =	vxor.u32 $0x80000000, v5  }
0x113: {  	s0 =	simm.s32 $0x80;
	v9 =	vand.u32 $0x1000000, v9;
	vm13 =	vlt.s32 v8, $0x0;
	v2 =	vld [tilespmem:s26+$0x1800];
	(xrf0) =	vmax.scan.msk.u32 $0xffff, v6;
	vm14 =	vgt.s32 v11, $0x0  }
0x114: {  	vm15 =	veq.s32 v9, $0x0;
	v3 =	vld [tilespmem:s0+$0x4010];
	v7 =	vsel vm13, v7, v12;
	v8 =	vnsel vm14, $0x0, v11  }
0x115: {  	s3 =	simm.s32 $0x300;
	v9 =	vnsel vm15, $0x7FFFFFFF, v0;
	v6 =	vld [tilespmem:s0+$0x4000];
	[tilespmem:s28+$0x6820] =	vst v7;
	v7 =	vperm.xlane v7, v1;
	v8 =	vperm.xlane v10, v8  }
.LBB2_9:
0x116: {  	p0 =	sne.s32 s3, $0x1F00;
	v4 =	vand.u32 $0x1000000, v4;
	v10, _, _ =	vpop (xrf0);
	(xrf0) =	vmax.scan.msk.u32 $0xffff, v9;
	vm0 =	vlt.s32 v5, $0x0  }
0x117: {  	v5 =	vxor.u32 $0x80000000, v10;
	vm1 =	veq.s32 v4, $0x0;
	v4 =	vsel vm0, v8, v7  }
0x118: {  	vm0 =	vgt.s32 v5, $0x0;
	v7 =	vld [tilespmem:s26+$0x1810];
	v8 =	vnsel vm1, $0x7FFFFFFF, v0;
	[tilespmem:s28+$0x6830] =	vst v4;
	v4 =	vperm.xlane v4, v1;
	s28 =	smov.u32 s26;
	s26 =	smov.u32 s0  }
0x119: {  	v3 =	vand.u32 $0x1000000, v3;
	v5 =	vnsel vm0, $0x0, v5;
	v9, _, _ =	vpop (xrf0);
	(xrf0) =	vmax.scan.msk.u32 $0xffff, v8  }
0x11a: {  	v6 =	vand.u32 $0x1000000, v6;
	v2 =	vperm.xlane v2, v5;
	v5 =	vxor.u32 $0x80000000, v9  }
0x11b: {  	vm1 =	vlt.s32 v10, $0x0;
	vm0 =	veq.s32 v6, $0x0;
	vm2 =	vgt.s32 v5, $0x0;
	v6 =	vld [tilespmem:s28+$0x1820]  }
0x11c: {  	v8 =	vnsel vm0, $0x7FFFFFFF, v0;
	v10 =	vld [tilespmem:s26+$0x4020];
	v2 =	vsel vm1, v2, v4;
	v4 =	vnsel vm2, $0x0, v5;
	v11, _, _ =	vpop (xrf0)  }
0x11d: {  	[tilespmem:s28+$0x6800] =	vst v2;
	v2 =	vperm.xlane v2, v1;
	v12 =	vperm.xlane v7, v4;
	v7 =	vxor.u32 $0x80000000, v11  }
0x11e: {  	vm0 =	veq.s32 v3, $0x0;
	vm1 =	vlt.s32 v9, $0x0;
	(xrf0) =	vmax.scan.msk.u32 $0xffff, v8;
	vm2 =	vgt.s32 v7, $0x0;
	v8 =	vld [tilespmem:s28+$0x1830]  }
.Ltmp3:
0x11f: {  	v3 =	vnsel vm0, $0x7FFFFFFF, v0;
	v4 =	vld [tilespmem:s26+$0x4030];
	v2 =	vsel vm1, v12, v2;
	v7 =	vnsel vm2, $0x0, v7;
	v5, _, _ =	vpop (xrf0);
	(pc) =	sbr.rel @p0 .LBB2_9-.Ltmp3, $4  }
0x120: {  	[tilespmem:s28+$0x6810] =	vst v2;
	v9 =	vperm.xlane v2, v1;
	v6 =	vperm.xlane v6, v7;
	v7 =	vxor.u32 $0x80000000, v5  }
0x121: {  	s0 =	sshra.s32 s3, $0x2;
	vm0 =	vlt.s32 v11, $0x0;
	v2 =	vld [tilespmem:s26+$0x1800];
	v10 =	vand.u32 $0x1000000, v10;
	(xrf0) =	vmax.scan.msk.u32 $0xffff, v3;
	vm1 =	vgt.s32 v7, $0x0  }
0x122: {  	v3 =	vld [tilespmem:s0+$0x4010];
	vm2 =	veq.s32 v10, $0x0;
	v10 =	vsel vm0, v6, v9;
	v11 =	vnsel vm1, $0x0, v7  }
0x123: {  	s3 =	sadd.s32 $0x100, s3;
	v6 =	vld [tilespmem:s0+$0x4000];
	v9 =	vnsel vm2, $0x7FFFFFFF, v0;
	[tilespmem:s28+$0x6820] =	vst v10;
	v7 =	vperm.xlane v10, v1;
	v8 =	vperm.xlane v8, v11  }
0x124: {  	v10, _, _ =	vpop (xrf0)  }
0x125: {  	(xrf0) =	vmax.scan.msk.u32 $0xffff, v9;
	v22 =	vxor.u32 $0x80000000, v10  }
0x126: {  	v4 =	vand.u32 $0x1000000, v4;
	vm0 =	vlt.s32 v5, $0x0;
	vm1 =	vgt.s32 v22, $0x0  }
0x127: {  	v24 =	vld [tilespmem:s26+$0x1810];
	vm2 =	veq.s32 v4, $0x0;
	v23 =	vsel vm0, v8, v7;
	v25 =	vnsel vm1, $0x0, v22  }
0x128: {  	v26 =	vnsel vm2, $0x7FFFFFFF, v0;
	[tilespmem:s28+$0x6830] =	vst v23;
	v4 =	vperm.xlane v23, v1;
	v27, _, _ =	vpop (xrf0);
	v2 =	vperm.xlane v2, v25  }
0x129: {  	vm9 =	vlt.s32 v10, $0x0;
	(xrf0) =	vmax.scan.msk.u32 $0xffff, v26;
	v29 =	vld [tilespmem:s26+$0x1820];
	v6 =	vand.u32 $0x1000000, v6;
	v28 =	vxor.u32 $0x80000000, v27  }
0x12a: {  	v30 =	vld [tilespmem:s0+$0x4020];
	vm10 =	veq.s32 v6, $0x0;
	vm11 =	vgt.s32 v28, $0x0;
	v2 =	vsel vm9, v2, v4  }
0x12b: {  	v3 =	vand.u32 $0x1000000, v3;
	v31 =	vnsel vm10, $0x7FFFFFFF, v0;
	v7 =	vnsel vm11, $0x0, v28;
	v32, _, _ =	vpop (xrf0);
	[tilespmem:s26+$0x6800] =	vst v2  }
0x12c: {  	v2 =	vperm.xlane v2, v1;
	v5 =	vperm.xlane v24, v7;
	v33 =	vxor.u32 $0x80000000, v32;
	(xrf0) =	vmax.scan.msk.u32 $0xffff, v31  }
0x12d: {  	vm12 =	veq.s32 v3, $0x0;
	vm13 =	vlt.s32 v27, $0x0;
	vm14 =	vgt.s32 v33, $0x0;
	v3 =	vld [tilespmem:s0+$0x4030]  }
0x12e: {  	v34 =	vld [tilespmem:s26+$0x1830];
	v35 =	vnsel vm12, $0x7FFFFFFF, v0;
	v2 =	vsel vm13, v5, v2;
	v36 =	vnsel vm14, $0x0, v33  }
0x12f: {  	v6 =	vand.u32 $0x1000000, v30;
	v37, _, _ =	vpop (xrf0);
	(xrf0) =	vmax.scan.msk.u32 $0xffff, v35;
	v11 =	vperm.xlane v2, v1;
	v5 =	vperm.xlane v29, v36  }
0x130: {  	vm15 =	vlt.s32 v32, $0x0;
	vm4 =	veq.s32 v6, $0x0;
	[tilespmem:s26+$0x6810] =	vst v2;
	v2 =	vxor.u32 $0x80000000, v37  }
0x131: {  	v39 =	vnsel vm4, $0x7FFFFFFF, v0;
	v38 =	vld [tilespmem:s0+$0x1800];
	vm5 =	vgt.s32 v2, $0x0;
	v5 =	vsel vm15, v5, v11  }
0x132: {  	v2 =	vnsel vm5, $0x0, v2;
	v40 =	vperm.xlane v5, v1;
	v3 =	vand.u32 $0x1000000, v3;
	v41, _, _ =	vpop (xrf0);
	(xrf0) =	vmax.scan.msk.u32 $0xffff, v39  }
0x133: {  	[tilespmem:s26+$0x6820] =	vst v5;
	v2 =	vperm.xlane v34, v2;
	v42 =	vxor.u32 $0x80000000, v41;
	vm6 =	veq.s32 v3, $0x0  }
0x134: {  	vm7 =	vlt.s32 v37, $0x0;
	v3 =	vld [tilespmem:s0+$0x1810];
	vm8 =	vgt.s32 v42, $0x0;
	v43 =	vnsel vm6, $0x7FFFFFFF, v0  }
0x135: {  	v2 =	vsel vm7, v2, v40;
	v44, _, _ =	vpop (xrf0);
	v4 =	vnsel vm8, $0x0, v42;
	(xrf0) =	vmax.scan.msk.u32 $0xffff, v43  }
0x136: {  	[tilespmem:s26+$0x6830] =	vst v2;
	v2 =	vperm.xlane v2, v1;
	v45 =	vxor.u32 $0x80000000, v44;
	v4 =	vperm.xlane v38, v4  }
0x137: {  	vm9 =	vlt.s32 v41, $0x0;
	vm10 =	vgt.s32 v45, $0x0;
	v46 =	vld [tilespmem:s0+$0x1820]  }
0x138: {  	v47 =	vnsel vm10, $0x0, v45;
	v2 =	vsel vm9, v4, v2;
	v48, _, _ =	vpop (xrf0)  }
0x139: {  	v3 =	vperm.xlane v3, v47;
	[tilespmem:s0+$0x6800] =	vst v2;
	v2 =	vperm.xlane v2, v1;
	v49 =	vxor.u32 $0x80000000, v48  }
0x13a: {  	vm11 =	vlt.s32 v44, $0x0;
	v50 =	vld [tilespmem:s0+$0x1830];
	vm12 =	vgt.s32 v49, $0x0  }
0x13b: {  	v2 =	vsel vm11, v3, v2;
	v3 =	vnsel vm12, $0x0, v49;
	v51, _, _ =	vpop (xrf0)  }
0x13c: {  	v52 =	vperm.xlane v2, v1;
	v3 =	vperm.xlane v46, v3;
	v53 =	vxor.u32 $0x80000000, v51  }
0x13d: {  	vm13 =	vlt.s32 v48, $0x0;
	vm14 =	vgt.s32 v53, $0x0  }
0x13e: {  	v3 =	vsel vm13, v3, v52;
	v54 =	vnsel vm14, $0x0, v53  }
0x13f: {  	s3 =	sshll.u32 s25, $0x5;
	v55 =	vperm.xlane v3, v1;
	v5 =	vperm.xlane v50, v54  }
0x140: {  	s14 =	sshll.u32 s24, $0xA;
	s26 =	sand.u32 $0x60, s3;
	[tilespmem:s0+$0x6810] =	vst v2;
	vm15 =	vlt.s32 v51, $0x0  }
0x141: {  	p0 =	seq.s32 s25, $0xF;
	s28 =	sand.u32 $0xFE000, s14;
	s3 =	sadd.s32 s2, s26;
	[tilespmem:s0+$0x6820] =	vst v3;
	v2 =	vsel vm15, v5, v55  }
0x142: {  	s15 =	sadd.s32 s28, s3;
	[tilespmem:s0+$0x6830] =	vst v2;
	s0 =	sadd.s32 @!p0 $0x2, s24  }
0x143: {  	[hbm4b:s15+s12] =	stream.strided.scatter [tilespmem:s18], [sflag:$0x3], $0x2000, s13, s12, $0x38;
	[tilespmem:$0x9000] =	vst v63  }
0x144: {  	s3 =	sshrl.u32 @!p0 s0, $0x3;
	s0 =	sshll.u32 @!p0 s0, $0x7  }
0x145: {  	s14 =	sshll.u32 @!p0 s3, $0x10;
	s0 =	sand.u32 @!p0 $0x300, s0  }
0x146: {  	s16 =	simm.s32 @!p0 $0x400;
	s3 =	sshll.u32 @!p0 s3, $0xE;
	s14 =	sor.u32 @!p0 s0, s14  }
0x147: {  	s29 =	simm.s32 @!p0 $0x0;
	s0 =	sor.u32 @!p0 s0, s3;
	s14 =	sshrl.u32 @!p0 s14, $0x3  }
0x148: {  	s15 =	simm.s32 @!p0 $0x80;
	s0 =	sshrl.u32 @!p0 s0, $0x3;
	s14 =	sadd.s32 @!p0 s1, s14  }
0x149: {  	[tilespmem:s29], [sflag:$0x1] =	stream.strided.gather @!p0 [hbm4b:s14+s15], $0x2000, s16, s15, $0x38;
	[tilespmem:$0x9000] =	vst v63  }
0x14a: {  	s3 =	simm.s32 @!p0 $0x4000;
	s0 =	sadd.s32 @!p0 s5, s0  }
0x14b: {  	[tilespmem:s3], [sflag:$0x1] =	stream.strided.gather @!p0 [hbm4b:s0+s15], $0x800, s16, s15, $0x38;
	[tilespmem:$0x9000] =	vst v63  }
0x14c: {  	_ =	swait.ge [sflag:s19], $0x2000  }
0x14d: {  	[sflag:s19] =	ssyncset.done $0x0  }
0x14e: {  	[sflag:s19] =	ssyncadd.s32 $0xFFFFE000  }
0x14f: {  	_ =	swait.ge [sflag:s19], $0x800  }
0x150: {  	[sflag:s19] =	ssyncset.done $0x0  }
0x151: {  	s0 =	simm.s32 @!p1 $0x4;
	[sflag:s19] =	ssyncadd.s32 $0xFFFFF800  }
0x152: {  	_ =	swait.ge @!p1 [sflag:s0], $0x2000  }
0x153: {  	s16 =	simm.s32 $0x0;
	[sflag:s0] =	ssyncset.done @!p1 $0x0  }
0x154: {  	s30 =	sand.u32 $0x7C0, s16;
	[sflag:s0] =	ssyncadd.s32 @!p1 $0xFFFFE000  }
0x155: {  	v2 =	vld [tilespmem:s30+$0x4800];
	_ =	sdelay $0x4  }
0x156: {  	v2 =	vand.u32 $0x1, v2  }
0x157: {  	vm4 =	veq.s32 v2, $0x0  }
0x158: {  	v2 =	vnsel vm4, $0x7FFFFFFF, v0  }
0x159: {  	(xrf0) =	vmax.scan.msk.u32 $0xffff, v2;
	_ =	sdelay $0x3  }
0x15a: {  	s0 =	simm.s32 $0x2030  }
0x15b: {  	v2 =	vld [tilespmem:s0+$0xFFFFFFD0]  }
0x15c: {  	v3, _, _ =	vpop (xrf0)  }
0x15d: {  	v56 =	vxor.u32 $0x80000000, v3  }
0x15e: {  	vm5 =	vgt.s32 v56, $0x0  }
0x15f: {  	v4 =	vnsel vm5, $0x0, v56  }
0x160: {  	v2 =	vperm.xlane v2, v4  }
0x161: {  	v57 =	vimm.f32 $0.0e+00;
	vm6 =	vlt.s32 v3, $0x0  }
0x162: {  	s3 =	simm.s32 $0x7030;
	v2 =	vsel vm6, v2, v57  }
0x163: {  	s29 =	simm.s32 $0x4830;
	[tilespmem:s3+$0xFFFFFFD0] =	vst v2  }
0x164: {  	v3 =	vld [tilespmem:s29+$0xFFFFFFE0];
	_ =	sdelay $0x4  }
0x165: {  	v3 =	vand.u32 $0x1, v3  }
0x166: {  	vm7 =	veq.s32 v3, $0x0  }
0x167: {  	v3 =	vnsel vm7, $0x7FFFFFFF, v0  }
0x168: {  	(xrf0) =	vmax.scan.msk.u32 $0xffff, v3;
	_ =	sdelay $0x4  }
0x169: {  	v3 =	vld [tilespmem:s0+$0xFFFFFFE0]  }
0x16a: {  	v58, _, _ =	vpop (xrf0)  }
0x16b: {  	v59 =	vxor.u32 $0x80000000, v58  }
0x16c: {  	vm8 =	vgt.s32 v59, $0x0  }
0x16d: {  	v5 =	vnsel vm8, $0x0, v59  }
0x16e: {  	v2 =	vperm.xlane v2, v1;
	v3 =	vperm.xlane v3, v5  }
0x16f: {  	vm9 =	vlt.s32 v58, $0x0  }
0x170: {  	v2 =	vsel vm9, v3, v2  }
0x171: {  	[tilespmem:s3+$0xFFFFFFE0] =	vst v2  }
0x172: {  	v3 =	vld [tilespmem:s29+$0xFFFFFFF0];
	_ =	sdelay $0x4  }
0x173: {  	v3 =	vand.u32 $0x1, v3  }
0x174: {  	vm10 =	veq.s32 v3, $0x0  }
0x175: {  	v3 =	vnsel vm10, $0x7FFFFFFF, v0  }
0x176: {  	(xrf0) =	vmax.scan.msk.u32 $0xffff, v3;
	_ =	sdelay $0x4  }
0x177: {  	v3 =	vld [tilespmem:s0+$0xFFFFFFF0]  }
0x178: {  	v60, _, _ =	vpop (xrf0)  }
0x179: {  	v61 =	vxor.u32 $0x80000000, v60  }
0x17a: {  	vm11 =	vgt.s32 v61, $0x0  }
0x17b: {  	v5 =	vnsel vm11, $0x0, v61  }
0x17c: {  	v2 =	vperm.xlane v2, v1;
	v3 =	vperm.xlane v3, v5  }
0x17d: {  	vm12 =	vlt.s32 v60, $0x0  }
0x17e: {  	v2 =	vsel vm12, v3, v2  }
0x17f: {  	[tilespmem:s3+$0xFFFFFFF0] =	vst v2  }
0x180: {  	v3 =	vld [tilespmem:s29+$0x0];
	_ =	sdelay $0x4  }
0x181: {  	v3 =	vand.u32 $0x1, v3  }
0x182: {  	vm13 =	veq.s32 v3, $0x0  }
0x183: {  	v3 =	vnsel vm13, $0x7FFFFFFF, v0  }
0x184: {  	(xrf0) =	vmax.scan.msk.u32 $0xffff, v3;
	_ =	sdelay $0x4  }
0x185: {  	v3 =	vld [tilespmem:s0+$0x0]  }
0x186: {  	v62, _, _ =	vpop (xrf0)  }
0x187: {  	v63 =	vxor.u32 $0x80000000, v62  }
0x188: {  	vm14 =	vgt.s32 v63, $0x0  }
0x189: {  	v5 =	vnsel vm14, $0x0, v63  }
0x18a: {  	v2 =	vperm.xlane v2, v1;
	v3 =	vperm.xlane v3, v5  }
0x18b: {  	vm15 =	vlt.s32 v62, $0x0  }
0x18c: {  	s25 =	sadd.s32 $0x1, s25;
	s31 =	simm.s32 $0x40;
	v2 =	vsel vm15, v3, v2  }
0x18d: {  	s14 =	simm.s32 $0x4830;
	s15 =	simm.s32 $0x80;
	s16 =	sand.u32 $0x7C0, s31;
	[tilespmem:s3+$0x0] =	vst v2;
	v2 =	vperm.xlane v2, v1  }
.LBB2_11:
0x18e: {  	p1 =	sne.s32 s15, $0x7C0;
	v3 =	vld [tilespmem:s16+$0x4800];
	s0 =	sadd.s32 $0x40, s0  }
0x18f: {  	v4 =	vld [tilespmem:s0+$0xFFFFFFD0];
	_ =	sdelay $0x3  }
0x190: {  	v3 =	vand.u32 $0x1, v3  }
0x191: {  	vm0 =	veq.s32 v3, $0x0  }
0x192: {  	v3 =	vnsel vm0, $0x7FFFFFFF, v0  }
0x193: {  	(xrf0) =	vmax.scan.msk.u32 $0xffff, v3;
	_ =	sdelay $0x5  }
0x194: {  	v3, _, _ =	vpop (xrf0)  }
0x195: {  	v5 =	vxor.u32 $0x80000000, v3  }
0x196: {  	vm0 =	vgt.s32 v5, $0x0  }
0x197: {  	v5 =	vnsel vm0, $0x0, v5  }
0x198: {  	v4 =	vperm.xlane v4, v5  }
0x199: {  	vm0 =	vlt.s32 v3, $0x0  }
0x19a: {  	s3 =	sadd.s32 $0x40, s3;
	v2 =	vsel vm0, v4, v2  }
0x19b: {  	s14 =	sadd.s32 $0x40, s14;
	[tilespmem:s3+$0xFFFFFFD0] =	vst v2;
	v2 =	vperm.xlane v2, v1  }
0x19c: {  	v3 =	vld [tilespmem:s14+$0xFFFFFFE0];
	_ =	sdelay $0x4  }
0x19d: {  	v3 =	vand.u32 $0x1, v3  }
0x19e: {  	vm0 =	veq.s32 v3, $0x0  }
0x19f: {  	v3 =	vnsel vm0, $0x7FFFFFFF, v0  }
0x1a0: {  	(xrf0) =	vmax.scan.msk.u32 $0xffff, v3;
	_ =	sdelay $0x4  }
0x1a1: {  	v3 =	vld [tilespmem:s0+$0xFFFFFFE0]  }
0x1a2: {  	v4, _, _ =	vpop (xrf0)  }
0x1a3: {  	v5 =	vxor.u32 $0x80000000, v4  }
0x1a4: {  	vm0 =	vgt.s32 v5, $0x0  }
0x1a5: {  	v5 =	vnsel vm0, $0x0, v5  }
0x1a6: {  	v3 =	vperm.xlane v3, v5  }
0x1a7: {  	vm0 =	vlt.s32 v4, $0x0  }
0x1a8: {  	v2 =	vsel vm0, v3, v2  }
0x1a9: {  	[tilespmem:s3+$0xFFFFFFE0] =	vst v2;
	v2 =	vperm.xlane v2, v1  }
0x1aa: {  	v3 =	vld [tilespmem:s14+$0xFFFFFFF0];
	_ =	sdelay $0x4  }
0x1ab: {  	v3 =	vand.u32 $0x1, v3  }
0x1ac: {  	vm0 =	veq.s32 v3, $0x0  }
0x1ad: {  	v3 =	vnsel vm0, $0x7FFFFFFF, v0  }
0x1ae: {  	(xrf0) =	vmax.scan.msk.u32 $0xffff, v3;
	_ =	sdelay $0x4  }
0x1af: {  	v3 =	vld [tilespmem:s0+$0xFFFFFFF0]  }
0x1b0: {  	v4, _, _ =	vpop (xrf0)  }
0x1b1: {  	v5 =	vxor.u32 $0x80000000, v4  }
0x1b2: {  	vm0 =	vgt.s32 v5, $0x0  }
0x1b3: {  	v5 =	vnsel vm0, $0x0, v5  }
0x1b4: {  	v3 =	vperm.xlane v3, v5  }
0x1b5: {  	vm0 =	vlt.s32 v4, $0x0  }
0x1b6: {  	v2 =	vsel vm0, v3, v2  }
0x1b7: {  	[tilespmem:s3+$0xFFFFFFF0] =	vst v2;
	v2 =	vperm.xlane v2, v1  }
0x1b8: {  	v3 =	vld [tilespmem:s14+$0x0]  }
0x1b9: {  	v4 =	vld [tilespmem:s0+$0x0];
	_ =	sdelay $0x3  }
0x1ba: {  	v3 =	vand.u32 $0x1, v3  }
0x1bb: {  	vm0 =	veq.s32 v3, $0x0  }
0x1bc: {  	v3 =	vnsel vm0, $0x7FFFFFFF, v0  }
0x1bd: {  	(xrf0) =	vmax.scan.msk.u32 $0xffff, v3;
	_ =	sdelay $0x5  }
0x1be: {  	v3, _, _ =	vpop (xrf0)  }
0x1bf: {  	v5 =	vxor.u32 $0x80000000, v3  }
0x1c0: {  	vm0 =	vgt.s32 v5, $0x0  }
.Ltmp4:
0x1c1: {  	v5 =	vnsel vm0, $0x0, v5;
	(pc) =	sbr.rel @p1 .LBB2_11-.Ltmp4, $4  }
0x1c2: {  	v4 =	vperm.xlane v4, v5  }
0x1c3: {  	vm0 =	vlt.s32 v3, $0x0  }
0x1c4: {  	v2 =	vsel vm0, v4, v2  }
0x1c5: {  	s16 =	sand.u32 $0x7C0, s15;
	s15 =	sadd.s32 $0x40, s15;
	[tilespmem:s3+$0x0] =	vst v2;
	v2 =	vperm.xlane v2, v1  }
0x1c6: {  	v3 =	vld [tilespmem:s16+$0x4800];
	_ =	sdelay $0x4  }
0x1c7: {  	v3 =	vand.u32 $0x1, v3  }
0x1c8: {  	vm0 =	veq.s32 v3, $0x0  }
0x1c9: {  	v3 =	vnsel vm0, $0x7FFFFFFF, v0  }
0x1ca: {  	(xrf0) =	vmax.scan.msk.u32 $0xffff, v3;
	_ =	sdelay $0x3  }
0x1cb: {  	s0 =	sadd.s32 $0x40, s0  }
0x1cc: {  	v3 =	vld [tilespmem:s0+$0xFFFFFFD0]  }
0x1cd: {  	v4, _, _ =	vpop (xrf0)  }
0x1ce: {  	v5 =	vxor.u32 $0x80000000, v4  }
0x1cf: {  	vm5 =	vgt.s32 v5, $0x0  }
0x1d0: {  	v5 =	vnsel vm5, $0x0, v5  }
0x1d1: {  	v3 =	vperm.xlane v3, v5  }
0x1d2: {  	vm6 =	vlt.s32 v4, $0x0  }
0x1d3: {  	s3 =	sadd.s32 $0x40, s3;
	v2 =	vsel vm6, v3, v2  }
0x1d4: {  	s14 =	sadd.s32 $0x40, s14;
	[tilespmem:s3+$0xFFFFFFD0] =	vst v2  }
0x1d5: {  	v3 =	vld [tilespmem:s14+$0xFFFFFFE0];
	_ =	sdelay $0x4  }
0x1d6: {  	v3 =	vand.u32 $0x1, v3  }
0x1d7: {  	vm7 =	veq.s32 v3, $0x0  }
0x1d8: {  	v3 =	vnsel vm7, $0x7FFFFFFF, v0  }
0x1d9: {  	(xrf0) =	vmax.scan.msk.u32 $0xffff, v3;
	_ =	sdelay $0x4  }
0x1da: {  	v3 =	vld [tilespmem:s0+$0xFFFFFFE0]  }
0x1db: {  	v50, _, _ =	vpop (xrf0)  }
0x1dc: {  	v51 =	vxor.u32 $0x80000000, v50  }
0x1dd: {  	vm8 =	vgt.s32 v51, $0x0  }
0x1de: {  	v5 =	vnsel vm8, $0x0, v51  }
0x1df: {  	v2 =	vperm.xlane v2, v1;
	v3 =	vperm.xlane v3, v5  }
0x1e0: {  	vm9 =	vlt.s32 v50, $0x0  }
0x1e1: {  	v2 =	vsel vm9, v3, v2  }
0x1e2: {  	[tilespmem:s3+$0xFFFFFFE0] =	vst v2  }
0x1e3: {  	v3 =	vld [tilespmem:s14+$0xFFFFFFF0];
	_ =	sdelay $0x4  }
0x1e4: {  	v3 =	vand.u32 $0x1, v3  }
0x1e5: {  	vm10 =	veq.s32 v3, $0x0  }
0x1e6: {  	v3 =	vnsel vm10, $0x7FFFFFFF, v0  }
0x1e7: {  	(xrf0) =	vmax.scan.msk.u32 $0xffff, v3;
	_ =	sdelay $0x4  }
0x1e8: {  	v3 =	vld [tilespmem:s0+$0xFFFFFFF0]  }
0x1e9: {  	v52, _, _ =	vpop (xrf0)  }
0x1ea: {  	v53 =	vxor.u32 $0x80000000, v52  }
0x1eb: {  	vm11 =	vgt.s32 v53, $0x0  }
0x1ec: {  	v5 =	vnsel vm11, $0x0, v53  }
0x1ed: {  	v2 =	vperm.xlane v2, v1;
	v3 =	vperm.xlane v3, v5  }
0x1ee: {  	vm12 =	vlt.s32 v52, $0x0  }
0x1ef: {  	v2 =	vsel vm12, v3, v2  }
0x1f0: {  	[tilespmem:s3+$0xFFFFFFF0] =	vst v2  }
0x1f1: {  	v3 =	vld [tilespmem:s14+$0x0];
	_ =	sdelay $0x4  }
0x1f2: {  	v3 =	vand.u32 $0x1, v3  }
0x1f3: {  	vm13 =	veq.s32 v3, $0x0  }
0x1f4: {  	v3 =	vnsel vm13, $0x7FFFFFFF, v0  }
0x1f5: {  	(xrf0) =	vmax.scan.msk.u32 $0xffff, v3;
	_ =	sdelay $0x4  }
0x1f6: {  	v3 =	vld [tilespmem:s0+$0x0]  }
0x1f7: {  	v54, _, _ =	vpop (xrf0)  }
0x1f8: {  	v55 =	vxor.u32 $0x80000000, v54  }
0x1f9: {  	vm14 =	vgt.s32 v55, $0x0  }
0x1fa: {  	v5 =	vnsel vm14, $0x0, v55  }
0x1fb: {  	v2 =	vperm.xlane v2, v1;
	v3 =	vperm.xlane v3, v5  }
0x1fc: {  	vm15 =	vlt.s32 v54, $0x0  }
0x1fd: {  	v2 =	vsel vm15, v3, v2  }
0x1fe: {  	[tilespmem:s3+$0x0] =	vst v2  }
0x1ff: {  	v3 =	vld [tilespmem:s30+$0x4800];
	_ =	sdelay $0x4  }
0x200: {  	v3 =	vand.u32 $0x100, v3  }
0x201: {  	vm4 =	veq.s32 v3, $0x0  }
0x202: {  	v3 =	vnsel vm4, $0x7FFFFFFF, v0  }
0x203: {  	(xrf0) =	vmax.scan.msk.u32 $0xffff, v3;
	_ =	sdelay $0x3  }
0x204: {  	s0 =	simm.s32 $0x2830  }
0x205: {  	v3 =	vld [tilespmem:s0+$0xFFFFFFD0]  }
0x206: {  	v56, _, _ =	vpop (xrf0)  }
0x207: {  	v57 =	vxor.u32 $0x80000000, v56  }
0x208: {  	vm5 =	vgt.s32 v57, $0x0  }
0x209: {  	v5 =	vnsel vm5, $0x0, v57  }
0x20a: {  	v2 =	vperm.xlane v2, v1;
	v3 =	vperm.xlane v3, v5  }
0x20b: {  	vm6 =	vlt.s32 v56, $0x0  }
0x20c: {  	s3 =	simm.s32 $0x7830;
	v2 =	vsel vm6, v3, v2  }
0x20d: {  	[tilespmem:s3+$0xFFFFFFD0] =	vst v2  }
0x20e: {  	v3 =	vld [tilespmem:s29+$0xFFFFFFE0];
	_ =	sdelay $0x4  }
0x20f: {  	v3 =	vand.u32 $0x100, v3  }
0x210: {  	vm7 =	veq.s32 v3, $0x0  }
0x211: {  	v3 =	vnsel vm7, $0x7FFFFFFF, v0  }
0x212: {  	(xrf0) =	vmax.scan.msk.u32 $0xffff, v3;
	_ =	sdelay $0x4  }
0x213: {  	v3 =	vld [tilespmem:s0+$0xFFFFFFE0]  }
0x214: {  	v58, _, _ =	vpop (xrf0)  }
0x215: {  	v59 =	vxor.u32 $0x80000000, v58  }
0x216: {  	vm8 =	vgt.s32 v59, $0x0  }
0x217: {  	v5 =	vnsel vm8, $0x0, v59  }
0x218: {  	v2 =	vperm.xlane v2, v1;
	v3 =	vperm.xlane v3, v5  }
0x219: {  	vm9 =	vlt.s32 v58, $0x0  }
0x21a: {  	v2 =	vsel vm9, v3, v2  }
0x21b: {  	[tilespmem:s3+$0xFFFFFFE0] =	vst v2  }
0x21c: {  	v3 =	vld [tilespmem:s29+$0xFFFFFFF0];
	_ =	sdelay $0x4  }
0x21d: {  	v3 =	vand.u32 $0x100, v3  }
0x21e: {  	vm10 =	veq.s32 v3, $0x0  }
0x21f: {  	v3 =	vnsel vm10, $0x7FFFFFFF, v0  }
0x220: {  	(xrf0) =	vmax.scan.msk.u32 $0xffff, v3;
	_ =	sdelay $0x4  }
0x221: {  	v3 =	vld [tilespmem:s0+$0xFFFFFFF0]  }
0x222: {  	v60, _, _ =	vpop (xrf0)  }
0x223: {  	v61 =	vxor.u32 $0x80000000, v60  }
0x224: {  	vm11 =	vgt.s32 v61, $0x0  }
0x225: {  	v5 =	vnsel vm11, $0x0, v61  }
0x226: {  	v2 =	vperm.xlane v2, v1;
	v3 =	vperm.xlane v3, v5  }
0x227: {  	vm12 =	vlt.s32 v60, $0x0  }
0x228: {  	v2 =	vsel vm12, v3, v2  }
0x229: {  	[tilespmem:s3+$0xFFFFFFF0] =	vst v2  }
0x22a: {  	v3 =	vld [tilespmem:s29+$0x0];
	_ =	sdelay $0x4  }
0x22b: {  	v3 =	vand.u32 $0x100, v3  }
0x22c: {  	vm13 =	veq.s32 v3, $0x0  }
0x22d: {  	v3 =	vnsel vm13, $0x7FFFFFFF, v0  }
0x22e: {  	(xrf0) =	vmax.scan.msk.u32 $0xffff, v3;
	_ =	sdelay $0x4  }
0x22f: {  	v3 =	vld [tilespmem:s0+$0x0]  }
0x230: {  	v62, _, _ =	vpop (xrf0)  }
0x231: {  	v63 =	vxor.u32 $0x80000000, v62  }
0x232: {  	vm14 =	vgt.s32 v63, $0x0  }
0x233: {  	v5 =	vnsel vm14, $0x0, v63  }
0x234: {  	v2 =	vperm.xlane v2, v1;
	v3 =	vperm.xlane v3, v5  }
0x235: {  	vm15 =	vlt.s32 v62, $0x0  }
0x236: {  	v2 =	vsel vm15, v3, v2  }
0x237: {  	s15 =	sand.u32 $0x7C0, s31;
	s14 =	simm.s32 $0x80;
	[tilespmem:s3+$0x0] =	vst v2;
	v2 =	vperm.xlane v2, v1  }
.LBB2_13:
0x238: {  	p1 =	sne.s32 s14, $0x7C0;
	v3 =	vld [tilespmem:s15+$0x4800];
	s0 =	sadd.s32 $0x40, s0  }
0x239: {  	v4 =	vld [tilespmem:s0+$0xFFFFFFD0];
	_ =	sdelay $0x3  }
0x23a: {  	v3 =	vand.u32 $0x100, v3  }
0x23b: {  	vm0 =	veq.s32 v3, $0x0  }
0x23c: {  	v3 =	vnsel vm0, $0x7FFFFFFF, v0  }
0x23d: {  	(xrf0) =	vmax.scan.msk.u32 $0xffff, v3;
	_ =	sdelay $0x5  }
0x23e: {  	v3, _, _ =	vpop (xrf0)  }
0x23f: {  	v5 =	vxor.u32 $0x80000000, v3  }
0x240: {  	vm0 =	vgt.s32 v5, $0x0  }
0x241: {  	v5 =	vnsel vm0, $0x0, v5  }
0x242: {  	v4 =	vperm.xlane v4, v5  }
0x243: {  	vm0 =	vlt.s32 v3, $0x0  }
0x244: {  	s3 =	sadd.s32 $0x40, s3;
	v2 =	vsel vm0, v4, v2  }
0x245: {  	s29 =	sadd.s32 $0x40, s29;
	[tilespmem:s3+$0xFFFFFFD0] =	vst v2;
	v2 =	vperm.xlane v2, v1  }
0x246: {  	v3 =	vld [tilespmem:s29+$0xFFFFFFE0];
	_ =	sdelay $0x4  }
0x247: {  	v3 =	vand.u32 $0x100, v3  }
0x248: {  	vm0 =	veq.s32 v3, $0x0  }
0x249: {  	v3 =	vnsel vm0, $0x7FFFFFFF, v0  }
0x24a: {  	(xrf0) =	vmax.scan.msk.u32 $0xffff, v3;
	_ =	sdelay $0x4  }
0x24b: {  	v3 =	vld [tilespmem:s0+$0xFFFFFFE0]  }
0x24c: {  	v4, _, _ =	vpop (xrf0)  }
0x24d: {  	v5 =	vxor.u32 $0x80000000, v4  }
0x24e: {  	vm0 =	vgt.s32 v5, $0x0  }
0x24f: {  	v5 =	vnsel vm0, $0x0, v5  }
0x250: {  	v3 =	vperm.xlane v3, v5  }
0x251: {  	vm0 =	vlt.s32 v4, $0x0  }
0x252: {  	v2 =	vsel vm0, v3, v2  }
0x253: {  	[tilespmem:s3+$0xFFFFFFE0] =	vst v2;
	v2 =	vperm.xlane v2, v1  }
0x254: {  	v3 =	vld [tilespmem:s29+$0xFFFFFFF0];
	_ =	sdelay $0x4  }
0x255: {  	v3 =	vand.u32 $0x100, v3  }
0x256: {  	vm0 =	veq.s32 v3, $0x0  }
0x257: {  	v3 =	vnsel vm0, $0x7FFFFFFF, v0  }
0x258: {  	(xrf0) =	vmax.scan.msk.u32 $0xffff, v3;
	_ =	sdelay $0x4  }
0x259: {  	v3 =	vld [tilespmem:s0+$0xFFFFFFF0]  }
0x25a: {  	v4, _, _ =	vpop (xrf0)  }
0x25b: {  	v5 =	vxor.u32 $0x80000000, v4  }
0x25c: {  	vm0 =	vgt.s32 v5, $0x0  }
0x25d: {  	v5 =	vnsel vm0, $0x0, v5  }
0x25e: {  	v3 =	vperm.xlane v3, v5  }
0x25f: {  	vm0 =	vlt.s32 v4, $0x0  }
0x260: {  	v2 =	vsel vm0, v3, v2  }
0x261: {  	[tilespmem:s3+$0xFFFFFFF0] =	vst v2;
	v2 =	vperm.xlane v2, v1  }
0x262: {  	v3 =	vld [tilespmem:s29+$0x0]  }
0x263: {  	v4 =	vld [tilespmem:s0+$0x0];
	_ =	sdelay $0x3  }
0x264: {  	v3 =	vand.u32 $0x100, v3  }
0x265: {  	vm0 =	veq.s32 v3, $0x0  }
0x266: {  	v3 =	vnsel vm0, $0x7FFFFFFF, v0  }
0x267: {  	(xrf0) =	vmax.scan.msk.u32 $0xffff, v3;
	_ =	sdelay $0x5  }
0x268: {  	v3, _, _ =	vpop (xrf0)  }
0x269: {  	v5 =	vxor.u32 $0x80000000, v3  }
0x26a: {  	vm0 =	vgt.s32 v5, $0x0  }
.Ltmp5:
0x26b: {  	v5 =	vnsel vm0, $0x0, v5;
	(pc) =	sbr.rel @p1 .LBB2_13-.Ltmp5, $4  }
0x26c: {  	v4 =	vperm.xlane v4, v5  }
0x26d: {  	vm0 =	vlt.s32 v3, $0x0  }
0x26e: {  	v2 =	vsel vm0, v4, v2  }
0x26f: {  	s15 =	sand.u32 $0x7C0, s14;
	s14 =	sadd.s32 $0x40, s14;
	[tilespmem:s3+$0x0] =	vst v2;
	v2 =	vperm.xlane v2, v1  }
0x270: {  	v3 =	vld [tilespmem:s15+$0x4800];
	_ =	sdelay $0x4  }
0x271: {  	v3 =	vand.u32 $0x100, v3  }
0x272: {  	vm0 =	veq.s32 v3, $0x0  }
0x273: {  	v3 =	vnsel vm0, $0x7FFFFFFF, v0  }
0x274: {  	(xrf0) =	vmax.scan.msk.u32 $0xffff, v3;
	_ =	sdelay $0x3  }
0x275: {  	s0 =	sadd.s32 $0x40, s0  }
0x276: {  	v3 =	vld [tilespmem:s0+$0xFFFFFFD0]  }
0x277: {  	v4, _, _ =	vpop (xrf0)  }
0x278: {  	v5 =	vxor.u32 $0x80000000, v4  }
0x279: {  	vm5 =	vgt.s32 v5, $0x0  }
0x27a: {  	v5 =	vnsel vm5, $0x0, v5  }
0x27b: {  	v3 =	vperm.xlane v3, v5  }
0x27c: {  	vm6 =	vlt.s32 v4, $0x0  }
0x27d: {  	s3 =	sadd.s32 $0x40, s3;
	v2 =	vsel vm6, v3, v2  }
0x27e: {  	s14 =	sadd.s32 $0x40, s29;
	[tilespmem:s3+$0xFFFFFFD0] =	vst v2  }
0x27f: {  	v3 =	vld [tilespmem:s14+$0xFFFFFFE0];
	_ =	sdelay $0x4  }
0x280: {  	v3 =	vand.u32 $0x100, v3  }
0x281: {  	vm7 =	veq.s32 v3, $0x0  }
0x282: {  	v3 =	vnsel vm7, $0x7FFFFFFF, v0  }
0x283: {  	(xrf0) =	vmax.scan.msk.u32 $0xffff, v3;
	_ =	sdelay $0x4  }
0x284: {  	v3 =	vld [tilespmem:s0+$0xFFFFFFE0]  }
0x285: {  	v50, _, _ =	vpop (xrf0)  }
0x286: {  	v51 =	vxor.u32 $0x80000000, v50  }
0x287: {  	vm8 =	vgt.s32 v51, $0x0  }
0x288: {  	v5 =	vnsel vm8, $0x0, v51  }
0x289: {  	v2 =	vperm.xlane v2, v1;
	v3 =	vperm.xlane v3, v5  }
0x28a: {  	vm9 =	vlt.s32 v50, $0x0  }
0x28b: {  	v2 =	vsel vm9, v3, v2  }
0x28c: {  	[tilespmem:s3+$0xFFFFFFE0] =	vst v2  }
0x28d: {  	v3 =	vld [tilespmem:s14+$0xFFFFFFF0];
	_ =	sdelay $0x4  }
0x28e: {  	v3 =	vand.u32 $0x100, v3  }
0x28f: {  	vm10 =	veq.s32 v3, $0x0  }
0x290: {  	v3 =	vnsel vm10, $0x7FFFFFFF, v0  }
0x291: {  	(xrf0) =	vmax.scan.msk.u32 $0xffff, v3;
	_ =	sdelay $0x4  }
0x292: {  	v3 =	vld [tilespmem:s0+$0xFFFFFFF0]  }
0x293: {  	v52, _, _ =	vpop (xrf0)  }
0x294: {  	v53 =	vxor.u32 $0x80000000, v52  }
0x295: {  	vm11 =	vgt.s32 v53, $0x0  }
0x296: {  	v5 =	vnsel vm11, $0x0, v53  }
0x297: {  	v2 =	vperm.xlane v2, v1;
	v3 =	vperm.xlane v3, v5  }
0x298: {  	vm12 =	vlt.s32 v52, $0x0  }
0x299: {  	v2 =	vsel vm12, v3, v2  }
0x29a: {  	[tilespmem:s3+$0xFFFFFFF0] =	vst v2  }
0x29b: {  	v3 =	vld [tilespmem:s14+$0x0];
	_ =	sdelay $0x4  }
0x29c: {  	v3 =	vand.u32 $0x100, v3  }
0x29d: {  	vm13 =	veq.s32 v3, $0x0  }
0x29e: {  	v3 =	vnsel vm13, $0x7FFFFFFF, v0  }
0x29f: {  	(xrf0) =	vmax.scan.msk.u32 $0xffff, v3;
	_ =	sdelay $0x4  }
0x2a0: {  	v3 =	vld [tilespmem:s0+$0x0]  }
0x2a1: {  	v54, _, _ =	vpop (xrf0)  }
0x2a2: {  	v55 =	vxor.u32 $0x80000000, v54  }
0x2a3: {  	vm14 =	vgt.s32 v55, $0x0  }
0x2a4: {  	v5 =	vnsel vm14, $0x0, v55  }
0x2a5: {  	v2 =	vperm.xlane v2, v1;
	v3 =	vperm.xlane v3, v5  }
0x2a6: {  	vm15 =	vlt.s32 v54, $0x0  }
0x2a7: {  	s16 =	simm.s32 $0x0;
	v2 =	vsel vm15, v3, v2  }
0x2a8: {  	s30 =	sand.u32 $0x7C0, s16;
	[tilespmem:s3+$0x0] =	vst v2  }
0x2a9: {  	v3 =	vld [tilespmem:s30+$0x4800];
	_ =	sdelay $0x4  }
0x2aa: {  	v3 =	vand.u32 $0x10000, v3  }
0x2ab: {  	vm4 =	veq.s32 v3, $0x0  }
0x2ac: {  	v3 =	vnsel vm4, $0x7FFFFFFF, v0  }
0x2ad: {  	(xrf0) =	vmax.scan.msk.u32 $0xffff, v3;
	_ =	sdelay $0x3  }
0x2ae: {  	s0 =	simm.s32 $0x3030  }
0x2af: {  	v3 =	vld [tilespmem:s0+$0xFFFFFFD0]  }
0x2b0: {  	v56, _, _ =	vpop (xrf0)  }
0x2b1: {  	v57 =	vxor.u32 $0x80000000, v56  }
0x2b2: {  	vm5 =	vgt.s32 v57, $0x0  }
0x2b3: {  	v5 =	vnsel vm5, $0x0, v57  }
0x2b4: {  	v2 =	vperm.xlane v2, v1;
	v3 =	vperm.xlane v3, v5  }
0x2b5: {  	vm6 =	vlt.s32 v56, $0x0  }
0x2b6: {  	s3 =	simm.s32 $0x8030;
	v2 =	vsel vm6, v3, v2  }
0x2b7: {  	s29 =	simm.s32 $0x4830;
	[tilespmem:s3+$0xFFFFFFD0] =	vst v2  }
0x2b8: {  	v3 =	vld [tilespmem:s29+$0xFFFFFFE0];
	_ =	sdelay $0x4  }
0x2b9: {  	v3 =	vand.u32 $0x10000, v3  }
0x2ba: {  	vm7 =	veq.s32 v3, $0x0  }
0x2bb: {  	v3 =	vnsel vm7, $0x7FFFFFFF, v0  }
0x2bc: {  	(xrf0) =	vmax.scan.msk.u32 $0xffff, v3;
	_ =	sdelay $0x4  }
0x2bd: {  	v3 =	vld [tilespmem:s0+$0xFFFFFFE0]  }
0x2be: {  	v58, _, _ =	vpop (xrf0)  }
0x2bf: {  	v59 =	vxor.u32 $0x80000000, v58  }
0x2c0: {  	vm8 =	vgt.s32 v59, $0x0  }
0x2c1: {  	v5 =	vnsel vm8, $0x0, v59  }
0x2c2: {  	v2 =	vperm.xlane v2, v1;
	v3 =	vperm.xlane v3, v5  }
0x2c3: {  	vm9 =	vlt.s32 v58, $0x0  }
0x2c4: {  	v2 =	vsel vm9, v3, v2  }
0x2c5: {  	[tilespmem:s3+$0xFFFFFFE0] =	vst v2  }
0x2c6: {  	v3 =	vld [tilespmem:s29+$0xFFFFFFF0];
	_ =	sdelay $0x4  }
0x2c7: {  	v3 =	vand.u32 $0x10000, v3  }
0x2c8: {  	vm10 =	veq.s32 v3, $0x0  }
0x2c9: {  	v3 =	vnsel vm10, $0x7FFFFFFF, v0  }
0x2ca: {  	(xrf0) =	vmax.scan.msk.u32 $0xffff, v3;
	_ =	sdelay $0x4  }
0x2cb: {  	v3 =	vld [tilespmem:s0+$0xFFFFFFF0]  }
0x2cc: {  	v60, _, _ =	vpop (xrf0)  }
0x2cd: {  	v61 =	vxor.u32 $0x80000000, v60  }
0x2ce: {  	vm11 =	vgt.s32 v61, $0x0  }
0x2cf: {  	v5 =	vnsel vm11, $0x0, v61  }
0x2d0: {  	v2 =	vperm.xlane v2, v1;
	v3 =	vperm.xlane v3, v5  }
0x2d1: {  	vm12 =	vlt.s32 v60, $0x0  }
0x2d2: {  	v2 =	vsel vm12, v3, v2  }
0x2d3: {  	[tilespmem:s3+$0xFFFFFFF0] =	vst v2  }
0x2d4: {  	v3 =	vld [tilespmem:s29+$0x0];
	_ =	sdelay $0x4  }
0x2d5: {  	v3 =	vand.u32 $0x10000, v3  }
0x2d6: {  	vm13 =	veq.s32 v3, $0x0  }
0x2d7: {  	v3 =	vnsel vm13, $0x7FFFFFFF, v0  }
0x2d8: {  	(xrf0) =	vmax.scan.msk.u32 $0xffff, v3;
	_ =	sdelay $0x4  }
0x2d9: {  	v3 =	vld [tilespmem:s0+$0x0]  }
0x2da: {  	v62, _, _ =	vpop (xrf0)  }
0x2db: {  	v63 =	vxor.u32 $0x80000000, v62  }
0x2dc: {  	vm14 =	vgt.s32 v63, $0x0  }
0x2dd: {  	v5 =	vnsel vm14, $0x0, v63  }
0x2de: {  	v2 =	vperm.xlane v2, v1;
	v3 =	vperm.xlane v3, v5  }
0x2df: {  	vm15 =	vlt.s32 v62, $0x0  }
0x2e0: {  	s31 =	simm.s32 $0x40;
	v2 =	vsel vm15, v3, v2  }
0x2e1: {  	s15 =	simm.s32 $0x80;
	s16 =	sand.u32 $0x7C0, s31;
	s14 =	simm.s32 $0x4830;
	[tilespmem:s3+$0x0] =	vst v2;
	v2 =	vperm.xlane v2, v1  }
.LBB2_15:
0x2e2: {  	p1 =	sne.s32 s15, $0x7C0;
	v3 =	vld [tilespmem:s16+$0x4800];
	s0 =	sadd.s32 $0x40, s0  }
0x2e3: {  	v4 =	vld [tilespmem:s0+$0xFFFFFFD0];
	_ =	sdelay $0x3  }
0x2e4: {  	v3 =	vand.u32 $0x10000, v3  }
0x2e5: {  	vm0 =	veq.s32 v3, $0x0  }
0x2e6: {  	v3 =	vnsel vm0, $0x7FFFFFFF, v0  }
0x2e7: {  	(xrf0) =	vmax.scan.msk.u32 $0xffff, v3;
	_ =	sdelay $0x5  }
0x2e8: {  	v3, _, _ =	vpop (xrf0)  }
0x2e9: {  	v5 =	vxor.u32 $0x80000000, v3  }
0x2ea: {  	vm0 =	vgt.s32 v5, $0x0  }
0x2eb: {  	v5 =	vnsel vm0, $0x0, v5  }
0x2ec: {  	v4 =	vperm.xlane v4, v5  }
0x2ed: {  	vm0 =	vlt.s32 v3, $0x0  }
0x2ee: {  	s3 =	sadd.s32 $0x40, s3;
	v2 =	vsel vm0, v4, v2  }
0x2ef: {  	s14 =	sadd.s32 $0x40, s14;
	[tilespmem:s3+$0xFFFFFFD0] =	vst v2;
	v2 =	vperm.xlane v2, v1  }
0x2f0: {  	v3 =	vld [tilespmem:s14+$0xFFFFFFE0];
	_ =	sdelay $0x4  }
0x2f1: {  	v3 =	vand.u32 $0x10000, v3  }
0x2f2: {  	vm0 =	veq.s32 v3, $0x0  }
0x2f3: {  	v3 =	vnsel vm0, $0x7FFFFFFF, v0  }
0x2f4: {  	(xrf0) =	vmax.scan.msk.u32 $0xffff, v3;
	_ =	sdelay $0x4  }
0x2f5: {  	v3 =	vld [tilespmem:s0+$0xFFFFFFE0]  }
0x2f6: {  	v4, _, _ =	vpop (xrf0)  }
0x2f7: {  	v5 =	vxor.u32 $0x80000000, v4  }
0x2f8: {  	vm0 =	vgt.s32 v5, $0x0  }
0x2f9: {  	v5 =	vnsel vm0, $0x0, v5  }
0x2fa: {  	v3 =	vperm.xlane v3, v5  }
0x2fb: {  	vm0 =	vlt.s32 v4, $0x0  }
0x2fc: {  	v2 =	vsel vm0, v3, v2  }
0x2fd: {  	[tilespmem:s3+$0xFFFFFFE0] =	vst v2;
	v2 =	vperm.xlane v2, v1  }
0x2fe: {  	v3 =	vld [tilespmem:s14+$0xFFFFFFF0];
	_ =	sdelay $0x4  }
0x2ff: {  	v3 =	vand.u32 $0x10000, v3  }
0x300: {  	vm0 =	veq.s32 v3, $0x0  }
0x301: {  	v3 =	vnsel vm0, $0x7FFFFFFF, v0  }
0x302: {  	(xrf0) =	vmax.scan.msk.u32 $0xffff, v3;
	_ =	sdelay $0x4  }
0x303: {  	v3 =	vld [tilespmem:s0+$0xFFFFFFF0]  }
0x304: {  	v4, _, _ =	vpop (xrf0)  }
0x305: {  	v5 =	vxor.u32 $0x80000000, v4  }
0x306: {  	vm0 =	vgt.s32 v5, $0x0  }
0x307: {  	v5 =	vnsel vm0, $0x0, v5  }
0x308: {  	v3 =	vperm.xlane v3, v5  }
0x309: {  	vm0 =	vlt.s32 v4, $0x0  }
0x30a: {  	v2 =	vsel vm0, v3, v2  }
0x30b: {  	[tilespmem:s3+$0xFFFFFFF0] =	vst v2;
	v2 =	vperm.xlane v2, v1  }
0x30c: {  	v3 =	vld [tilespmem:s14+$0x0]  }
0x30d: {  	v4 =	vld [tilespmem:s0+$0x0];
	_ =	sdelay $0x3  }
0x30e: {  	v3 =	vand.u32 $0x10000, v3  }
0x30f: {  	vm0 =	veq.s32 v3, $0x0  }
0x310: {  	v3 =	vnsel vm0, $0x7FFFFFFF, v0  }
0x311: {  	(xrf0) =	vmax.scan.msk.u32 $0xffff, v3;
	_ =	sdelay $0x5  }
0x312: {  	v3, _, _ =	vpop (xrf0)  }
0x313: {  	v5 =	vxor.u32 $0x80000000, v3  }
0x314: {  	vm0 =	vgt.s32 v5, $0x0  }
.Ltmp6:
0x315: {  	v5 =	vnsel vm0, $0x0, v5;
	(pc) =	sbr.rel @p1 .LBB2_15-.Ltmp6, $4  }
0x316: {  	v4 =	vperm.xlane v4, v5  }
0x317: {  	vm0 =	vlt.s32 v3, $0x0  }
0x318: {  	v2 =	vsel vm0, v4, v2  }
0x319: {  	s16 =	sand.u32 $0x7C0, s15;
	s15 =	sadd.s32 $0x40, s15;
	[tilespmem:s3+$0x0] =	vst v2;
	v2 =	vperm.xlane v2, v1  }
0x31a: {  	v3 =	vld [tilespmem:s16+$0x4800];
	_ =	sdelay $0x4  }
0x31b: {  	v3 =	vand.u32 $0x10000, v3  }
0x31c: {  	vm0 =	veq.s32 v3, $0x0  }
0x31d: {  	v3 =	vnsel vm0, $0x7FFFFFFF, v0  }
0x31e: {  	(xrf0) =	vmax.scan.msk.u32 $0xffff, v3;
	_ =	sdelay $0x3  }
0x31f: {  	s0 =	sadd.s32 $0x40, s0  }
0x320: {  	v3 =	vld [tilespmem:s0+$0xFFFFFFD0]  }
0x321: {  	v4, _, _ =	vpop (xrf0)  }
0x322: {  	v5 =	vxor.u32 $0x80000000, v4  }
0x323: {  	vm5 =	vgt.s32 v5, $0x0  }
0x324: {  	v5 =	vnsel vm5, $0x0, v5  }
0x325: {  	v3 =	vperm.xlane v3, v5  }
0x326: {  	vm6 =	vlt.s32 v4, $0x0  }
0x327: {  	s3 =	sadd.s32 $0x40, s3;
	v2 =	vsel vm6, v3, v2  }
0x328: {  	s14 =	sadd.s32 $0x40, s14;
	[tilespmem:s3+$0xFFFFFFD0] =	vst v2  }
0x329: {  	v3 =	vld [tilespmem:s14+$0xFFFFFFE0];
	_ =	sdelay $0x4  }
0x32a: {  	v3 =	vand.u32 $0x10000, v3  }
0x32b: {  	vm7 =	veq.s32 v3, $0x0  }
0x32c: {  	v3 =	vnsel vm7, $0x7FFFFFFF, v0  }
0x32d: {  	(xrf0) =	vmax.scan.msk.u32 $0xffff, v3;
	_ =	sdelay $0x4  }
0x32e: {  	v3 =	vld [tilespmem:s0+$0xFFFFFFE0]  }
0x32f: {  	v50, _, _ =	vpop (xrf0)  }
0x330: {  	v51 =	vxor.u32 $0x80000000, v50  }
0x331: {  	vm8 =	vgt.s32 v51, $0x0  }
0x332: {  	v5 =	vnsel vm8, $0x0, v51  }
0x333: {  	v2 =	vperm.xlane v2, v1;
	v3 =	vperm.xlane v3, v5  }
0x334: {  	vm9 =	vlt.s32 v50, $0x0  }
0x335: {  	v2 =	vsel vm9, v3, v2  }
0x336: {  	[tilespmem:s3+$0xFFFFFFE0] =	vst v2  }
0x337: {  	v3 =	vld [tilespmem:s14+$0xFFFFFFF0];
	_ =	sdelay $0x4  }
0x338: {  	v3 =	vand.u32 $0x10000, v3  }
0x339: {  	vm10 =	veq.s32 v3, $0x0  }
0x33a: {  	v3 =	vnsel vm10, $0x7FFFFFFF, v0  }
0x33b: {  	(xrf0) =	vmax.scan.msk.u32 $0xffff, v3;
	_ =	sdelay $0x4  }
0x33c: {  	v3 =	vld [tilespmem:s0+$0xFFFFFFF0]  }
0x33d: {  	v52, _, _ =	vpop (xrf0)  }
0x33e: {  	v53 =	vxor.u32 $0x80000000, v52  }
0x33f: {  	vm11 =	vgt.s32 v53, $0x0  }
0x340: {  	v5 =	vnsel vm11, $0x0, v53  }
0x341: {  	v2 =	vperm.xlane v2, v1;
	v3 =	vperm.xlane v3, v5  }
0x342: {  	vm12 =	vlt.s32 v52, $0x0  }
0x343: {  	v2 =	vsel vm12, v3, v2  }
0x344: {  	[tilespmem:s3+$0xFFFFFFF0] =	vst v2  }
0x345: {  	v3 =	vld [tilespmem:s14+$0x0];
	_ =	sdelay $0x4  }
0x346: {  	v3 =	vand.u32 $0x10000, v3  }
0x347: {  	vm13 =	veq.s32 v3, $0x0  }
0x348: {  	v3 =	vnsel vm13, $0x7FFFFFFF, v0  }
0x349: {  	(xrf0) =	vmax.scan.msk.u32 $0xffff, v3;
	_ =	sdelay $0x4  }
0x34a: {  	v3 =	vld [tilespmem:s0+$0x0]  }
0x34b: {  	v54, _, _ =	vpop (xrf0)  }
0x34c: {  	v55 =	vxor.u32 $0x80000000, v54  }
0x34d: {  	vm14 =	vgt.s32 v55, $0x0  }
0x34e: {  	v5 =	vnsel vm14, $0x0, v55  }
0x34f: {  	v2 =	vperm.xlane v2, v1;
	v3 =	vperm.xlane v3, v5  }
0x350: {  	vm15 =	vlt.s32 v54, $0x0  }
0x351: {  	v2 =	vsel vm15, v3, v2  }
0x352: {  	[tilespmem:s3+$0x0] =	vst v2  }
0x353: {  	v3 =	vld [tilespmem:s30+$0x4800];
	_ =	sdelay $0x4  }
0x354: {  	v3 =	vand.u32 $0x1000000, v3  }
0x355: {  	vm4 =	veq.s32 v3, $0x0  }
0x356: {  	v3 =	vnsel vm4, $0x7FFFFFFF, v0  }
0x357: {  	(xrf0) =	vmax.scan.msk.u32 $0xffff, v3;
	_ =	sdelay $0x3  }
0x358: {  	s0 =	simm.s32 $0x3830  }
0x359: {  	v3 =	vld [tilespmem:s0+$0xFFFFFFD0]  }
0x35a: {  	v56, _, _ =	vpop (xrf0)  }
0x35b: {  	v57 =	vxor.u32 $0x80000000, v56  }
0x35c: {  	vm5 =	vgt.s32 v57, $0x0  }
0x35d: {  	v5 =	vnsel vm5, $0x0, v57  }
0x35e: {  	v2 =	vperm.xlane v2, v1;
	v3 =	vperm.xlane v3, v5  }
0x35f: {  	vm6 =	vlt.s32 v56, $0x0  }
0x360: {  	s3 =	simm.s32 $0x8830;
	v2 =	vsel vm6, v3, v2  }
0x361: {  	[tilespmem:s3+$0xFFFFFFD0] =	vst v2  }
0x362: {  	v3 =	vld [tilespmem:s29+$0xFFFFFFE0];
	_ =	sdelay $0x4  }
0x363: {  	v3 =	vand.u32 $0x1000000, v3  }
0x364: {  	vm7 =	veq.s32 v3, $0x0  }
0x365: {  	v3 =	vnsel vm7, $0x7FFFFFFF, v0  }
0x366: {  	(xrf0) =	vmax.scan.msk.u32 $0xffff, v3;
	_ =	sdelay $0x4  }
0x367: {  	v3 =	vld [tilespmem:s0+$0xFFFFFFE0]  }
0x368: {  	v58, _, _ =	vpop (xrf0)  }
0x369: {  	v59 =	vxor.u32 $0x80000000, v58  }
0x36a: {  	vm8 =	vgt.s32 v59, $0x0  }
0x36b: {  	v5 =	vnsel vm8, $0x0, v59  }
0x36c: {  	v2 =	vperm.xlane v2, v1;
	v3 =	vperm.xlane v3, v5  }
0x36d: {  	vm9 =	vlt.s32 v58, $0x0  }
0x36e: {  	v2 =	vsel vm9, v3, v2  }
0x36f: {  	[tilespmem:s3+$0xFFFFFFE0] =	vst v2  }
0x370: {  	v3 =	vld [tilespmem:s29+$0xFFFFFFF0];
	_ =	sdelay $0x4  }
0x371: {  	v3 =	vand.u32 $0x1000000, v3  }
0x372: {  	vm10 =	veq.s32 v3, $0x0  }
0x373: {  	v3 =	vnsel vm10, $0x7FFFFFFF, v0  }
0x374: {  	(xrf0) =	vmax.scan.msk.u32 $0xffff, v3;
	_ =	sdelay $0x4  }
0x375: {  	v3 =	vld [tilespmem:s0+$0xFFFFFFF0]  }
0x376: {  	v60, _, _ =	vpop (xrf0)  }
0x377: {  	v61 =	vxor.u32 $0x80000000, v60  }
0x378: {  	vm11 =	vgt.s32 v61, $0x0  }
0x379: {  	v5 =	vnsel vm11, $0x0, v61  }
0x37a: {  	v2 =	vperm.xlane v2, v1;
	v3 =	vperm.xlane v3, v5  }
0x37b: {  	vm12 =	vlt.s32 v60, $0x0  }
0x37c: {  	v2 =	vsel vm12, v3, v2  }
0x37d: {  	[tilespmem:s3+$0xFFFFFFF0] =	vst v2  }
0x37e: {  	v3 =	vld [tilespmem:s29+$0x0];
	_ =	sdelay $0x4  }
0x37f: {  	v3 =	vand.u32 $0x1000000, v3  }
0x380: {  	vm13 =	veq.s32 v3, $0x0  }
0x381: {  	v3 =	vnsel vm13, $0x7FFFFFFF, v0  }
0x382: {  	(xrf0) =	vmax.scan.msk.u32 $0xffff, v3;
	_ =	sdelay $0x4  }
0x383: {  	v3 =	vld [tilespmem:s0+$0x0]  }
0x384: {  	v62, _, _ =	vpop (xrf0)  }
0x385: {  	v63 =	vxor.u32 $0x80000000, v62  }
0x386: {  	vm14 =	vgt.s32 v63, $0x0  }
0x387: {  	v5 =	vnsel vm14, $0x0, v63  }
0x388: {  	v2 =	vperm.xlane v2, v1;
	v3 =	vperm.xlane v3, v5  }
0x389: {  	vm15 =	vlt.s32 v62, $0x0  }
0x38a: {  	v2 =	vsel vm15, v3, v2  }
0x38b: {  	s15 =	sand.u32 $0x7C0, s31;
	s14 =	simm.s32 $0x80;
	[tilespmem:s3+$0x0] =	vst v2;
	v2 =	vperm.xlane v2, v1  }
.LBB2_17:
0x38c: {  	p1 =	sne.s32 s14, $0x7C0;
	v3 =	vld [tilespmem:s15+$0x4800];
	s0 =	sadd.s32 $0x40, s0  }
0x38d: {  	v4 =	vld [tilespmem:s0+$0xFFFFFFD0];
	_ =	sdelay $0x3  }
0x38e: {  	v3 =	vand.u32 $0x1000000, v3  }
0x38f: {  	vm0 =	veq.s32 v3, $0x0  }
0x390: {  	v3 =	vnsel vm0, $0x7FFFFFFF, v0  }
0x391: {  	(xrf0) =	vmax.scan.msk.u32 $0xffff, v3;
	_ =	sdelay $0x5  }
0x392: {  	v3, _, _ =	vpop (xrf0)  }
0x393: {  	v5 =	vxor.u32 $0x80000000, v3  }
0x394: {  	vm0 =	vgt.s32 v5, $0x0  }
0x395: {  	v5 =	vnsel vm0, $0x0, v5  }
0x396: {  	v4 =	vperm.xlane v4, v5  }
0x397: {  	vm0 =	vlt.s32 v3, $0x0  }
0x398: {  	s3 =	sadd.s32 $0x40, s3;
	v2 =	vsel vm0, v4, v2  }
0x399: {  	s29 =	sadd.s32 $0x40, s29;
	[tilespmem:s3+$0xFFFFFFD0] =	vst v2;
	v2 =	vperm.xlane v2, v1  }
0x39a: {  	v3 =	vld [tilespmem:s29+$0xFFFFFFE0];
	_ =	sdelay $0x4  }
0x39b: {  	v3 =	vand.u32 $0x1000000, v3  }
0x39c: {  	vm0 =	veq.s32 v3, $0x0  }
0x39d: {  	v3 =	vnsel vm0, $0x7FFFFFFF, v0  }
0x39e: {  	(xrf0) =	vmax.scan.msk.u32 $0xffff, v3;
	_ =	sdelay $0x4  }
0x39f: {  	v3 =	vld [tilespmem:s0+$0xFFFFFFE0]  }
0x3a0: {  	v4, _, _ =	vpop (xrf0)  }
0x3a1: {  	v5 =	vxor.u32 $0x80000000, v4  }
0x3a2: {  	vm0 =	vgt.s32 v5, $0x0  }
0x3a3: {  	v5 =	vnsel vm0, $0x0, v5  }
0x3a4: {  	v3 =	vperm.xlane v3, v5  }
0x3a5: {  	vm0 =	vlt.s32 v4, $0x0  }
0x3a6: {  	v2 =	vsel vm0, v3, v2  }
0x3a7: {  	[tilespmem:s3+$0xFFFFFFE0] =	vst v2;
	v2 =	vperm.xlane v2, v1  }
0x3a8: {  	v3 =	vld [tilespmem:s29+$0xFFFFFFF0];
	_ =	sdelay $0x4  }
0x3a9: {  	v3 =	vand.u32 $0x1000000, v3  }
0x3aa: {  	vm0 =	veq.s32 v3, $0x0  }
0x3ab: {  	v3 =	vnsel vm0, $0x7FFFFFFF, v0  }
0x3ac: {  	(xrf0) =	vmax.scan.msk.u32 $0xffff, v3;
	_ =	sdelay $0x4  }
0x3ad: {  	v3 =	vld [tilespmem:s0+$0xFFFFFFF0]  }
0x3ae: {  	v4, _, _ =	vpop (xrf0)  }
0x3af: {  	v5 =	vxor.u32 $0x80000000, v4  }
0x3b0: {  	vm0 =	vgt.s32 v5, $0x0  }
0x3b1: {  	v5 =	vnsel vm0, $0x0, v5  }
0x3b2: {  	v3 =	vperm.xlane v3, v5  }
0x3b3: {  	vm0 =	vlt.s32 v4, $0x0  }
0x3b4: {  	v2 =	vsel vm0, v3, v2  }
0x3b5: {  	[tilespmem:s3+$0xFFFFFFF0] =	vst v2;
	v2 =	vperm.xlane v2, v1  }
0x3b6: {  	v3 =	vld [tilespmem:s29+$0x0]  }
0x3b7: {  	v4 =	vld [tilespmem:s0+$0x0];
	_ =	sdelay $0x3  }
0x3b8: {  	v3 =	vand.u32 $0x1000000, v3  }
0x3b9: {  	vm0 =	veq.s32 v3, $0x0  }
0x3ba: {  	v3 =	vnsel vm0, $0x7FFFFFFF, v0  }
0x3bb: {  	(xrf0) =	vmax.scan.msk.u32 $0xffff, v3;
	_ =	sdelay $0x5  }
0x3bc: {  	v3, _, _ =	vpop (xrf0)  }
0x3bd: {  	v5 =	vxor.u32 $0x80000000, v3  }
0x3be: {  	vm0 =	vgt.s32 v5, $0x0  }
.Ltmp7:
0x3bf: {  	v5 =	vnsel vm0, $0x0, v5;
	(pc) =	sbr.rel @p1 .LBB2_17-.Ltmp7, $4  }
0x3c0: {  	v4 =	vperm.xlane v4, v5  }
0x3c1: {  	vm0 =	vlt.s32 v3, $0x0  }
0x3c2: {  	v2 =	vsel vm0, v4, v2  }
0x3c3: {  	s15 =	sand.u32 $0x7C0, s14;
	s14 =	sadd.s32 $0x40, s14;
	[tilespmem:s3+$0x0] =	vst v2;
	v2 =	vperm.xlane v2, v1  }
0x3c4: {  	v3 =	vld [tilespmem:s15+$0x4800];
	_ =	sdelay $0x4  }
0x3c5: {  	v3 =	vand.u32 $0x1000000, v3  }
0x3c6: {  	vm0 =	veq.s32 v3, $0x0  }
0x3c7: {  	v3 =	vnsel vm0, $0x7FFFFFFF, v0  }
0x3c8: {  	(xrf0) =	vmax.scan.msk.u32 $0xffff, v3;
	_ =	sdelay $0x3  }
0x3c9: {  	s0 =	sadd.s32 $0x40, s0  }
0x3ca: {  	v3 =	vld [tilespmem:s0+$0xFFFFFFD0]  }
0x3cb: {  	v4, _, _ =	vpop (xrf0)  }
0x3cc: {  	v5 =	vxor.u32 $0x80000000, v4  }
0x3cd: {  	vm5 =	vgt.s32 v5, $0x0  }
0x3ce: {  	v5 =	vnsel vm5, $0x0, v5  }
0x3cf: {  	v3 =	vperm.xlane v3, v5  }
0x3d0: {  	vm6 =	vlt.s32 v4, $0x0  }
0x3d1: {  	s3 =	sadd.s32 $0x40, s3;
	v2 =	vsel vm6, v3, v2  }
0x3d2: {  	s14 =	sadd.s32 $0x40, s29;
	[tilespmem:s3+$0xFFFFFFD0] =	vst v2  }
0x3d3: {  	v3 =	vld [tilespmem:s14+$0xFFFFFFE0];
	_ =	sdelay $0x4  }
0x3d4: {  	v3 =	vand.u32 $0x1000000, v3  }
0x3d5: {  	vm7 =	veq.s32 v3, $0x0  }
0x3d6: {  	v3 =	vnsel vm7, $0x7FFFFFFF, v0  }
0x3d7: {  	(xrf0) =	vmax.scan.msk.u32 $0xffff, v3;
	_ =	sdelay $0x4  }
0x3d8: {  	v3 =	vld [tilespmem:s0+$0xFFFFFFE0]  }
0x3d9: {  	v58, _, _ =	vpop (xrf0)  }
0x3da: {  	v59 =	vxor.u32 $0x80000000, v58  }
0x3db: {  	vm8 =	vgt.s32 v59, $0x0  }
0x3dc: {  	v5 =	vnsel vm8, $0x0, v59  }
0x3dd: {  	v2 =	vperm.xlane v2, v1;
	v3 =	vperm.xlane v3, v5  }
0x3de: {  	vm9 =	vlt.s32 v58, $0x0  }
0x3df: {  	v2 =	vsel vm9, v3, v2  }
0x3e0: {  	[tilespmem:s3+$0xFFFFFFE0] =	vst v2  }
0x3e1: {  	v3 =	vld [tilespmem:s14+$0xFFFFFFF0];
	_ =	sdelay $0x4  }
0x3e2: {  	v3 =	vand.u32 $0x1000000, v3  }
0x3e3: {  	vm10 =	veq.s32 v3, $0x0  }
0x3e4: {  	v3 =	vnsel vm10, $0x7FFFFFFF, v0  }
0x3e5: {  	(xrf0) =	vmax.scan.msk.u32 $0xffff, v3;
	_ =	sdelay $0x4  }
0x3e6: {  	v3 =	vld [tilespmem:s0+$0xFFFFFFF0]  }
0x3e7: {  	v60, _, _ =	vpop (xrf0)  }
0x3e8: {  	v61 =	vxor.u32 $0x80000000, v60  }
0x3e9: {  	vm11 =	vgt.s32 v61, $0x0  }
0x3ea: {  	v5 =	vnsel vm11, $0x0, v61  }
0x3eb: {  	v2 =	vperm.xlane v2, v1;
	v3 =	vperm.xlane v3, v5  }
0x3ec: {  	vm12 =	vlt.s32 v60, $0x0  }
0x3ed: {  	v2 =	vsel vm12, v3, v2  }
0x3ee: {  	[tilespmem:s3+$0xFFFFFFF0] =	vst v2  }
0x3ef: {  	v3 =	vld [tilespmem:s14+$0x0];
	_ =	sdelay $0x4  }
0x3f0: {  	v3 =	vand.u32 $0x1000000, v3  }
0x3f1: {  	vm13 =	veq.s32 v3, $0x0  }
0x3f2: {  	v3 =	vnsel vm13, $0x7FFFFFFF, v0  }
0x3f3: {  	(xrf0) =	vmax.scan.msk.u32 $0xffff, v3;
	_ =	sdelay $0x4  }
0x3f4: {  	v3 =	vld [tilespmem:s0+$0x0]  }
0x3f5: {  	v62, _, _ =	vpop (xrf0)  }
0x3f6: {  	v63 =	vxor.u32 $0x80000000, v62  }
0x3f7: {  	vm14 =	vgt.s32 v63, $0x0  }
0x3f8: {  	v5 =	vnsel vm14, $0x0, v63  }
0x3f9: {  	v2 =	vperm.xlane v2, v1;
	v3 =	vperm.xlane v3, v5  }
0x3fa: {  	s31 =	sadd.s32 s26, s2;
	vm15 =	vlt.s32 v62, $0x0  }
0x3fb: {  	s0 =	sadd.s32 s28, s31;
	v2 =	vsel vm15, v3, v2  }
0x3fc: {  	s0 =	sadd.s32 $0x10, s0;
	[tilespmem:s3+$0x0] =	vst v2  }
0x3fd: {  	[hbm4b:s0+s12] =	stream.strided.scatter [tilespmem:s20], [sflag:$0x4], $0x2000, s13, s12, $0x38;
	[tilespmem:$0x9000] =	vst v63  }
0x3fe: {  	s0 =	sadd.s32 @!p0 $0x3, s24  }
0x3ff: {  	s3 =	sshrl.u32 @!p0 s0, $0x3;
	s0 =	sshll.u32 @!p0 s0, $0x7  }
0x400: {  	s14 =	sshll.u32 @!p0 s3, $0x10;
	s0 =	sand.u32 @!p0 $0x380, s0  }
0x401: {  	s15 =	simm.s32 @!p0 $0x80;
	s3 =	sshll.u32 @!p0 s3, $0xE;
	s14 =	sor.u32 @!p0 s0, s14  }
0x402: {  	s16 =	simm.s32 @!p0 $0x400;
	s0 =	sor.u32 @!p0 s0, s3;
	s14 =	sshrl.u32 @!p0 s14, $0x3  }
0x403: {  	s24 =	simm.s32 @!p0 $0x2000;
	s0 =	sshrl.u32 @!p0 s0, $0x3;
	s14 =	sadd.s32 @!p0 s1, s14  }
0x404: {  	[tilespmem:s24], [sflag:$0x2] =	stream.strided.gather @!p0 [hbm4b:s14+s15], $0x2000, s16, s15, $0x38;
	[tilespmem:$0x9000] =	vst v63  }
0x405: {  	p1 =	sne.s32 @!p0 s25, $0x10;
	s3 =	simm.s32 @!p0 $0x4800;
	s0 =	sadd.s32 @!p0 s5, s0  }
0x406: {  	[tilespmem:s3], [sflag:$0x2] =	stream.strided.gather @!p0 [hbm4b:s0+s15], $0x800, s16, s15, $0x38;
	[tilespmem:$0x9000] =	vst v63  }
0x407: {  	p0 =	por p0, !p1  }
.Ltmp8:
0x408: {  	_ = 	snop;
	(pc) =	sbr.rel @!p0 .LBB2_2-.Ltmp8, $1  }
0x409: {  	_ =	sdelay $0x3  }
0x40a: {  	s23 =	sadd.s32 $0x1, s23  }
0x40b: {  	_ =	swait.ge [sflag:s21], $0x2000;
	p0 =	sne.s32 s23, s11  }
.Ltmp9:
0x40c: {  	[sflag:s21] =	ssyncset.done $0x0;
	(pc) =	sbr.rel @p0 .LBB2_1-.Ltmp9, $4  }
0x40d: {  	[sflag:s21] =	ssyncadd.s32 $0xFFFFE000  }
0x40e: {  	_ =	swait.ge [sflag:s22], $0x2000  }
0x40f: {  	[sflag:s22] =	ssyncset.done $0x0  }
0x410: {  	[sflag:s22] =	ssyncadd.s32 $0xFFFFE000  }
0x411: {  	_ =	sfence.sel $0x180000  }
0x412: {  	[bflag:$0x0] =	sbarrier.arrive $0xFFFF  }
0x413: {  	_ =	strace $0x90000047  }
0x414: {  	s0 =	stileid.u32;
	[bflag:$0x2] =	sbarrier.arrive $0xFFFF  }
0x415: {  	p0 =	sne.s32 s0, $0x0;
	s0 =	rddreg [dreg:$0x3]  }
0x416: {  	s0 =	sadd.s32 @!p0 $0x100000, s0  }
0x417: {  	[sflag:s0] =	ssyncadd.tile.s32 @!p0 $0x1;
	_ =	shalt  }
.Lfunc_end2:
_tile_overlayer_lowered:
.L_overlay_start_2:
0x418: {  	(tag) =	ssettag $0x2  }
0x419: {  	s0 =	rddreg [dreg:$0x0];
	s2 =	stileid.u32  }
0x41a: {  	s1 =	rddreg [dreg:$0x1];
	p0 =	sne.s32 s2, $0x0  }
0x41b: {  	s3 =	rddreg [dreg:$0x2];
	[bflag:$0x3] =	sbarrier.arrive $0xFFFF;
	s2 =	simm.s32 @!p0 $0x1C05  }
0x41c: {  	[timem:s3], [sflag:s2] =	dma.local @!p0 [hbm:s0], s1  }
0x41d: {  	s0 =	simm.s32 @!p0 $0x5  }
0x41e: {  	_ =	swait.ge @!p0 [sflag:s0], s1  }
0x41f: {  	s1 =	ssub.s32 @!p0 $0x0, s1;
	[sflag:s0] =	ssyncset.done @!p0 $0x0  }
0x420: {  	[sflag:s0] =	ssyncadd.s32 @!p0 s1  }
0x421: {  	[bflag:$0x3] =	sbarrier.arrive $0xFFFF  }
0x422: {  	_ =	shalt  }

</sc_bundles>
